<compile_context>
chip_gen: v7x
topology: tpu7x:2x2x1
jax: 0.10.2.dev20260603
libtpu: 0.0.44.dev20260713+nightly
codegen_flags: <defaults>
</compile_context>

<pallas_src>
import functools

import jax
import jax.numpy as jnp
from jax import lax
from jax.experimental import pallas as pl
from jax.experimental.pallas import tpu as pltpu
from jax.experimental.pallas import tpu_sc as plsc

_N = 100000
_HIDDEN = 128
_NUM_EMB = 28
_LANES = 16
_NUM_WORKERS = 32
_ROWS_PER_WORKER = 3136
_CHUNK = 112
_NUM_CHUNKS = _ROWS_PER_WORKER // _CHUNK
_LAST_BASE = _N - _ROWS_PER_WORKER
_NBUF = 4
_GROUPS = _CHUNK // _LANES


@functools.partial(
    pl.kernel,
    out_type=jax.ShapeDtypeStruct((_N, _HIDDEN), jnp.float32),
    mesh=plsc.VectorSubcoreMesh(core_axis_name="c", subcore_axis_name="s"),
    compiler_params=pltpu.CompilerParams(needs_layout_passes=False),
    scratch_types=[
        pltpu.VMEM((_NUM_EMB * _HIDDEN,), jnp.float32),
        pltpu.VMEM((_ROWS_PER_WORKER,), jnp.int32),
        pltpu.VMEM((_NBUF * _CHUNK, _HIDDEN), jnp.float32),
    ]
    + [pltpu.SemaphoreType.DMA] * _NBUF,
)
def _gather_rows(x_hbm, w_hbm, out_hbm, table_v, idx_v, rows_v, *wsem):
    wid = lax.axis_index("s") * 2 + lax.axis_index("c")
    base = lax.min(wid * _ROWS_PER_WORKER, _LAST_BASE)
    base = pl.multiple_of(base, 8)
    _st = pltpu.async_copy(w_hbm, table_v, wsem[0])
    _si = pltpu.async_copy(x_hbm.at[pl.ds(base, _ROWS_PER_WORKER)], idx_v, wsem[1])
    _st.wait()
    _si.wait()

    col = [jax.lax.iota(jnp.int32, _LANES) + c * _LANES
           for c in range(_HIDDEN // _LANES)]
    _dnums = lax.GatherDimensionNumbers(
        offset_dims=(), collapsed_slice_dims=(0,), start_index_map=(0,))

    def _broadcast_lane(xv, l):
        lane_idx = jnp.broadcast_to(l, (_LANES, 1)).astype(jnp.int32)
        return lax.gather(
            xv, lane_idx, dimension_numbers=_dnums, slice_sizes=(1,),
            mode=lax.GatherScatterMode.PROMISE_IN_BOUNDS)

    def build_chunk(j, b):
        @plsc.parallel_loop(0, _CHUNK)
        def row(i):
            xv = idx_v[pl.ds(j * _CHUNK + (i & ~(_LANES - 1)), _LANES)]
            row_base = _broadcast_lane(xv * _HIDDEN, i & (_LANES - 1))
            grp = rows_v.at[b * _CHUNK + i]
            for c in range(_HIDDEN // _LANES):
                grp[pl.ds(c * _LANES, _LANES)] = plsc.load_gather(
                    table_v, [row_base + col[c]]
                )

    def write_chunk(j, b, sem):
        start = pl.multiple_of(j * _CHUNK, 8)
        return pltpu.async_copy(
            rows_v.at[pl.ds(b * _CHUNK, _CHUNK)],
            out_hbm.at[pl.ds(base + start, _CHUNK)],
            sem,
        )

    for b in range(_NBUF):
        build_chunk(b, b)
        write_chunk(b, b, wsem[b])

    def drain_write(b):
        pltpu.make_async_copy(
            rows_v.at[pl.ds(b * _CHUNK, _CHUNK)],
            out_hbm.at[pl.ds(base, _CHUNK)],
            wsem[b],
        ).wait()

    def body(k, carry):
        j = k * _NBUF
        for b in range(_NBUF):
            drain_write(b)
            build_chunk(j + b, b)
            write_chunk(j + b, b, wsem[b])
        return carry

    lax.fori_loop(1, _NUM_CHUNKS // _NBUF, body, 0)
    for b in range(_NBUF):
        drain_write(b)


def kernel(x, W):
    xf = jnp.squeeze(x, axis=1).astype(jnp.int32)
    return _gather_rows(xf, W.reshape(-1))

# --- scband reference (transcript-rebuilt; emitter-appended) ---
"""Pipeline reference for scband-zincatom-encoder-28269474743133 (READ-ONLY COPY).

The authoritative reference and input builder live on the scoring server;
editing this copy changes nothing except your own understanding.
"""

import jax, jax.numpy as jnp
import numpy as np

HIDDEN = 128
NUM_EMB = 28
N = 100000

def _xavier_uniform(key, shape):
    fan_in, fan_out = shape[1], shape[0]
    a = float(np.sqrt(6.0 / (fan_in + fan_out)))
    return jax.random.uniform(key, shape, dtype=jnp.float32, minval=-a, maxval=a)

def setup_inputs(seed: int = 0) -> dict:
    key = jax.random.key(seed)
    k_x, k_w = jax.random.split(key)
    x = jax.random.randint(k_x, (N, 1), 0, NUM_EMB, dtype=jnp.int64)
    W = _xavier_uniform(k_w, (NUM_EMB, HIDDEN))
    return {"x": x, "W": W}

def reference(x, W):
    x = jnp.squeeze(x, axis=1)
    masked = x == -1
    x_safe = jnp.where(masked, 0, x)
    out = jnp.take(W, x_safe, axis=0)
    out = jnp.where(masked[:, None], out * 0.0, out)
    return out

if __name__ == "__main__":
    import jax
    _d = setup_inputs()
    print(jax.jit(kernel)(*tuple(_d.values())))

</pallas_src>

<mosaic_0001>
#map = affine_map<(d0, d1) -> (0)>
#map1 = affine_map<(d0, d1) -> (0, 0)>
module attributes {stable_mosaic.version = 14 : i64} {
  func.func @_gather_rows(%arg0: i32, %arg1: i32, %arg2: memref<100000xi32, #tpu.memory_space<hbm>>, %arg3: memref<3584xf32, #tpu.memory_space<hbm>>, %arg4: memref<100000x128xf32, #tpu.memory_space<hbm>>, %arg5: memref<3584xf32, #tpu.memory_space<vmem>>, %arg6: memref<3136xi32, #tpu.memory_space<vmem>>, %arg7: memref<448x128xf32, #tpu.memory_space<vmem>>, %arg8: memref<!tpu.dma_semaphore, #tpu.memory_space<semaphore_mem>>, %arg9: memref<!tpu.dma_semaphore, #tpu.memory_space<semaphore_mem>>, %arg10: memref<!tpu.dma_semaphore, #tpu.memory_space<semaphore_mem>>, %arg11: memref<!tpu.dma_semaphore, #tpu.memory_space<semaphore_mem>>) attributes {dimension_semantics = [#tpu.dimension_semantics<core_parallel>, #tpu.dimension_semantics<subcore_parallel>], iteration_bounds = array<i64: 2, 16>, scalar_prefetch = 0 : i64, scratch_operands = 7 : i64, tpu.core_type = #tpu.core_type<sc_vector_subcore>, window_params = [{transform_indices = #map}, {transform_indices = #map}, {transform_indices = #map1}]} {
    %mul3A = arith.constant 2 : i32
    %mul3A_0 = arith.muli %arg1, %mul3A : i32
    %add3A = arith.addi %mul3A_0, %arg0 : i32
    %mul3A_1 = arith.constant 3136 : i32
    %mul3A_2 = arith.muli %add3A, %mul3A_1 : i32
    %min3A = arith.constant 96864 : i32
    %min3A_3 = arith.minsi %mul3A_2, %min3A : i32
    %multiple_of3A = tpu.assume_multiple %min3A_3, 8 : i32
    tpu.enqueue_dma source(%arg3 : memref<3584xf32, #tpu.memory_space<hbm>>) target(%arg5 : memref<3584xf32, #tpu.memory_space<vmem>>) target_semaphore(%arg8 : memref<!tpu.dma_semaphore, #tpu.memory_space<semaphore_mem>>)
    %dma_start3A = tpu.memref_slice %arg2[%multiple_of3A] : memref<100000xi32, #tpu.memory_space<hbm>> -> memref<3136xi32, #tpu.memory_space<hbm>>
    %dma_start3A_4 = tpu.memref_slice %arg2[%multiple_of3A] : memref<100000xi32, #tpu.memory_space<hbm>> -> memref<3136xi32, #tpu.memory_space<hbm>>
    tpu.enqueue_dma source(%dma_start3A_4 : memref<3136xi32, #tpu.memory_space<hbm>>) target(%arg6 : memref<3136xi32, #tpu.memory_space<vmem>>) target_semaphore(%arg9 : memref<!tpu.dma_semaphore, #tpu.memory_space<semaphore_mem>>)
    tpu.wait_dma2 semaphore(%arg8 : memref<!tpu.dma_semaphore, #tpu.memory_space<semaphore_mem>>) src(%arg3 : memref<3584xf32, #tpu.memory_space<hbm>>) dst(%arg5 : memref<3584xf32, #tpu.memory_space<vmem>>)
    %dma_wait3A = tpu.memref_slice %arg2[%multiple_of3A] : memref<100000xi32, #tpu.memory_space<hbm>> -> memref<3136xi32, #tpu.memory_space<hbm>>
    %dma_wait3A_5 = tpu.memref_slice %arg2[%multiple_of3A] : memref<100000xi32, #tpu.memory_space<hbm>> -> memref<3136xi32, #tpu.memory_space<hbm>>
    tpu.wait_dma2 semaphore(%arg9 : memref<!tpu.dma_semaphore, #tpu.memory_space<semaphore_mem>>) src(%dma_wait3A_5 : memref<3136xi32, #tpu.memory_space<hbm>>) dst(%arg6 : memref<3136xi32, #tpu.memory_space<vmem>>)
    %iota3A = tpu.iota {dimensions = array<i32: 0>} : vector<16xi32>
    %add3A_6 = arith.constant 0 : i32
    %add3A_7 = vector.broadcast %add3A_6 : i32 to vector<16xi32>
    %add3A_8 = arith.addi %iota3A, %add3A_7 : vector<16xi32>
    %iota3A_9 = tpu.iota {dimensions = array<i32: 0>} : vector<16xi32>
    %add3A_10 = arith.constant 16 : i32
    %add3A_11 = vector.broadcast %add3A_10 : i32 to vector<16xi32>
    %add3A_12 = arith.addi %iota3A_9, %add3A_11 : vector<16xi32>
    %iota3A_13 = tpu.iota {dimensions = array<i32: 0>} : vector<16xi32>
    %add3A_14 = arith.constant 32 : i32
    %add3A_15 = vector.broadcast %add3A_14 : i32 to vector<16xi32>
    %add3A_16 = arith.addi %iota3A_13, %add3A_15 : vector<16xi32>
    %iota3A_17 = tpu.iota {dimensions = array<i32: 0>} : vector<16xi32>
    %add3A_18 = arith.constant 48 : i32
    %add3A_19 = vector.broadcast %add3A_18 : i32 to vector<16xi32>
    %add3A_20 = arith.addi %iota3A_17, %add3A_19 : vector<16xi32>
    %iota3A_21 = tpu.iota {dimensions = array<i32: 0>} : vector<16xi32>
    %add3A_22 = arith.constant 64 : i32
    %add3A_23 = vector.broadcast %add3A_22 : i32 to vector<16xi32>
    %add3A_24 = arith.addi %iota3A_21, %add3A_23 : vector<16xi32>
    %iota3A_25 = tpu.iota {dimensions = array<i32: 0>} : vector<16xi32>
    %add3A_26 = arith.constant 80 : i32
    %add3A_27 = vector.broadcast %add3A_26 : i32 to vector<16xi32>
    %add3A_28 = arith.addi %iota3A_25, %add3A_27 : vector<16xi32>
    %iota3A_29 = tpu.iota {dimensions = array<i32: 0>} : vector<16xi32>
    %add3A_30 = arith.constant 96 : i32
    %add3A_31 = vector.broadcast %add3A_30 : i32 to vector<16xi32>
    %add3A_32 = arith.addi %iota3A_29, %add3A_31 : vector<16xi32>
    %iota3A_33 = tpu.iota {dimensions = array<i32: 0>} : vector<16xi32>
    %add3A_34 = arith.constant 112 : i32
    %add3A_35 = vector.broadcast %add3A_34 : i32 to vector<16xi32>
    %add3A_36 = arith.addi %iota3A_33, %add3A_35 : vector<16xi32>
    %parallel_loop3A = arith.constant 0 : i32
    %parallel_loop3A_37 = arith.constant 112 : i32
    %parallel_loop3A_38 = arith.constant 1 : i32
    scf.for %parallel_loop3A_145 = %parallel_loop3A to %parallel_loop3A_37 step %parallel_loop3A_38  : i32 {
      %parallel_loop3A_146 = arith.constant -16 : i32
      %parallel_loop3A_147 = arith.andi %parallel_loop3A_145, %parallel_loop3A_146 : i32
      %parallel_loop3A_148 = arith.constant 0 : i32
      %parallel_loop3A_149 = arith.addi %parallel_loop3A_148, %parallel_loop3A_147 : i32
      %parallel_loop3A_150 = arith.index_cast %parallel_loop3A_149 : i32 to index
      %parallel_loop3A_151 = tpu.vector_load %arg6[%parallel_loop3A_150] {strides = array<i32>} : memref<3136xi32, #tpu.memory_space<vmem>>, vector<16xi32>,
      %parallel_loop3A_152 = arith.constant 128 : i32
      %parallel_loop3A_153 = vector.broadcast %parallel_loop3A_152 : i32 to vector<16xi32>
      %parallel_loop3A_154 = arith.muli %parallel_loop3A_151, %parallel_loop3A_153 : vector<16xi32>
      %parallel_loop3A_155 = arith.constant 15 : i32
      %parallel_loop3A_156 = arith.andi %parallel_loop3A_145, %parallel_loop3A_155 : i32
      %parallel_loop3A_157 = vector.broadcast %parallel_loop3A_156 : i32 to vector<16x1xi32>
      %parallel_loop3A_158 = vector.shape_cast %parallel_loop3A_157 : vector<16x1xi32> to vector<16xi32>
      %parallel_loop3A_159 = tpu.dynamic_gather %parallel_loop3A_154[%parallel_loop3A_158] in [0] : vector<16xi32>, vector<16xi32> -> vector<16xi32>
      %parallel_loop3A_160 = arith.constant 0 : i32
      %parallel_loop3A_161 = arith.addi %parallel_loop3A_160, %parallel_loop3A_145 : i32
      %parallel_loop3A_162 = arith.addi %parallel_loop3A_159, %add3A_8 : vector<16xi32>
      %parallel_loop3A_163 = tpu.vector_load_idx %arg5[%parallel_loop3A_162] : memref<3584xf32, #tpu.memory_space<vmem>>[vector<16xi32>], vector<16xf32>,
      %parallel_loop3A_164 = arith.constant 0 : i32
      %parallel_loop3A_165 = tpu.memref_slice %arg7[%parallel_loop3A_161, %parallel_loop3A_164] : memref<448x128xf32, #tpu.memory_space<vmem>> -> memref<1x128xf32, #tpu.memory_space<vmem>>
      %parallel_loop3A_166 = tpu.memref_squeeze %parallel_loop3A_165 : memref<1x128xf32, #tpu.memory_space<vmem>> -> memref<128xf32, #tpu.memory_space<vmem>>
      %parallel_loop3A_167 = arith.constant 0 : index
      %parallel_loop3A_168 = tpu.vector_load %parallel_loop3A_166[%parallel_loop3A_167] {strides = array<i32>} : memref<128xf32, #tpu.memory_space<vmem>>, vector<16xf32>,
      tpu.vector_store %parallel_loop3A_166[%parallel_loop3A_167], %parallel_loop3A_163 {strides = array<i32>} : memref<128xf32, #tpu.memory_space<vmem>>, vector<16xf32>,
      %parallel_loop3A_169 = arith.addi %parallel_loop3A_159, %add3A_12 : vector<16xi32>
      %parallel_loop3A_170 = tpu.vector_load_idx %arg5[%parallel_loop3A_169] : memref<3584xf32, #tpu.memory_space<vmem>>[vector<16xi32>], vector<16xf32>,
      %parallel_loop3A_171 = arith.constant 0 : i32
      %parallel_loop3A_172 = tpu.memref_slice %arg7[%parallel_loop3A_161, %parallel_loop3A_171] : memref<448x128xf32, #tpu.memory_space<vmem>> -> memref<1x128xf32, #tpu.memory_space<vmem>>
      %parallel_loop3A_173 = tpu.memref_squeeze %parallel_loop3A_172 : memref<1x128xf32, #tpu.memory_space<vmem>> -> memref<128xf32, #tpu.memory_space<vmem>>
      %parallel_loop3A_174 = arith.constant 16 : index
      %parallel_loop3A_175 = tpu.vector_load %parallel_loop3A_173[%parallel_loop3A_174] {strides = array<i32>} : memref<128xf32, #tpu.memory_space<vmem>>, vector<16xf32>,
      tpu.vector_store %parallel_loop3A_173[%parallel_loop3A_174], %parallel_loop3A_170 {strides = array<i32>} : memref<128xf32, #tpu.memory_space<vmem>>, vector<16xf32>,
      %parallel_loop3A_176 = arith.addi %parallel_loop3A_159, %add3A_16 : vector<16xi32>
      %parallel_loop3A_177 = tpu.vector_load_idx %arg5[%parallel_loop3A_176] : memref<3584xf32, #tpu.memory_space<vmem>>[vector<16xi32>], vector<16xf32>,
      %parallel_loop3A_178 = arith.constant 0 : i32
      %parallel_loop3A_179 = tpu.memref_slice %arg7[%parallel_loop3A_161, %parallel_loop3A_178] : memref<448x128xf32, #tpu.memory_space<vmem>> -> memref<1x128xf32, #tpu.memory_space<vmem>>
      %parallel_loop3A_180 = tpu.memref_squeeze %parallel_loop3A_179 : memref<1x128xf32, #tpu.memory_space<vmem>> -> memref<128xf32, #tpu.memory_space<vmem>>
      %parallel_loop3A_181 = arith.constant 32 : index
      %parallel_loop3A_182 = tpu.vector_load %parallel_loop3A_180[%parallel_loop3A_181] {strides = array<i32>} : memref<128xf32, #tpu.memory_space<vmem>>, vector<16xf32>,
      tpu.vector_store %parallel_loop3A_180[%parallel_loop3A_181], %parallel_loop3A_177 {strides = array<i32>} : memref<128xf32, #tpu.memory_space<vmem>>, vector<16xf32>,
      %parallel_loop3A_183 = arith.addi %parallel_loop3A_159, %add3A_20 : vector<16xi32>
      %parallel_loop3A_184 = tpu.vector_load_idx %arg5[%parallel_loop3A_183] : memref<3584xf32, #tpu.memory_space<vmem>>[vector<16xi32>], vector<16xf32>,
      %parallel_loop3A_185 = arith.constant 0 : i32
      %parallel_loop3A_186 = tpu.memref_slice %arg7[%parallel_loop3A_161, %parallel_loop3A_185] : memref<448x128xf32, #tpu.memory_space<vmem>> -> memref<1x128xf32, #tpu.memory_space<vmem>>
      %parallel_loop3A_187 = tpu.memref_squeeze %parallel_loop3A_186 : memref<1x128xf32, #tpu.memory_space<vmem>> -> memref<128xf32, #tpu.memory_space<vmem>>
      %parallel_loop3A_188 = arith.constant 48 : index
      %parallel_loop3A_189 = tpu.vector_load %parallel_loop3A_187[%parallel_loop3A_188] {strides = array<i32>} : memref<128xf32, #tpu.memory_space<vmem>>, vector<16xf32>,
      tpu.vector_store %parallel_loop3A_187[%parallel_loop3A_188], %parallel_loop3A_184 {strides = array<i32>} : memref<128xf32, #tpu.memory_space<vmem>>, vector<16xf32>,
      %parallel_loop3A_190 = arith.addi %parallel_loop3A_159, %add3A_24 : vector<16xi32>
      %parallel_loop3A_191 = tpu.vector_load_idx %arg5[%parallel_loop3A_190] : memref<3584xf32, #tpu.memory_space<vmem>>[vector<16xi32>], vector<16xf32>,
      %parallel_loop3A_192 = arith.constant 0 : i32
      %parallel_loop3A_193 = tpu.memref_slice %arg7[%parallel_loop3A_161, %parallel_loop3A_192] : memref<448x128xf32, #tpu.memory_space<vmem>> -> memref<1x128xf32, #tpu.memory_space<vmem>>
      %parallel_loop3A_194 = tpu.memref_squeeze %parallel_loop3A_193 : memref<1x128xf32, #tpu.memory_space<vmem>> -> memref<128xf32, #tpu.memory_space<vmem>>
      %parallel_loop3A_195 = arith.constant 64 : index
      %parallel_loop3A_196 = tpu.vector_load %parallel_loop3A_194[%parallel_loop3A_195] {strides = array<i32>} : memref<128xf32, #tpu.memory_space<vmem>>, vector<16xf32>,
      tpu.vector_store %parallel_loop3A_194[%parallel_loop3A_195], %parallel_loop3A_191 {strides = array<i32>} : memref<128xf32, #tpu.memory_space<vmem>>, vector<16xf32>,
      %parallel_loop3A_197 = arith.addi %parallel_loop3A_159, %add3A_28 : vector<16xi32>
      %parallel_loop3A_198 = tpu.vector_load_idx %arg5[%parallel_loop3A_197] : memref<3584xf32, #tpu.memory_space<vmem>>[vector<16xi32>], vector<16xf32>,
      %parallel_loop3A_199 = arith.constant 0 : i32
      %parallel_loop3A_200 = tpu.memref_slice %arg7[%parallel_loop3A_161, %parallel_loop3A_199] : memref<448x128xf32, #tpu.memory_space<vmem>> -> memref<1x128xf32, #tpu.memory_space<vmem>>
      %parallel_loop3A_201 = tpu.memref_squeeze %parallel_loop3A_200 : memref<1x128xf32, #tpu.memory_space<vmem>> -> memref<128xf32, #tpu.memory_space<vmem>>
      %parallel_loop3A_202 = arith.constant 80 : index
      %parallel_loop3A_203 = tpu.vector_load %parallel_loop3A_201[%parallel_loop3A_202] {strides = array<i32>} : memref<128xf32, #tpu.memory_space<vmem>>, vector<16xf32>,
      tpu.vector_store %parallel_loop3A_201[%parallel_loop3A_202], %parallel_loop3A_198 {strides = array<i32>} : memref<128xf32, #tpu.memory_space<vmem>>, vector<16xf32>,
      %parallel_loop3A_204 = arith.addi %parallel_loop3A_159, %add3A_32 : vector<16xi32>
      %parallel_loop3A_205 = tpu.vector_load_idx %arg5[%parallel_loop3A_204] : memref<3584xf32, #tpu.memory_space<vmem>>[vector<16xi32>], vector<16xf32>,
      %parallel_loop3A_206 = arith.constant 0 : i32
      %parallel_loop3A_207 = tpu.memref_slice %arg7[%parallel_loop3A_161, %parallel_loop3A_206] : memref<448x128xf32, #tpu.memory_space<vmem>> -> memref<1x128xf32, #tpu.memory_space<vmem>>
      %parallel_loop3A_208 = tpu.memref_squeeze %parallel_loop3A_207 : memref<1x128xf32, #tpu.memory_space<vmem>> -> memref<128xf32, #tpu.memory_space<vmem>>
      %parallel_loop3A_209 = arith.constant 96 : index
      %parallel_loop3A_210 = tpu.vector_load %parallel_loop3A_208[%parallel_loop3A_209] {strides = array<i32>} : memref<128xf32, #tpu.memory_space<vmem>>, vector<16xf32>,
      tpu.vector_store %parallel_loop3A_208[%parallel_loop3A_209], %parallel_loop3A_205 {strides = array<i32>} : memref<128xf32, #tpu.memory_space<vmem>>, vector<16xf32>,
      %parallel_loop3A_211 = arith.addi %parallel_loop3A_159, %add3A_36 : vector<16xi32>
      %parallel_loop3A_212 = tpu.vector_load_idx %arg5[%parallel_loop3A_211] : memref<3584xf32, #tpu.memory_space<vmem>>[vector<16xi32>], vector<16xf32>,
      %parallel_loop3A_213 = arith.constant 0 : i32
      %parallel_loop3A_214 = tpu.memref_slice %arg7[%parallel_loop3A_161, %parallel_loop3A_213] : memref<448x128xf32, #tpu.memory_space<vmem>> -> memref<1x128xf32, #tpu.memory_space<vmem>>
      %parallel_loop3A_215 = tpu.memref_squeeze %parallel_loop3A_214 : memref<1x128xf32, #tpu.memory_space<vmem>> -> memref<128xf32, #tpu.memory_space<vmem>>
      %parallel_loop3A_216 = arith.constant 112 : index
      %parallel_loop3A_217 = tpu.vector_load %parallel_loop3A_215[%parallel_loop3A_216] {strides = array<i32>} : memref<128xf32, #tpu.memory_space<vmem>>, vector<16xf32>,
      tpu.vector_store %parallel_loop3A_215[%parallel_loop3A_216], %parallel_loop3A_212 {strides = array<i32>} : memref<128xf32, #tpu.memory_space<vmem>>, vector<16xf32>,
    } {sc.loop_unroll_factor = 1 : i64, sc.parallel_access}
    %multiple_of3A_39 = arith.constant 0 : i32
    %multiple_of3A_40 = tpu.assume_multiple %multiple_of3A_39, 8 : i32
    %add3A_41 = arith.addi %multiple_of3A, %multiple_of3A_40 : i32
    %dma_start3A_42 = arith.constant 0 : i32
    %dma_start3A_43 = arith.constant 0 : i32
    %dma_start3A_44 = tpu.memref_slice %arg7[%dma_start3A_42, %dma_start3A_43] : memref<448x128xf32, #tpu.memory_space<vmem>> -> memref<112x128xf32, #tpu.memory_space<vmem>>
    %dma_start3A_45 = arith.constant 0 : i32
    %dma_start3A_46 = tpu.memref_slice %arg4[%add3A_41, %dma_start3A_45] : memref<100000x128xf32, #tpu.memory_space<hbm>> -> memref<112x128xf32, #tpu.memory_space<hbm>>
    %dma_start3A_47 = arith.constant 0 : i32
    %dma_start3A_48 = tpu.memref_slice %arg4[%add3A_41, %dma_start3A_47] : memref<100000x128xf32, #tpu.memory_space<hbm>> -> memref<112x128xf32, #tpu.memory_space<hbm>>
    %dma_start3A_49 = arith.constant 0 : i32
    %dma_start3A_50 = arith.constant 0 : i32
    %dma_start3A_51 = tpu.memref_slice %arg7[%dma_start3A_49, %dma_start3A_50] : memref<448x128xf32, #tpu.memory_space<vmem>> -> memref<112x128xf32, #tpu.memory_space<vmem>>
    tpu.enqueue_dma source(%dma_start3A_51 : memref<112x128xf32, #tpu.memory_space<vmem>>) target(%dma_start3A_48 : memref<112x128xf32, #tpu.memory_space<hbm>>) target_semaphore(%arg8 : memref<!tpu.dma_semaphore, #tpu.memory_space<semaphore_mem>>)
    %parallel_loop3A_52 = arith.constant 0 : i32
    %parallel_loop3A_53 = arith.constant 112 : i32
    %parallel_loop3A_54 = arith.constant 1 : i32
    scf.for %parallel_loop3A_145 = %parallel_loop3A_52 to %parallel_loop3A_53 step %parallel_loop3A_54  : i32 {
      %parallel_loop3A_146 = arith.constant -16 : i32
      %parallel_loop3A_147 = arith.andi %parallel_loop3A_145, %parallel_loop3A_146 : i32
      %parallel_loop3A_148 = arith.constant 112 : i32
      %parallel_loop3A_149 = arith.addi %parallel_loop3A_148, %parallel_loop3A_147 : i32
      %parallel_loop3A_150 = arith.index_cast %parallel_loop3A_149 : i32 to index
      %parallel_loop3A_151 = tpu.vector_load %arg6[%parallel_loop3A_150] {strides = array<i32>} : memref<3136xi32, #tpu.memory_space<vmem>>, vector<16xi32>,
      %parallel_loop3A_152 = arith.constant 128 : i32
      %parallel_loop3A_153 = vector.broadcast %parallel_loop3A_152 : i32 to vector<16xi32>
      %parallel_loop3A_154 = arith.muli %parallel_loop3A_151, %parallel_loop3A_153 : vector<16xi32>
      %parallel_loop3A_155 = arith.constant 15 : i32
      %parallel_loop3A_156 = arith.andi %parallel_loop3A_145, %parallel_loop3A_155 : i32
      %parallel_loop3A_157 = vector.broadcast %parallel_loop3A_156 : i32 to vector<16x1xi32>
      %parallel_loop3A_158 = vector.shape_cast %parallel_loop3A_157 : vector<16x1xi32> to vector<16xi32>
      %parallel_loop3A_159 = tpu.dynamic_gather %parallel_loop3A_154[%parallel_loop3A_158] in [0] : vector<16xi32>, vector<16xi32> -> vector<16xi32>
      %parallel_loop3A_160 = arith.constant 112 : i32
      %parallel_loop3A_161 = arith.addi %parallel_loop3A_160, %parallel_loop3A_145 : i32
      %parallel_loop3A_162 = arith.addi %parallel_loop3A_159, %add3A_8 : vector<16xi32>
      %parallel_loop3A_163 = tpu.vector_load_idx %arg5[%parallel_loop3A_162] : memref<3584xf32, #tpu.memory_space<vmem>>[vector<16xi32>], vector<16xf32>,
      %parallel_loop3A_164 = arith.constant 0 : i32
      %parallel_loop3A_165 = tpu.memref_slice %arg7[%parallel_loop3A_161, %parallel_loop3A_164] : memref<448x128xf32, #tpu.memory_space<vmem>> -> memref<1x128xf32, #tpu.memory_space<vmem>>
      %parallel_loop3A_166 = tpu.memref_squeeze %parallel_loop3A_165 : memref<1x128xf32, #tpu.memory_space<vmem>> -> memref<128xf32, #tpu.memory_space<vmem>>
      %parallel_loop3A_167 = arith.constant 0 : index
      %parallel_loop3A_168 = tpu.vector_load %parallel_loop3A_166[%parallel_loop3A_167] {strides = array<i32>} : memref<128xf32, #tpu.memory_space<vmem>>, vector<16xf32>,
      tpu.vector_store %parallel_loop3A_166[%parallel_loop3A_167], %parallel_loop3A_163 {strides = array<i32>} : memref<128xf32, #tpu.memory_space<vmem>>, vector<16xf32>,
      %parallel_loop3A_169 = arith.addi %parallel_loop3A_159, %add3A_12 : vector<16xi32>
      %parallel_loop3A_170 = tpu.vector_load_idx %arg5[%parallel_loop3A_169] : memref<3584xf32, #tpu.memory_space<vmem>>[vector<16xi32>], vector<16xf32>,
      %parallel_loop3A_171 = arith.constant 0 : i32
      %parallel_loop3A_172 = tpu.memref_slice %arg7[%parallel_loop3A_161, %parallel_loop3A_171] : memref<448x128xf32, #tpu.memory_space<vmem>> -> memref<1x128xf32, #tpu.memory_space<vmem>>
      %parallel_loop3A_173 = tpu.memref_squeeze %parallel_loop3A_172 : memref<1x128xf32, #tpu.memory_space<vmem>> -> memref<128xf32, #tpu.memory_space<vmem>>
      %parallel_loop3A_174 = arith.constant 16 : index
      %parallel_loop3A_175 = tpu.vector_load %parallel_loop3A_173[%parallel_loop3A_174] {strides = array<i32>} : memref<128xf32, #tpu.memory_space<vmem>>, vector<16xf32>,
      tpu.vector_store %parallel_loop3A_173[%parallel_loop3A_174], %parallel_loop3A_170 {strides = array<i32>} : memref<128xf32, #tpu.memory_space<vmem>>, vector<16xf32>,
      %parallel_loop3A_176 = arith.addi %parallel_loop3A_159, %add3A_16 : vector<16xi32>
      %parallel_loop3A_177 = tpu.vector_load_idx %arg5[%parallel_loop3A_176] : memref<3584xf32, #tpu.memory_space<vmem>>[vector<16xi32>], vector<16xf32>,
      %parallel_loop3A_178 = arith.constant 0 : i32
      %parallel_loop3A_179 = tpu.memref_slice %arg7[%parallel_loop3A_161, %parallel_loop3A_178] : memref<448x128xf32, #tpu.memory_space<vmem>> -> memref<1x128xf32, #tpu.memory_space<vmem>>
      %parallel_loop3A_180 = tpu.memref_squeeze %parallel_loop3A_179 : memref<1x128xf32, #tpu.memory_space<vmem>> -> memref<128xf32, #tpu.memory_space<vmem>>
      %parallel_loop3A_181 = arith.constant 32 : index
      %parallel_loop3A_182 = tpu.vector_load %parallel_loop3A_180[%parallel_loop3A_181] {strides = array<i32>} : memref<128xf32, #tpu.memory_space<vmem>>, vector<16xf32>,
      tpu.vector_store %parallel_loop3A_180[%parallel_loop3A_181], %parallel_loop3A_177 {strides = array<i32>} : memref<128xf32, #tpu.memory_space<vmem>>, vector<16xf32>,
      %parallel_loop3A_183 = arith.addi %parallel_loop3A_159, %add3A_20 : vector<16xi32>
      %parallel_loop3A_184 = tpu.vector_load_idx %arg5[%parallel_loop3A_183] : memref<3584xf32, #tpu.memory_space<vmem>>[vector<16xi32>], vector<16xf32>,
      %parallel_loop3A_185 = arith.constant 0 : i32
      %parallel_loop3A_186 = tpu.memref_slice %arg7[%parallel_loop3A_161, %parallel_loop3A_185] : memref<448x128xf32, #tpu.memory_space<vmem>> -> memref<1x128xf32, #tpu.memory_space<vmem>>
      %parallel_loop3A_187 = tpu.memref_squeeze %parallel_loop3A_186 : memref<1x128xf32, #tpu.memory_space<vmem>> -> memref<128xf32, #tpu.memory_space<vmem>>
      %parallel_loop3A_188 = arith.constant 48 : index
      %parallel_loop3A_189 = tpu.vector_load %parallel_loop3A_187[%parallel_loop3A_188] {strides = array<i32>} : memref<128xf32, #tpu.memory_space<vmem>>, vector<16xf32>,
      tpu.vector_store %parallel_loop3A_187[%parallel_loop3A_188], %parallel_loop3A_184 {strides = array<i32>} : memref<128xf32, #tpu.memory_space<vmem>>, vector<16xf32>,
      %parallel_loop3A_190 = arith.addi %parallel_loop3A_159, %add3A_24 : vector<16xi32>
      %parallel_loop3A_191 = tpu.vector_load_idx %arg5[%parallel_loop3A_190] : memref<3584xf32, #tpu.memory_space<vmem>>[vector<16xi32>], vector<16xf32>,
      %parallel_loop3A_192 = arith.constant 0 : i32
      %parallel_loop3A_193 = tpu.memref_slice %arg7[%parallel_loop3A_161, %parallel_loop3A_192] : memref<448x128xf32, #tpu.memory_space<vmem>> -> memref<1x128xf32, #tpu.memory_space<vmem>>
      %parallel_loop3A_194 = tpu.memref_squeeze %parallel_loop3A_193 : memref<1x128xf32, #tpu.memory_space<vmem>> -> memref<128xf32, #tpu.memory_space<vmem>>
      %parallel_loop3A_195 = arith.constant 64 : index
      %parallel_loop3A_196 = tpu.vector_load %parallel_loop3A_194[%parallel_loop3A_195] {strides = array<i32>} : memref<128xf32, #tpu.memory_space<vmem>>, vector<16xf32>,
      tpu.vector_store %parallel_loop3A_194[%parallel_loop3A_195], %parallel_loop3A_191 {strides = array<i32>} : memref<128xf32, #tpu.memory_space<vmem>>, vector<16xf32>,
      %parallel_loop3A_197 = arith.addi %parallel_loop3A_159, %add3A_28 : vector<16xi32>
      %parallel_loop3A_198 = tpu.vector_load_idx %arg5[%parallel_loop3A_197] : memref<3584xf32, #tpu.memory_space<vmem>>[vector<16xi32>], vector<16xf32>,
      %parallel_loop3A_199 = arith.constant 0 : i32
      %parallel_loop3A_200 = tpu.memref_slice %arg7[%parallel_loop3A_161, %parallel_loop3A_199] : memref<448x128xf32, #tpu.memory_space<vmem>> -> memref<1x128xf32, #tpu.memory_space<vmem>>
      %parallel_loop3A_201 = tpu.memref_squeeze %parallel_loop3A_200 : memref<1x128xf32, #tpu.memory_space<vmem>> -> memref<128xf32, #tpu.memory_space<vmem>>
      %parallel_loop3A_202 = arith.constant 80 : index
      %parallel_loop3A_203 = tpu.vector_load %parallel_loop3A_201[%parallel_loop3A_202] {strides = array<i32>} : memref<128xf32, #tpu.memory_space<vmem>>, vector<16xf32>,
      tpu.vector_store %parallel_loop3A_201[%parallel_loop3A_202], %parallel_loop3A_198 {strides = array<i32>} : memref<128xf32, #tpu.memory_space<vmem>>, vector<16xf32>,
      %parallel_loop3A_204 = arith.addi %parallel_loop3A_159, %add3A_32 : vector<16xi32>
      %parallel_loop3A_205 = tpu.vector_load_idx %arg5[%parallel_loop3A_204] : memref<3584xf32, #tpu.memory_space<vmem>>[vector<16xi32>], vector<16xf32>,
      %parallel_loop3A_206 = arith.constant 0 : i32
      %parallel_loop3A_207 = tpu.memref_slice %arg7[%parallel_loop3A_161, %parallel_loop3A_206] : memref<448x128xf32, #tpu.memory_space<vmem>> -> memref<1x128xf32, #tpu.memory_space<vmem>>
      %parallel_loop3A_208 = tpu.memref_squeeze %parallel_loop3A_207 : memref<1x128xf32, #tpu.memory_space<vmem>> -> memref<128xf32, #tpu.memory_space<vmem>>
      %parallel_loop3A_209 = arith.constant 96 : index
      %parallel_loop3A_210 = tpu.vector_load %parallel_loop3A_208[%parallel_loop3A_209] {strides = array<i32>} : memref<128xf32, #tpu.memory_space<vmem>>, vector<16xf32>,
      tpu.vector_store %parallel_loop3A_208[%parallel_loop3A_209], %parallel_loop3A_205 {strides = array<i32>} : memref<128xf32, #tpu.memory_space<vmem>>, vector<16xf32>,
      %parallel_loop3A_211 = arith.addi %parallel_loop3A_159, %add3A_36 : vector<16xi32>
      %parallel_loop3A_212 = tpu.vector_load_idx %arg5[%parallel_loop3A_211] : memref<3584xf32, #tpu.memory_space<vmem>>[vector<16xi32>], vector<16xf32>,
      %parallel_loop3A_213 = arith.constant 0 : i32
      %parallel_loop3A_214 = tpu.memref_slice %arg7[%parallel_loop3A_161, %parallel_loop3A_213] : memref<448x128xf32, #tpu.memory_space<vmem>> -> memref<1x128xf32, #tpu.memory_space<vmem>>
      %parallel_loop3A_215 = tpu.memref_squeeze %parallel_loop3A_214 : memref<1x128xf32, #tpu.memory_space<vmem>> -> memref<128xf32, #tpu.memory_space<vmem>>
      %parallel_loop3A_216 = arith.constant 112 : index
      %parallel_loop3A_217 = tpu.vector_load %parallel_loop3A_215[%parallel_loop3A_216] {strides = array<i32>} : memref<128xf32, #tpu.memory_space<vmem>>, vector<16xf32>,
      tpu.vector_store %parallel_loop3A_215[%parallel_loop3A_216], %parallel_loop3A_212 {strides = array<i32>} : memref<128xf32, #tpu.memory_space<vmem>>, vector<16xf32>,
    } {sc.loop_unroll_factor = 1 : i64, sc.parallel_access}
    %multiple_of3A_55 = arith.constant 112 : i32
    %multiple_of3A_56 = tpu.assume_multiple %multiple_of3A_55, 8 : i32
    %add3A_57 = arith.addi %multiple_of3A, %multiple_of3A_56 : i32
    %dma_start3A_58 = arith.constant 112 : i32
    %dma_start3A_59 = arith.constant 0 : i32
    %dma_start3A_60 = tpu.memref_slice %arg7[%dma_start3A_58, %dma_start3A_59] : memref<448x128xf32, #tpu.memory_space<vmem>> -> memref<112x128xf32, #tpu.memory_space<vmem>>
    %dma_start3A_61 = arith.constant 0 : i32
    %dma_start3A_62 = tpu.memref_slice %arg4[%add3A_57, %dma_start3A_61] : memref<100000x128xf32, #tpu.memory_space<hbm>> -> memref<112x128xf32, #tpu.memory_space<hbm>>
    %dma_start3A_63 = arith.constant 0 : i32
    %dma_start3A_64 = tpu.memref_slice %arg4[%add3A_57, %dma_start3A_63] : memref<100000x128xf32, #tpu.memory_space<hbm>> -> memref<112x128xf32, #tpu.memory_space<hbm>>
    %dma_start3A_65 = arith.constant 112 : i32
    %dma_start3A_66 = arith.constant 0 : i32
    %dma_start3A_67 = tpu.memref_slice %arg7[%dma_start3A_65, %dma_start3A_66] : memref<448x128xf32, #tpu.memory_space<vmem>> -> memref<112x128xf32, #tpu.memory_space<vmem>>
    tpu.enqueue_dma source(%dma_start3A_67 : memref<112x128xf32, #tpu.memory_space<vmem>>) target(%dma_start3A_64 : memref<112x128xf32, #tpu.memory_space<hbm>>) target_semaphore(%arg9 : memref<!tpu.dma_semaphore, #tpu.memory_space<semaphore_mem>>)
    %parallel_loop3A_68 = arith.constant 0 : i32
    %parallel_loop3A_69 = arith.constant 112 : i32
    %parallel_loop3A_70 = arith.constant 1 : i32
    scf.for %parallel_loop3A_145 = %parallel_loop3A_68 to %parallel_loop3A_69 step %parallel_loop3A_70  : i32 {
      %parallel_loop3A_146 = arith.constant -16 : i32
      %parallel_loop3A_147 = arith.andi %parallel_loop3A_145, %parallel_loop3A_146 : i32
      %parallel_loop3A_148 = arith.constant 224 : i32
      %parallel_loop3A_149 = arith.addi %parallel_loop3A_148, %parallel_loop3A_147 : i32
      %parallel_loop3A_150 = arith.index_cast %parallel_loop3A_149 : i32 to index
      %parallel_loop3A_151 = tpu.vector_load %arg6[%parallel_loop3A_150] {strides = array<i32>} : memref<3136xi32, #tpu.memory_space<vmem>>, vector<16xi32>,
      %parallel_loop3A_152 = arith.constant 128 : i32
      %parallel_loop3A_153 = vector.broadcast %parallel_loop3A_152 : i32 to vector<16xi32>
      %parallel_loop3A_154 = arith.muli %parallel_loop3A_151, %parallel_loop3A_153 : vector<16xi32>
      %parallel_loop3A_155 = arith.constant 15 : i32
      %parallel_loop3A_156 = arith.andi %parallel_loop3A_145, %parallel_loop3A_155 : i32
      %parallel_loop3A_157 = vector.broadcast %parallel_loop3A_156 : i32 to vector<16x1xi32>
      %parallel_loop3A_158 = vector.shape_cast %parallel_loop3A_157 : vector<16x1xi32> to vector<16xi32>
      %parallel_loop3A_159 = tpu.dynamic_gather %parallel_loop3A_154[%parallel_loop3A_158] in [0] : vector<16xi32>, vector<16xi32> -> vector<16xi32>
      %parallel_loop3A_160 = arith.constant 224 : i32
      %parallel_loop3A_161 = arith.addi %parallel_loop3A_160, %parallel_loop3A_145 : i32
      %parallel_loop3A_162 = arith.addi %parallel_loop3A_159, %add3A_8 : vector<16xi32>
      %parallel_loop3A_163 = tpu.vector_load_idx %arg5[%parallel_loop3A_162] : memref<3584xf32, #tpu.memory_space<vmem>>[vector<16xi32>], vector<16xf32>,
      %parallel_loop3A_164 = arith.constant 0 : i32
      %parallel_loop3A_165 = tpu.memref_slice %arg7[%parallel_loop3A_161, %parallel_loop3A_164] : memref<448x128xf32, #tpu.memory_space<vmem>> -> memref<1x128xf32, #tpu.memory_space<vmem>>
      %parallel_loop3A_166 = tpu.memref_squeeze %parallel_loop3A_165 : memref<1x128xf32, #tpu.memory_space<vmem>> -> memref<128xf32, #tpu.memory_space<vmem>>
      %parallel_loop3A_167 = arith.constant 0 : index
      %parallel_loop3A_168 = tpu.vector_load %parallel_loop3A_166[%parallel_loop3A_167] {strides = array<i32>} : memref<128xf32, #tpu.memory_space<vmem>>, vector<16xf32>,
      tpu.vector_store %parallel_loop3A_166[%parallel_loop3A_167], %parallel_loop3A_163 {strides = array<i32>} : memref<128xf32, #tpu.memory_space<vmem>>, vector<16xf32>,
      %parallel_loop3A_169 = arith.addi %parallel_loop3A_159, %add3A_12 : vector<16xi32>
      %parallel_loop3A_170 = tpu.vector_load_idx %arg5[%parallel_loop3A_169] : memref<3584xf32, #tpu.memory_space<vmem>>[vector<16xi32>], vector<16xf32>,
      %parallel_loop3A_171 = arith.constant 0 : i32
      %parallel_loop3A_172 = tpu.memref_slice %arg7[%parallel_loop3A_161, %parallel_loop3A_171] : memref<448x128xf32, #tpu.memory_space<vmem>> -> memref<1x128xf32, #tpu.memory_space<vmem>>
      %parallel_loop3A_173 = tpu.memref_squeeze %parallel_loop3A_172 : memref<1x128xf32, #tpu.memory_space<vmem>> -> memref<128xf32, #tpu.memory_space<vmem>>
      %parallel_loop3A_174 = arith.constant 16 : index
      %parallel_loop3A_175 = tpu.vector_load %parallel_loop3A_173[%parallel_loop3A_174] {strides = array<i32>} : memref<128xf32, #tpu.memory_space<vmem>>, vector<16xf32>,
      tpu.vector_store %parallel_loop3A_173[%parallel_loop3A_174], %parallel_loop3A_170 {strides = array<i32>} : memref<128xf32, #tpu.memory_space<vmem>>, vector<16xf32>,
      %parallel_loop3A_176 = arith.addi %parallel_loop3A_159, %add3A_16 : vector<16xi32>
      %parallel_loop3A_177 = tpu.vector_load_idx %arg5[%parallel_loop3A_176] : memref<3584xf32, #tpu.memory_space<vmem>>[vector<16xi32>], vector<16xf32>,
      %parallel_loop3A_178 = arith.constant 0 : i32
      %parallel_loop3A_179 = tpu.memref_slice %arg7[%parallel_loop3A_161, %parallel_loop3A_178] : memref<448x128xf32, #tpu.memory_space<vmem>> -> memref<1x128xf32, #tpu.memory_space<vmem>>
      %parallel_loop3A_180 = tpu.memref_squeeze %parallel_loop3A_179 : memref<1x128xf32, #tpu.memory_space<vmem>> -> memref<128xf32, #tpu.memory_space<vmem>>
      %parallel_loop3A_181 = arith.constant 32 : index
      %parallel_loop3A_182 = tpu.vector_load %parallel_loop3A_180[%parallel_loop3A_181] {strides = array<i32>} : memref<128xf32, #tpu.memory_space<vmem>>, vector<16xf32>,
      tpu.vector_store %parallel_loop3A_180[%parallel_loop3A_181], %parallel_loop3A_177 {strides = array<i32>} : memref<128xf32, #tpu.memory_space<vmem>>, vector<16xf32>,
      %parallel_loop3A_183 = arith.addi %parallel_loop3A_159, %add3A_20 : vector<16xi32>
      %parallel_loop3A_184 = tpu.vector_load_idx %arg5[%parallel_loop3A_183] : memref<3584xf32, #tpu.memory_space<vmem>>[vector<16xi32>], vector<16xf32>,
      %parallel_loop3A_185 = arith.constant 0 : i32
      %parallel_loop3A_186 = tpu.memref_slice %arg7[%parallel_loop3A_161, %parallel_loop3A_185] : memref<448x128xf32, #tpu.memory_space<vmem>> -> memref<1x128xf32, #tpu.memory_space<vmem>>
      %parallel_loop3A_187 = tpu.memref_squeeze %parallel_loop3A_186 : memref<1x128xf32, #tpu.memory_space<vmem>> -> memref<128xf32, #tpu.memory_space<vmem>>
      %parallel_loop3A_188 = arith.constant 48 : index
      %parallel_loop3A_189 = tpu.vector_load %parallel_loop3A_187[%parallel_loop3A_188] {strides = array<i32>} : memref<128xf32, #tpu.memory_space<vmem>>, vector<16xf32>,
      tpu.vector_store %parallel_loop3A_187[%parallel_loop3A_188], %parallel_loop3A_184 {strides = array<i32>} : memref<128xf32, #tpu.memory_space<vmem>>, vector<16xf32>,
      %parallel_loop3A_190 = arith.addi %parallel_loop3A_159, %add3A_24 : vector<16xi32>
      %parallel_loop3A_191 = tpu.vector_load_idx %arg5[%parallel_loop3A_190] : memref<3584xf32, #tpu.memory_space<vmem>>[vector<16xi32>], vector<16xf32>,
      %parallel_loop3A_192 = arith.constant 0 : i32
      %parallel_loop3A_193 = tpu.memref_slice %arg7[%parallel_loop3A_161, %parallel_loop3A_192] : memref<448x128xf32, #tpu.memory_space<vmem>> -> memref<1x128xf32, #tpu.memory_space<vmem>>
      %parallel_loop3A_194 = tpu.memref_squeeze %parallel_loop3A_193 : memref<1x128xf32, #tpu.memory_space<vmem>> -> memref<128xf32, #tpu.memory_space<vmem>>
      %parallel_loop3A_195 = arith.constant 64 : index
      %parallel_loop3A_196 = tpu.vector_load %parallel_loop3A_194[%parallel_loop3A_195] {strides = array<i32>} : memref<128xf32, #tpu.memory_space<vmem>>, vector<16xf32>,
      tpu.vector_store %parallel_loop3A_194[%parallel_loop3A_195], %parallel_loop3A_191 {strides = array<i32>} : memref<128xf32, #tpu.memory_space<vmem>>, vector<16xf32>,
      %parallel_loop3A_197 = arith.addi %parallel_loop3A_159, %add3A_28 : vector<16xi32>
      %parallel_loop3A_198 = tpu.vector_load_idx %arg5[%parallel_loop3A_197] : memref<3584xf32, #tpu.memory_space<vmem>>[vector<16xi32>], vector<16xf32>,
      %parallel_loop3A_199 = arith.constant 0 : i32
      %parallel_loop3A_200 = tpu.memref_slice %arg7[%parallel_loop3A_161, %parallel_loop3A_199] : memref<448x128xf32, #tpu.memory_space<vmem>> -> memref<1x128xf32, #tpu.memory_space<vmem>>
      %parallel_loop3A_201 = tpu.memref_squeeze %parallel_loop3A_200 : memref<1x128xf32, #tpu.memory_space<vmem>> -> memref<128xf32, #tpu.memory_space<vmem>>
      %parallel_loop3A_202 = arith.constant 80 : index
      %parallel_loop3A_203 = tpu.vector_load %parallel_loop3A_201[%parallel_loop3A_202] {strides = array<i32>} : memref<128xf32, #tpu.memory_space<vmem>>, vector<16xf32>,
      tpu.vector_store %parallel_loop3A_201[%parallel_loop3A_202], %parallel_loop3A_198 {strides = array<i32>} : memref<128xf32, #tpu.memory_space<vmem>>, vector<16xf32>,
      %parallel_loop3A_204 = arith.addi %parallel_loop3A_159, %add3A_32 : vector<16xi32>
      %parallel_loop3A_205 = tpu.vector_load_idx %arg5[%parallel_loop3A_204] : memref<3584xf32, #tpu.memory_space<vmem>>[vector<16xi32>], vector<16xf32>,
      %parallel_loop3A_206 = arith.constant 0 : i32
      %parallel_loop3A_207 = tpu.memref_slice %arg7[%parallel_loop3A_161, %parallel_loop3A_206] : memref<448x128xf32, #tpu.memory_space<vmem>> -> memref<1x128xf32, #tpu.memory_space<vmem>>
      %parallel_loop3A_208 = tpu.memref_squeeze %parallel_loop3A_207 : memref<1x128xf32, #tpu.memory_space<vmem>> -> memref<128xf32, #tpu.memory_space<vmem>>
      %parallel_loop3A_209 = arith.constant 96 : index
      %parallel_loop3A_210 = tpu.vector_load %parallel_loop3A_208[%parallel_loop3A_209] {strides = array<i32>} : memref<128xf32, #tpu.memory_space<vmem>>, vector<16xf32>,
      tpu.vector_store %parallel_loop3A_208[%parallel_loop3A_209], %parallel_loop3A_205 {strides = array<i32>} : memref<128xf32, #tpu.memory_space<vmem>>, vector<16xf32>,
      %parallel_loop3A_211 = arith.addi %parallel_loop3A_159, %add3A_36 : vector<16xi32>
      %parallel_loop3A_212 = tpu.vector_load_idx %arg5[%parallel_loop3A_211] : memref<3584xf32, #tpu.memory_space<vmem>>[vector<16xi32>], vector<16xf32>,
      %parallel_loop3A_213 = arith.constant 0 : i32
      %parallel_loop3A_214 = tpu.memref_slice %arg7[%parallel_loop3A_161, %parallel_loop3A_213] : memref<448x128xf32, #tpu.memory_space<vmem>> -> memref<1x128xf32, #tpu.memory_space<vmem>>
      %parallel_loop3A_215 = tpu.memref_squeeze %parallel_loop3A_214 : memref<1x128xf32, #tpu.memory_space<vmem>> -> memref<128xf32, #tpu.memory_space<vmem>>
      %parallel_loop3A_216 = arith.constant 112 : index
      %parallel_loop3A_217 = tpu.vector_load %parallel_loop3A_215[%parallel_loop3A_216] {strides = array<i32>} : memref<128xf32, #tpu.memory_space<vmem>>, vector<16xf32>,
      tpu.vector_store %parallel_loop3A_215[%parallel_loop3A_216], %parallel_loop3A_212 {strides = array<i32>} : memref<128xf32, #tpu.memory_space<vmem>>, vector<16xf32>,
    } {sc.loop_unroll_factor = 1 : i64, sc.parallel_access}
    %multiple_of3A_71 = arith.constant 224 : i32
    %multiple_of3A_72 = tpu.assume_multiple %multiple_of3A_71, 8 : i32
    %add3A_73 = arith.addi %multiple_of3A, %multiple_of3A_72 : i32
    %dma_start3A_74 = arith.constant 224 : i32
    %dma_start3A_75 = arith.constant 0 : i32
    %dma_start3A_76 = tpu.memref_slice %arg7[%dma_start3A_74, %dma_start3A_75] : memref<448x128xf32, #tpu.memory_space<vmem>> -> memref<112x128xf32, #tpu.memory_space<vmem>>
    %dma_start3A_77 = arith.constant 0 : i32
    %dma_start3A_78 = tpu.memref_slice %arg4[%add3A_73, %dma_start3A_77] : memref<100000x128xf32, #tpu.memory_space<hbm>> -> memref<112x128xf32, #tpu.memory_space<hbm>>
    %dma_start3A_79 = arith.constant 0 : i32
    %dma_start3A_80 = tpu.memref_slice %arg4[%add3A_73, %dma_start3A_79] : memref<100000x128xf32, #tpu.memory_space<hbm>> -> memref<112x128xf32, #tpu.memory_space<hbm>>
    %dma_start3A_81 = arith.constant 224 : i32
    %dma_start3A_82 = arith.constant 0 : i32
    %dma_start3A_83 = tpu.memref_slice %arg7[%dma_start3A_81, %dma_start3A_82] : memref<448x128xf32, #tpu.memory_space<vmem>> -> memref<112x128xf32, #tpu.memory_space<vmem>>
    tpu.enqueue_dma source(%dma_start3A_83 : memref<112x128xf32, #tpu.memory_space<vmem>>) target(%dma_start3A_80 : memref<112x128xf32, #tpu.memory_space<hbm>>) target_semaphore(%arg10 : memref<!tpu.dma_semaphore, #tpu.memory_space<semaphore_mem>>)
    %parallel_loop3A_84 = arith.constant 0 : i32
    %parallel_loop3A_85 = arith.constant 112 : i32
    %parallel_loop3A_86 = arith.constant 1 : i32
    scf.for %parallel_loop3A_145 = %parallel_loop3A_84 to %parallel_loop3A_85 step %parallel_loop3A_86  : i32 {
      %parallel_loop3A_146 = arith.constant -16 : i32
      %parallel_loop3A_147 = arith.andi %parallel_loop3A_145, %parallel_loop3A_146 : i32
      %parallel_loop3A_148 = arith.constant 336 : i32
      %parallel_loop3A_149 = arith.addi %parallel_loop3A_148, %parallel_loop3A_147 : i32
      %parallel_loop3A_150 = arith.index_cast %parallel_loop3A_149 : i32 to index
      %parallel_loop3A_151 = tpu.vector_load %arg6[%parallel_loop3A_150] {strides = array<i32>} : memref<3136xi32, #tpu.memory_space<vmem>>, vector<16xi32>,
      %parallel_loop3A_152 = arith.constant 128 : i32
      %parallel_loop3A_153 = vector.broadcast %parallel_loop3A_152 : i32 to vector<16xi32>
      %parallel_loop3A_154 = arith.muli %parallel_loop3A_151, %parallel_loop3A_153 : vector<16xi32>
      %parallel_loop3A_155 = arith.constant 15 : i32
      %parallel_loop3A_156 = arith.andi %parallel_loop3A_145, %parallel_loop3A_155 : i32
      %parallel_loop3A_157 = vector.broadcast %parallel_loop3A_156 : i32 to vector<16x1xi32>
      %parallel_loop3A_158 = vector.shape_cast %parallel_loop3A_157 : vector<16x1xi32> to vector<16xi32>
      %parallel_loop3A_159 = tpu.dynamic_gather %parallel_loop3A_154[%parallel_loop3A_158] in [0] : vector<16xi32>, vector<16xi32> -> vector<16xi32>
      %parallel_loop3A_160 = arith.constant 336 : i32
      %parallel_loop3A_161 = arith.addi %parallel_loop3A_160, %parallel_loop3A_145 : i32
      %parallel_loop3A_162 = arith.addi %parallel_loop3A_159, %add3A_8 : vector<16xi32>
      %parallel_loop3A_163 = tpu.vector_load_idx %arg5[%parallel_loop3A_162] : memref<3584xf32, #tpu.memory_space<vmem>>[vector<16xi32>], vector<16xf32>,
      %parallel_loop3A_164 = arith.constant 0 : i32
      %parallel_loop3A_165 = tpu.memref_slice %arg7[%parallel_loop3A_161, %parallel_loop3A_164] : memref<448x128xf32, #tpu.memory_space<vmem>> -> memref<1x128xf32, #tpu.memory_space<vmem>>
      %parallel_loop3A_166 = tpu.memref_squeeze %parallel_loop3A_165 : memref<1x128xf32, #tpu.memory_space<vmem>> -> memref<128xf32, #tpu.memory_space<vmem>>
      %parallel_loop3A_167 = arith.constant 0 : index
      %parallel_loop3A_168 = tpu.vector_load %parallel_loop3A_166[%parallel_loop3A_167] {strides = array<i32>} : memref<128xf32, #tpu.memory_space<vmem>>, vector<16xf32>,
      tpu.vector_store %parallel_loop3A_166[%parallel_loop3A_167], %parallel_loop3A_163 {strides = array<i32>} : memref<128xf32, #tpu.memory_space<vmem>>, vector<16xf32>,
      %parallel_loop3A_169 = arith.addi %parallel_loop3A_159, %add3A_12 : vector<16xi32>
      %parallel_loop3A_170 = tpu.vector_load_idx %arg5[%parallel_loop3A_169] : memref<3584xf32, #tpu.memory_space<vmem>>[vector<16xi32>], vector<16xf32>,
      %parallel_loop3A_171 = arith.constant 0 : i32
      %parallel_loop3A_172 = tpu.memref_slice %arg7[%parallel_loop3A_161, %parallel_loop3A_171] : memref<448x128xf32, #tpu.memory_space<vmem>> -> memref<1x128xf32, #tpu.memory_space<vmem>>
      %parallel_loop3A_173 = tpu.memref_squeeze %parallel_loop3A_172 : memref<1x128xf32, #tpu.memory_space<vmem>> -> memref<128xf32, #tpu.memory_space<vmem>>
      %parallel_loop3A_174 = arith.constant 16 : index
      %parallel_loop3A_175 = tpu.vector_load %parallel_loop3A_173[%parallel_loop3A_174] {strides = array<i32>} : memref<128xf32, #tpu.memory_space<vmem>>, vector<16xf32>,
      tpu.vector_store %parallel_loop3A_173[%parallel_loop3A_174], %parallel_loop3A_170 {strides = array<i32>} : memref<128xf32, #tpu.memory_space<vmem>>, vector<16xf32>,
      %parallel_loop3A_176 = arith.addi %parallel_loop3A_159, %add3A_16 : vector<16xi32>
      %parallel_loop3A_177 = tpu.vector_load_idx %arg5[%parallel_loop3A_176] : memref<3584xf32, #tpu.memory_space<vmem>>[vector<16xi32>], vector<16xf32>,
      %parallel_loop3A_178 = arith.constant 0 : i32
      %parallel_loop3A_179 = tpu.memref_slice %arg7[%parallel_loop3A_161, %parallel_loop3A_178] : memref<448x128xf32, #tpu.memory_space<vmem>> -> memref<1x128xf32, #tpu.memory_space<vmem>>
      %parallel_loop3A_180 = tpu.memref_squeeze %parallel_loop3A_179 : memref<1x128xf32, #tpu.memory_space<vmem>> -> memref<128xf32, #tpu.memory_space<vmem>>
      %parallel_loop3A_181 = arith.constant 32 : index
      %parallel_loop3A_182 = tpu.vector_load %parallel_loop3A_180[%parallel_loop3A_181] {strides = array<i32>} : memref<128xf32, #tpu.memory_space<vmem>>, vector<16xf32>,
      tpu.vector_store %parallel_loop3A_180[%parallel_loop3A_181], %parallel_loop3A_177 {strides = array<i32>} : memref<128xf32, #tpu.memory_space<vmem>>, vector<16xf32>,
      %parallel_loop3A_183 = arith.addi %parallel_loop3A_159, %add3A_20 : vector<16xi32>
      %parallel_loop3A_184 = tpu.vector_load_idx %arg5[%parallel_loop3A_183] : memref<3584xf32, #tpu.memory_space<vmem>>[vector<16xi32>], vector<16xf32>,
      %parallel_loop3A_185 = arith.constant 0 : i32
      %parallel_loop3A_186 = tpu.memref_slice %arg7[%parallel_loop3A_161, %parallel_loop3A_185] : memref<448x128xf32, #tpu.memory_space<vmem>> -> memref<1x128xf32, #tpu.memory_space<vmem>>
      %parallel_loop3A_187 = tpu.memref_squeeze %parallel_loop3A_186 : memref<1x128xf32, #tpu.memory_space<vmem>> -> memref<128xf32, #tpu.memory_space<vmem>>
      %parallel_loop3A_188 = arith.constant 48 : index
      %parallel_loop3A_189 = tpu.vector_load %parallel_loop3A_187[%parallel_loop3A_188] {strides = array<i32>} : memref<128xf32, #tpu.memory_space<vmem>>, vector<16xf32>,
      tpu.vector_store %parallel_loop3A_187[%parallel_loop3A_188], %parallel_loop3A_184 {strides = array<i32>} : memref<128xf32, #tpu.memory_space<vmem>>, vector<16xf32>,
      %parallel_loop3A_190 = arith.addi %parallel_loop3A_159, %add3A_24 : vector<16xi32>
      %parallel_loop3A_191 = tpu.vector_load_idx %arg5[%parallel_loop3A_190] : memref<3584xf32, #tpu.memory_space<vmem>>[vector<16xi32>], vector<16xf32>,
      %parallel_loop3A_192 = arith.constant 0 : i32
      %parallel_loop3A_193 = tpu.memref_slice %arg7[%parallel_loop3A_161, %parallel_loop3A_192] : memref<448x128xf32, #tpu.memory_space<vmem>> -> memref<1x128xf32, #tpu.memory_space<vmem>>
      %parallel_loop3A_194 = tpu.memref_squeeze %parallel_loop3A_193 : memref<1x128xf32, #tpu.memory_space<vmem>> -> memref<128xf32, #tpu.memory_space<vmem>>
      %parallel_loop3A_195 = arith.constant 64 : index
      %parallel_loop3A_196 = tpu.vector_load %parallel_loop3A_194[%parallel_loop3A_195] {strides = array<i32>} : memref<128xf32, #tpu.memory_space<vmem>>, vector<16xf32>,
      tpu.vector_store %parallel_loop3A_194[%parallel_loop3A_195], %parallel_loop3A_191 {strides = array<i32>} : memref<128xf32, #tpu.memory_space<vmem>>, vector<16xf32>,
      %parallel_loop3A_197 = arith.addi %parallel_loop3A_159, %add3A_28 : vector<16xi32>
      %parallel_loop3A_198 = tpu.vector_load_idx %arg5[%parallel_loop3A_197] : memref<3584xf32, #tpu.memory_space<vmem>>[vector<16xi32>], vector<16xf32>,
      %parallel_loop3A_199 = arith.constant 0 : i32
      %parallel_loop3A_200 = tpu.memref_slice %arg7[%parallel_loop3A_161, %parallel_loop3A_199] : memref<448x128xf32, #tpu.memory_space<vmem>> -> memref<1x128xf32, #tpu.memory_space<vmem>>
      %parallel_loop3A_201 = tpu.memref_squeeze %parallel_loop3A_200 : memref<1x128xf32, #tpu.memory_space<vmem>> -> memref<128xf32, #tpu.memory_space<vmem>>
      %parallel_loop3A_202 = arith.constant 80 : index
      %parallel_loop3A_203 = tpu.vector_load %parallel_loop3A_201[%parallel_loop3A_202] {strides = array<i32>} : memref<128xf32, #tpu.memory_space<vmem>>, vector<16xf32>,
      tpu.vector_store %parallel_loop3A_201[%parallel_loop3A_202], %parallel_loop3A_198 {strides = array<i32>} : memref<128xf32, #tpu.memory_space<vmem>>, vector<16xf32>,
      %parallel_loop3A_204 = arith.addi %parallel_loop3A_159, %add3A_32 : vector<16xi32>
      %parallel_loop3A_205 = tpu.vector_load_idx %arg5[%parallel_loop3A_204] : memref<3584xf32, #tpu.memory_space<vmem>>[vector<16xi32>], vector<16xf32>,
      %parallel_loop3A_206 = arith.constant 0 : i32
      %parallel_loop3A_207 = tpu.memref_slice %arg7[%parallel_loop3A_161, %parallel_loop3A_206] : memref<448x128xf32, #tpu.memory_space<vmem>> -> memref<1x128xf32, #tpu.memory_space<vmem>>
      %parallel_loop3A_208 = tpu.memref_squeeze %parallel_loop3A_207 : memref<1x128xf32, #tpu.memory_space<vmem>> -> memref<128xf32, #tpu.memory_space<vmem>>
      %parallel_loop3A_209 = arith.constant 96 : index
      %parallel_loop3A_210 = tpu.vector_load %parallel_loop3A_208[%parallel_loop3A_209] {strides = array<i32>} : memref<128xf32, #tpu.memory_space<vmem>>, vector<16xf32>,
      tpu.vector_store %parallel_loop3A_208[%parallel_loop3A_209], %parallel_loop3A_205 {strides = array<i32>} : memref<128xf32, #tpu.memory_space<vmem>>, vector<16xf32>,
      %parallel_loop3A_211 = arith.addi %parallel_loop3A_159, %add3A_36 : vector<16xi32>
      %parallel_loop3A_212 = tpu.vector_load_idx %arg5[%parallel_loop3A_211] : memref<3584xf32, #tpu.memory_space<vmem>>[vector<16xi32>], vector<16xf32>,
      %parallel_loop3A_213 = arith.constant 0 : i32
      %parallel_loop3A_214 = tpu.memref_slice %arg7[%parallel_loop3A_161, %parallel_loop3A_213] : memref<448x128xf32, #tpu.memory_space<vmem>> -> memref<1x128xf32, #tpu.memory_space<vmem>>
      %parallel_loop3A_215 = tpu.memref_squeeze %parallel_loop3A_214 : memref<1x128xf32, #tpu.memory_space<vmem>> -> memref<128xf32, #tpu.memory_space<vmem>>
      %parallel_loop3A_216 = arith.constant 112 : index
      %parallel_loop3A_217 = tpu.vector_load %parallel_loop3A_215[%parallel_loop3A_216] {strides = array<i32>} : memref<128xf32, #tpu.memory_space<vmem>>, vector<16xf32>,
      tpu.vector_store %parallel_loop3A_215[%parallel_loop3A_216], %parallel_loop3A_212 {strides = array<i32>} : memref<128xf32, #tpu.memory_space<vmem>>, vector<16xf32>,
    } {sc.loop_unroll_factor = 1 : i64, sc.parallel_access}
    %multiple_of3A_87 = arith.constant 336 : i32
    %multiple_of3A_88 = tpu.assume_multiple %multiple_of3A_87, 8 : i32
    %add3A_89 = arith.addi %multiple_of3A, %multiple_of3A_88 : i32
    %dma_start3A_90 = arith.constant 336 : i32
    %dma_start3A_91 = arith.constant 0 : i32
    %dma_start3A_92 = tpu.memref_slice %arg7[%dma_start3A_90, %dma_start3A_91] : memref<448x128xf32, #tpu.memory_space<vmem>> -> memref<112x128xf32, #tpu.memory_space<vmem>>
    %dma_start3A_93 = arith.constant 0 : i32
    %dma_start3A_94 = tpu.memref_slice %arg4[%add3A_89, %dma_start3A_93] : memref<100000x128xf32, #tpu.memory_space<hbm>> -> memref<112x128xf32, #tpu.memory_space<hbm>>
    %dma_start3A_95 = arith.constant 0 : i32
    %dma_start3A_96 = tpu.memref_slice %arg4[%add3A_89, %dma_start3A_95] : memref<100000x128xf32, #tpu.memory_space<hbm>> -> memref<112x128xf32, #tpu.memory_space<hbm>>
    %dma_start3A_97 = arith.constant 336 : i32
    %dma_start3A_98 = arith.constant 0 : i32
    %dma_start3A_99 = tpu.memref_slice %arg7[%dma_start3A_97, %dma_start3A_98] : memref<448x128xf32, #tpu.memory_space<vmem>> -> memref<112x128xf32, #tpu.memory_space<vmem>>
    tpu.enqueue_dma source(%dma_start3A_99 : memref<112x128xf32, #tpu.memory_space<vmem>>) target(%dma_start3A_96 : memref<112x128xf32, #tpu.memory_space<hbm>>) target_semaphore(%arg11 : memref<!tpu.dma_semaphore, #tpu.memory_space<semaphore_mem>>)
    %scan3A = arith.constant 0 : i32
    %scan3A_100 = arith.constant 1 : i32
    %scan3A_101 = arith.constant 6 : i32
    %scan3A_102 = arith.addi %scan3A_100, %scan3A_101 : i32
    %scan3A_103 = arith.constant 1 : i32
    scf.for %scan3A_145 = %scan3A_100 to %scan3A_102 step %scan3A_103  : i32 {
      %mul3A_146 = arith.constant 4 : i32
      %mul3A_147 = arith.muli %scan3A_145, %mul3A_146 : i32
      %dma_wait3A_148 = arith.constant 0 : i32
      %dma_wait3A_149 = arith.constant 0 : i32
      %dma_wait3A_150 = tpu.memref_slice %arg7[%dma_wait3A_148, %dma_wait3A_149] : memref<448x128xf32, #tpu.memory_space<vmem>> -> memref<112x128xf32, #tpu.memory_space<vmem>>
      %dma_wait3A_151 = arith.constant 0 : i32
      %dma_wait3A_152 = tpu.memref_slice %arg4[%multiple_of3A, %dma_wait3A_151] : memref<100000x128xf32, #tpu.memory_space<hbm>> -> memref<112x128xf32, #tpu.memory_space<hbm>>
      %dma_wait3A_153 = arith.constant 0 : i32
      %dma_wait3A_154 = tpu.memref_slice %arg4[%multiple_of3A, %dma_wait3A_153] : memref<100000x128xf32, #tpu.memory_space<hbm>> -> memref<112x128xf32, #tpu.memory_space<hbm>>
      %dma_wait3A_155 = arith.constant 0 : i32
      %dma_wait3A_156 = arith.constant 0 : i32
      %dma_wait3A_157 = tpu.memref_slice %arg7[%dma_wait3A_155, %dma_wait3A_156] : memref<448x128xf32, #tpu.memory_space<vmem>> -> memref<112x128xf32, #tpu.memory_space<vmem>>
      tpu.wait_dma2 semaphore(%arg8 : memref<!tpu.dma_semaphore, #tpu.memory_space<semaphore_mem>>) src(%dma_wait3A_157 : memref<112x128xf32, #tpu.memory_space<vmem>>) dst(%dma_wait3A_154 : memref<112x128xf32, #tpu.memory_space<hbm>>)
      %add3A_158 = arith.constant 0 : i32
      %add3A_159 = arith.addi %mul3A_147, %add3A_158 : i32
      %parallel_loop3A_160 = arith.constant 0 : i32
      %parallel_loop3A_161 = arith.constant 112 : i32
      %parallel_loop3A_162 = arith.constant 1 : i32
      scf.for %parallel_loop3A_272 = %parallel_loop3A_160 to %parallel_loop3A_161 step %parallel_loop3A_162  : i32 {
        %parallel_loop3A_273 = arith.constant 112 : i32
        %parallel_loop3A_274 = arith.muli %add3A_159, %parallel_loop3A_273 : i32
        %parallel_loop3A_275 = arith.constant -16 : i32
        %parallel_loop3A_276 = arith.andi %parallel_loop3A_272, %parallel_loop3A_275 : i32
        %parallel_loop3A_277 = arith.addi %parallel_loop3A_274, %parallel_loop3A_276 : i32
        %parallel_loop3A_278 = arith.index_cast %parallel_loop3A_277 : i32 to index
        %parallel_loop3A_279 = tpu.vector_load %arg6[%parallel_loop3A_278] {strides = array<i32>} : memref<3136xi32, #tpu.memory_space<vmem>>, vector<16xi32>,
        %parallel_loop3A_280 = arith.constant 128 : i32
        %parallel_loop3A_281 = vector.broadcast %parallel_loop3A_280 : i32 to vector<16xi32>
        %parallel_loop3A_282 = arith.muli %parallel_loop3A_279, %parallel_loop3A_281 : vector<16xi32>
        %parallel_loop3A_283 = arith.constant 15 : i32
        %parallel_loop3A_284 = arith.andi %parallel_loop3A_272, %parallel_loop3A_283 : i32
        %parallel_loop3A_285 = vector.broadcast %parallel_loop3A_284 : i32 to vector<16x1xi32>
        %parallel_loop3A_286 = vector.shape_cast %parallel_loop3A_285 : vector<16x1xi32> to vector<16xi32>
        %parallel_loop3A_287 = tpu.dynamic_gather %parallel_loop3A_282[%parallel_loop3A_286] in [0] : vector<16xi32>, vector<16xi32> -> vector<16xi32>
        %parallel_loop3A_288 = arith.constant 0 : i32
        %parallel_loop3A_289 = arith.addi %parallel_loop3A_288, %parallel_loop3A_272 : i32
        %parallel_loop3A_290 = arith.addi %parallel_loop3A_287, %add3A_8 : vector<16xi32>
        %parallel_loop3A_291 = tpu.vector_load_idx %arg5[%parallel_loop3A_290] : memref<3584xf32, #tpu.memory_space<vmem>>[vector<16xi32>], vector<16xf32>,
        %parallel_loop3A_292 = arith.constant 0 : i32
        %parallel_loop3A_293 = tpu.memref_slice %arg7[%parallel_loop3A_289, %parallel_loop3A_292] : memref<448x128xf32, #tpu.memory_space<vmem>> -> memref<1x128xf32, #tpu.memory_space<vmem>>
        %parallel_loop3A_294 = tpu.memref_squeeze %parallel_loop3A_293 : memref<1x128xf32, #tpu.memory_space<vmem>> -> memref<128xf32, #tpu.memory_space<vmem>>
        %parallel_loop3A_295 = arith.constant 0 : index
        %parallel_loop3A_296 = tpu.vector_load %parallel_loop3A_294[%parallel_loop3A_295] {strides = array<i32>} : memref<128xf32, #tpu.memory_space<vmem>>, vector<16xf32>,
        tpu.vector_store %parallel_loop3A_294[%parallel_loop3A_295], %parallel_loop3A_291 {strides = array<i32>} : memref<128xf32, #tpu.memory_space<vmem>>, vector<16xf32>,
        %parallel_loop3A_297 = arith.addi %parallel_loop3A_287, %add3A_12 : vector<16xi32>
        %parallel_loop3A_298 = tpu.vector_load_idx %arg5[%parallel_loop3A_297] : memref<3584xf32, #tpu.memory_space<vmem>>[vector<16xi32>], vector<16xf32>,
        %parallel_loop3A_299 = arith.constant 0 : i32
        %parallel_loop3A_300 = tpu.memref_slice %arg7[%parallel_loop3A_289, %parallel_loop3A_299] : memref<448x128xf32, #tpu.memory_space<vmem>> -> memref<1x128xf32, #tpu.memory_space<vmem>>
        %parallel_loop3A_301 = tpu.memref_squeeze %parallel_loop3A_300 : memref<1x128xf32, #tpu.memory_space<vmem>> -> memref<128xf32, #tpu.memory_space<vmem>>
        %parallel_loop3A_302 = arith.constant 16 : index
        %parallel_loop3A_303 = tpu.vector_load %parallel_loop3A_301[%parallel_loop3A_302] {strides = array<i32>} : memref<128xf32, #tpu.memory_space<vmem>>, vector<16xf32>,
        tpu.vector_store %parallel_loop3A_301[%parallel_loop3A_302], %parallel_loop3A_298 {strides = array<i32>} : memref<128xf32, #tpu.memory_space<vmem>>, vector<16xf32>,
        %parallel_loop3A_304 = arith.addi %parallel_loop3A_287, %add3A_16 : vector<16xi32>
        %parallel_loop3A_305 = tpu.vector_load_idx %arg5[%parallel_loop3A_304] : memref<3584xf32, #tpu.memory_space<vmem>>[vector<16xi32>], vector<16xf32>,
        %parallel_loop3A_306 = arith.constant 0 : i32
        %parallel_loop3A_307 = tpu.memref_slice %arg7[%parallel_loop3A_289, %parallel_loop3A_306] : memref<448x128xf32, #tpu.memory_space<vmem>> -> memref<1x128xf32, #tpu.memory_space<vmem>>
        %parallel_loop3A_308 = tpu.memref_squeeze %parallel_loop3A_307 : memref<1x128xf32, #tpu.memory_space<vmem>> -> memref<128xf32, #tpu.memory_space<vmem>>
        %parallel_loop3A_309 = arith.constant 32 : index
        %parallel_loop3A_310 = tpu.vector_load %parallel_loop3A_308[%parallel_loop3A_309] {strides = array<i32>} : memref<128xf32, #tpu.memory_space<vmem>>, vector<16xf32>,
        tpu.vector_store %parallel_loop3A_308[%parallel_loop3A_309], %parallel_loop3A_305 {strides = array<i32>} : memref<128xf32, #tpu.memory_space<vmem>>, vector<16xf32>,
        %parallel_loop3A_311 = arith.addi %parallel_loop3A_287, %add3A_20 : vector<16xi32>
        %parallel_loop3A_312 = tpu.vector_load_idx %arg5[%parallel_loop3A_311] : memref<3584xf32, #tpu.memory_space<vmem>>[vector<16xi32>], vector<16xf32>,
        %parallel_loop3A_313 = arith.constant 0 : i32
        %parallel_loop3A_314 = tpu.memref_slice %arg7[%parallel_loop3A_289, %parallel_loop3A_313] : memref<448x128xf32, #tpu.memory_space<vmem>> -> memref<1x128xf32, #tpu.memory_space<vmem>>
        %parallel_loop3A_315 = tpu.memref_squeeze %parallel_loop3A_314 : memref<1x128xf32, #tpu.memory_space<vmem>> -> memref<128xf32, #tpu.memory_space<vmem>>
        %parallel_loop3A_316 = arith.constant 48 : index
        %parallel_loop3A_317 = tpu.vector_load %parallel_loop3A_315[%parallel_loop3A_316] {strides = array<i32>} : memref<128xf32, #tpu.memory_space<vmem>>, vector<16xf32>,
        tpu.vector_store %parallel_loop3A_315[%parallel_loop3A_316], %parallel_loop3A_312 {strides = array<i32>} : memref<128xf32, #tpu.memory_space<vmem>>, vector<16xf32>,
        %parallel_loop3A_318 = arith.addi %parallel_loop3A_287, %add3A_24 : vector<16xi32>
        %parallel_loop3A_319 = tpu.vector_load_idx %arg5[%parallel_loop3A_318] : memref<3584xf32, #tpu.memory_space<vmem>>[vector<16xi32>], vector<16xf32>,
        %parallel_loop3A_320 = arith.constant 0 : i32
        %parallel_loop3A_321 = tpu.memref_slice %arg7[%parallel_loop3A_289, %parallel_loop3A_320] : memref<448x128xf32, #tpu.memory_space<vmem>> -> memref<1x128xf32, #tpu.memory_space<vmem>>
        %parallel_loop3A_322 = tpu.memref_squeeze %parallel_loop3A_321 : memref<1x128xf32, #tpu.memory_space<vmem>> -> memref<128xf32, #tpu.memory_space<vmem>>
        %parallel_loop3A_323 = arith.constant 64 : index
        %parallel_loop3A_324 = tpu.vector_load %parallel_loop3A_322[%parallel_loop3A_323] {strides = array<i32>} : memref<128xf32, #tpu.memory_space<vmem>>, vector<16xf32>,
        tpu.vector_store %parallel_loop3A_322[%parallel_loop3A_323], %parallel_loop3A_319 {strides = array<i32>} : memref<128xf32, #tpu.memory_space<vmem>>, vector<16xf32>,
        %parallel_loop3A_325 = arith.addi %parallel_loop3A_287, %add3A_28 : vector<16xi32>
        %parallel_loop3A_326 = tpu.vector_load_idx %arg5[%parallel_loop3A_325] : memref<3584xf32, #tpu.memory_space<vmem>>[vector<16xi32>], vector<16xf32>,
        %parallel_loop3A_327 = arith.constant 0 : i32
        %parallel_loop3A_328 = tpu.memref_slice %arg7[%parallel_loop3A_289, %parallel_loop3A_327] : memref<448x128xf32, #tpu.memory_space<vmem>> -> memref<1x128xf32, #tpu.memory_space<vmem>>
        %parallel_loop3A_329 = tpu.memref_squeeze %parallel_loop3A_328 : memref<1x128xf32, #tpu.memory_space<vmem>> -> memref<128xf32, #tpu.memory_space<vmem>>
        %parallel_loop3A_330 = arith.constant 80 : index
        %parallel_loop3A_331 = tpu.vector_load %parallel_loop3A_329[%parallel_loop3A_330] {strides = array<i32>} : memref<128xf32, #tpu.memory_space<vmem>>, vector<16xf32>,
        tpu.vector_store %parallel_loop3A_329[%parallel_loop3A_330], %parallel_loop3A_326 {strides = array<i32>} : memref<128xf32, #tpu.memory_space<vmem>>, vector<16xf32>,
        %parallel_loop3A_332 = arith.addi %parallel_loop3A_287, %add3A_32 : vector<16xi32>
        %parallel_loop3A_333 = tpu.vector_load_idx %arg5[%parallel_loop3A_332] : memref<3584xf32, #tpu.memory_space<vmem>>[vector<16xi32>], vector<16xf32>,
        %parallel_loop3A_334 = arith.constant 0 : i32
        %parallel_loop3A_335 = tpu.memref_slice %arg7[%parallel_loop3A_289, %parallel_loop3A_334] : memref<448x128xf32, #tpu.memory_space<vmem>> -> memref<1x128xf32, #tpu.memory_space<vmem>>
        %parallel_loop3A_336 = tpu.memref_squeeze %parallel_loop3A_335 : memref<1x128xf32, #tpu.memory_space<vmem>> -> memref<128xf32, #tpu.memory_space<vmem>>
        %parallel_loop3A_337 = arith.constant 96 : index
        %parallel_loop3A_338 = tpu.vector_load %parallel_loop3A_336[%parallel_loop3A_337] {strides = array<i32>} : memref<128xf32, #tpu.memory_space<vmem>>, vector<16xf32>,
        tpu.vector_store %parallel_loop3A_336[%parallel_loop3A_337], %parallel_loop3A_333 {strides = array<i32>} : memref<128xf32, #tpu.memory_space<vmem>>, vector<16xf32>,
        %parallel_loop3A_339 = arith.addi %parallel_loop3A_287, %add3A_36 : vector<16xi32>
        %parallel_loop3A_340 = tpu.vector_load_idx %arg5[%parallel_loop3A_339] : memref<3584xf32, #tpu.memory_space<vmem>>[vector<16xi32>], vector<16xf32>,
        %parallel_loop3A_341 = arith.constant 0 : i32
        %parallel_loop3A_342 = tpu.memref_slice %arg7[%parallel_loop3A_289, %parallel_loop3A_341] : memref<448x128xf32, #tpu.memory_space<vmem>> -> memref<1x128xf32, #tpu.memory_space<vmem>>
        %parallel_loop3A_343 = tpu.memref_squeeze %parallel_loop3A_342 : memref<1x128xf32, #tpu.memory_space<vmem>> -> memref<128xf32, #tpu.memory_space<vmem>>
        %parallel_loop3A_344 = arith.constant 112 : index
        %parallel_loop3A_345 = tpu.vector_load %parallel_loop3A_343[%parallel_loop3A_344] {strides = array<i32>} : memref<128xf32, #tpu.memory_space<vmem>>, vector<16xf32>,
        tpu.vector_store %parallel_loop3A_343[%parallel_loop3A_344], %parallel_loop3A_340 {strides = array<i32>} : memref<128xf32, #tpu.memory_space<vmem>>, vector<16xf32>,
      } {sc.loop_unroll_factor = 1 : i64, sc.parallel_access}
      %add3A_163 = arith.constant 0 : i32
      %add3A_164 = arith.addi %mul3A_147, %add3A_163 : i32
      %mul3A_165 = arith.constant 112 : i32
      %mul3A_166 = arith.muli %add3A_164, %mul3A_165 : i32
      %multiple_of3A_167 = tpu.assume_multiple %mul3A_166, 8 : i32
      %add3A_168 = arith.addi %multiple_of3A, %multiple_of3A_167 : i32
      %dma_start3A_169 = arith.constant 0 : i32
      %dma_start3A_170 = arith.constant 0 : i32
      %dma_start3A_171 = tpu.memref_slice %arg7[%dma_start3A_169, %dma_start3A_170] : memref<448x128xf32, #tpu.memory_space<vmem>> -> memref<112x128xf32, #tpu.memory_space<vmem>>
      %dma_start3A_172 = arith.constant 0 : i32
      %dma_start3A_173 = tpu.memref_slice %arg4[%add3A_168, %dma_start3A_172] : memref<100000x128xf32, #tpu.memory_space<hbm>> -> memref<112x128xf32, #tpu.memory_space<hbm>>
      %dma_start3A_174 = arith.constant 0 : i32
      %dma_start3A_175 = tpu.memref_slice %arg4[%add3A_168, %dma_start3A_174] : memref<100000x128xf32, #tpu.memory_space<hbm>> -> memref<112x128xf32, #tpu.memory_space<hbm>>
      %dma_start3A_176 = arith.constant 0 : i32
      %dma_start3A_177 = arith.constant 0 : i32
      %dma_start3A_178 = tpu.memref_slice %arg7[%dma_start3A_176, %dma_start3A_177] : memref<448x128xf32, #tpu.memory_space<vmem>> -> memref<112x128xf32, #tpu.memory_space<vmem>>
      tpu.enqueue_dma source(%dma_start3A_178 : memref<112x128xf32, #tpu.memory_space<vmem>>) target(%dma_start3A_175 : memref<112x128xf32, #tpu.memory_space<hbm>>) target_semaphore(%arg8 : memref<!tpu.dma_semaphore, #tpu.memory_space<semaphore_mem>>)
      %dma_wait3A_179 = arith.constant 112 : i32
      %dma_wait3A_180 = arith.constant 0 : i32
      %dma_wait3A_181 = tpu.memref_slice %arg7[%dma_wait3A_179, %dma_wait3A_180] : memref<448x128xf32, #tpu.memory_space<vmem>> -> memref<112x128xf32, #tpu.memory_space<vmem>>
      %dma_wait3A_182 = arith.constant 0 : i32
      %dma_wait3A_183 = tpu.memref_slice %arg4[%multiple_of3A, %dma_wait3A_182] : memref<100000x128xf32, #tpu.memory_space<hbm>> -> memref<112x128xf32, #tpu.memory_space<hbm>>
      %dma_wait3A_184 = arith.constant 0 : i32
      %dma_wait3A_185 = tpu.memref_slice %arg4[%multiple_of3A, %dma_wait3A_184] : memref<100000x128xf32, #tpu.memory_space<hbm>> -> memref<112x128xf32, #tpu.memory_space<hbm>>
      %dma_wait3A_186 = arith.constant 112 : i32
      %dma_wait3A_187 = arith.constant 0 : i32
      %dma_wait3A_188 = tpu.memref_slice %arg7[%dma_wait3A_186, %dma_wait3A_187] : memref<448x128xf32, #tpu.memory_space<vmem>> -> memref<112x128xf32, #tpu.memory_space<vmem>>
      tpu.wait_dma2 semaphore(%arg9 : memref<!tpu.dma_semaphore, #tpu.memory_space<semaphore_mem>>) src(%dma_wait3A_188 : memref<112x128xf32, #tpu.memory_space<vmem>>) dst(%dma_wait3A_185 : memref<112x128xf32, #tpu.memory_space<hbm>>)
      %add3A_189 = arith.constant 1 : i32
      %add3A_190 = arith.addi %mul3A_147, %add3A_189 : i32
      %parallel_loop3A_191 = arith.constant 0 : i32
      %parallel_loop3A_192 = arith.constant 112 : i32
      %parallel_loop3A_193 = arith.constant 1 : i32
      scf.for %parallel_loop3A_272 = %parallel_loop3A_191 to %parallel_loop3A_192 step %parallel_loop3A_193  : i32 {
        %parallel_loop3A_273 = arith.constant 112 : i32
        %parallel_loop3A_274 = arith.muli %add3A_190, %parallel_loop3A_273 : i32
        %parallel_loop3A_275 = arith.constant -16 : i32
        %parallel_loop3A_276 = arith.andi %parallel_loop3A_272, %parallel_loop3A_275 : i32
        %parallel_loop3A_277 = arith.addi %parallel_loop3A_274, %parallel_loop3A_276 : i32
        %parallel_loop3A_278 = arith.index_cast %parallel_loop3A_277 : i32 to index
        %parallel_loop3A_279 = tpu.vector_load %arg6[%parallel_loop3A_278] {strides = array<i32>} : memref<3136xi32, #tpu.memory_space<vmem>>, vector<16xi32>,
        %parallel_loop3A_280 = arith.constant 128 : i32
        %parallel_loop3A_281 = vector.broadcast %parallel_loop3A_280 : i32 to vector<16xi32>
        %parallel_loop3A_282 = arith.muli %parallel_loop3A_279, %parallel_loop3A_281 : vector<16xi32>
        %parallel_loop3A_283 = arith.constant 15 : i32
        %parallel_loop3A_284 = arith.andi %parallel_loop3A_272, %parallel_loop3A_283 : i32
        %parallel_loop3A_285 = vector.broadcast %parallel_loop3A_284 : i32 to vector<16x1xi32>
        %parallel_loop3A_286 = vector.shape_cast %parallel_loop3A_285 : vector<16x1xi32> to vector<16xi32>
        %parallel_loop3A_287 = tpu.dynamic_gather %parallel_loop3A_282[%parallel_loop3A_286] in [0] : vector<16xi32>, vector<16xi32> -> vector<16xi32>
        %parallel_loop3A_288 = arith.constant 112 : i32
        %parallel_loop3A_289 = arith.addi %parallel_loop3A_288, %parallel_loop3A_272 : i32
        %parallel_loop3A_290 = arith.addi %parallel_loop3A_287, %add3A_8 : vector<16xi32>
        %parallel_loop3A_291 = tpu.vector_load_idx %arg5[%parallel_loop3A_290] : memref<3584xf32, #tpu.memory_space<vmem>>[vector<16xi32>], vector<16xf32>,
        %parallel_loop3A_292 = arith.constant 0 : i32
        %parallel_loop3A_293 = tpu.memref_slice %arg7[%parallel_loop3A_289, %parallel_loop3A_292] : memref<448x128xf32, #tpu.memory_space<vmem>> -> memref<1x128xf32, #tpu.memory_space<vmem>>
        %parallel_loop3A_294 = tpu.memref_squeeze %parallel_loop3A_293 : memref<1x128xf32, #tpu.memory_space<vmem>> -> memref<128xf32, #tpu.memory_space<vmem>>
        %parallel_loop3A_295 = arith.constant 0 : index
        %parallel_loop3A_296 = tpu.vector_load %parallel_loop3A_294[%parallel_loop3A_295] {strides = array<i32>} : memref<128xf32, #tpu.memory_space<vmem>>, vector<16xf32>,
        tpu.vector_store %parallel_loop3A_294[%parallel_loop3A_295], %parallel_loop3A_291 {strides = array<i32>} : memref<128xf32, #tpu.memory_space<vmem>>, vector<16xf32>,
        %parallel_loop3A_297 = arith.addi %parallel_loop3A_287, %add3A_12 : vector<16xi32>
        %parallel_loop3A_298 = tpu.vector_load_idx %arg5[%parallel_loop3A_297] : memref<3584xf32, #tpu.memory_space<vmem>>[vector<16xi32>], vector<16xf32>,
        %parallel_loop3A_299 = arith.constant 0 : i32
        %parallel_loop3A_300 = tpu.memref_slice %arg7[%parallel_loop3A_289, %parallel_loop3A_299] : memref<448x128xf32, #tpu.memory_space<vmem>> -> memref<1x128xf32, #tpu.memory_space<vmem>>
        %parallel_loop3A_301 = tpu.memref_squeeze %parallel_loop3A_300 : memref<1x128xf32, #tpu.memory_space<vmem>> -> memref<128xf32, #tpu.memory_space<vmem>>
        %parallel_loop3A_302 = arith.constant 16 : index
        %parallel_loop3A_303 = tpu.vector_load %parallel_loop3A_301[%parallel_loop3A_302] {strides = array<i32>} : memref<128xf32, #tpu.memory_space<vmem>>, vector<16xf32>,
        tpu.vector_store %parallel_loop3A_301[%parallel_loop3A_302], %parallel_loop3A_298 {strides = array<i32>} : memref<128xf32, #tpu.memory_space<vmem>>, vector<16xf32>,
        %parallel_loop3A_304 = arith.addi %parallel_loop3A_287, %add3A_16 : vector<16xi32>
        %parallel_loop3A_305 = tpu.vector_load_idx %arg5[%parallel_loop3A_304] : memref<3584xf32, #tpu.memory_space<vmem>>[vector<16xi32>], vector<16xf32>,
        %parallel_loop3A_306 = arith.constant 0 : i32
        %parallel_loop3A_307 = tpu.memref_slice %arg7[%parallel_loop3A_289, %parallel_loop3A_306] : memref<448x128xf32, #tpu.memory_space<vmem>> -> memref<1x128xf32, #tpu.memory_space<vmem>>
        %parallel_loop3A_308 = tpu.memref_squeeze %parallel_loop3A_307 : memref<1x128xf32, #tpu.memory_space<vmem>> -> memref<128xf32, #tpu.memory_space<vmem>>
        %parallel_loop3A_309 = arith.constant 32 : index
        %parallel_loop3A_310 = tpu.vector_load %parallel_loop3A_308[%parallel_loop3A_309] {strides = array<i32>} : memref<128xf32, #tpu.memory_space<vmem>>, vector<16xf32>,
        tpu.vector_store %parallel_loop3A_308[%parallel_loop3A_309], %parallel_loop3A_305 {strides = array<i32>} : memref<128xf32, #tpu.memory_space<vmem>>, vector<16xf32>,
        %parallel_loop3A_311 = arith.addi %parallel_loop3A_287, %add3A_20 : vector<16xi32>
        %parallel_loop3A_312 = tpu.vector_load_idx %arg5[%parallel_loop3A_311] : memref<3584xf32, #tpu.memory_space<vmem>>[vector<16xi32>], vector<16xf32>,
        %parallel_loop3A_313 = arith.constant 0 : i32
        %parallel_loop3A_314 = tpu.memref_slice %arg7[%parallel_loop3A_289, %parallel_loop3A_313] : memref<448x128xf32, #tpu.memory_space<vmem>> -> memref<1x128xf32, #tpu.memory_space<vmem>>
        %parallel_loop3A_315 = tpu.memref_squeeze %parallel_loop3A_314 : memref<1x128xf32, #tpu.memory_space<vmem>> -> memref<128xf32, #tpu.memory_space<vmem>>
        %parallel_loop3A_316 = arith.constant 48 : index
        %parallel_loop3A_317 = tpu.vector_load %parallel_loop3A_315[%parallel_loop3A_316] {strides = array<i32>} : memref<128xf32, #tpu.memory_space<vmem>>, vector<16xf32>,
        tpu.vector_store %parallel_loop3A_315[%parallel_loop3A_316], %parallel_loop3A_312 {strides = array<i32>} : memref<128xf32, #tpu.memory_space<vmem>>, vector<16xf32>,
        %parallel_loop3A_318 = arith.addi %parallel_loop3A_287, %add3A_24 : vector<16xi32>
        %parallel_loop3A_319 = tpu.vector_load_idx %arg5[%parallel_loop3A_318] : memref<3584xf32, #tpu.memory_space<vmem>>[vector<16xi32>], vector<16xf32>,
        %parallel_loop3A_320 = arith.constant 0 : i32
        %parallel_loop3A_321 = tpu.memref_slice %arg7[%parallel_loop3A_289, %parallel_loop3A_320] : memref<448x128xf32, #tpu.memory_space<vmem>> -> memref<1x128xf32, #tpu.memory_space<vmem>>
        %parallel_loop3A_322 = tpu.memref_squeeze %parallel_loop3A_321 : memref<1x128xf32, #tpu.memory_space<vmem>> -> memref<128xf32, #tpu.memory_space<vmem>>
        %parallel_loop3A_323 = arith.constant 64 : index
        %parallel_loop3A_324 = tpu.vector_load %parallel_loop3A_322[%parallel_loop3A_323] {strides = array<i32>} : memref<128xf32, #tpu.memory_space<vmem>>, vector<16xf32>,
        tpu.vector_store %parallel_loop3A_322[%parallel_loop3A_323], %parallel_loop3A_319 {strides = array<i32>} : memref<128xf32, #tpu.memory_space<vmem>>, vector<16xf32>,
        %parallel_loop3A_325 = arith.addi %parallel_loop3A_287, %add3A_28 : vector<16xi32>
        %parallel_loop3A_326 = tpu.vector_load_idx %arg5[%parallel_loop3A_325] : memref<3584xf32, #tpu.memory_space<vmem>>[vector<16xi32>], vector<16xf32>,
        %parallel_loop3A_327 = arith.constant 0 : i32
        %parallel_loop3A_328 = tpu.memref_slice %arg7[%parallel_loop3A_289, %parallel_loop3A_327] : memref<448x128xf32, #tpu.memory_space<vmem>> -> memref<1x128xf32, #tpu.memory_space<vmem>>
        %parallel_loop3A_329 = tpu.memref_squeeze %parallel_loop3A_328 : memref<1x128xf32, #tpu.memory_space<vmem>> -> memref<128xf32, #tpu.memory_space<vmem>>
        %parallel_loop3A_330 = arith.constant 80 : index
        %parallel_loop3A_331 = tpu.vector_load %parallel_loop3A_329[%parallel_loop3A_330] {strides = array<i32>} : memref<128xf32, #tpu.memory_space<vmem>>, vector<16xf32>,
        tpu.vector_store %parallel_loop3A_329[%parallel_loop3A_330], %parallel_loop3A_326 {strides = array<i32>} : memref<128xf32, #tpu.memory_space<vmem>>, vector<16xf32>,
        %parallel_loop3A_332 = arith.addi %parallel_loop3A_287, %add3A_32 : vector<16xi32>
        %parallel_loop3A_333 = tpu.vector_load_idx %arg5[%parallel_loop3A_332] : memref<3584xf32, #tpu.memory_space<vmem>>[vector<16xi32>], vector<16xf32>,
        %parallel_loop3A_334 = arith.constant 0 : i32
        %parallel_loop3A_335 = tpu.memref_slice %arg7[%parallel_loop3A_289, %parallel_loop3A_334] : memref<448x128xf32, #tpu.memory_space<vmem>> -> memref<1x128xf32, #tpu.memory_space<vmem>>
        %parallel_loop3A_336 = tpu.memref_squeeze %parallel_loop3A_335 : memref<1x128xf32, #tpu.memory_space<vmem>> -> memref<128xf32, #tpu.memory_space<vmem>>
        %parallel_loop3A_337 = arith.constant 96 : index
        %parallel_loop3A_338 = tpu.vector_load %parallel_loop3A_336[%parallel_loop3A_337] {strides = array<i32>} : memref<128xf32, #tpu.memory_space<vmem>>, vector<16xf32>,
        tpu.vector_store %parallel_loop3A_336[%parallel_loop3A_337], %parallel_loop3A_333 {strides = array<i32>} : memref<128xf32, #tpu.memory_space<vmem>>, vector<16xf32>,
        %parallel_loop3A_339 = arith.addi %parallel_loop3A_287, %add3A_36 : vector<16xi32>
        %parallel_loop3A_340 = tpu.vector_load_idx %arg5[%parallel_loop3A_339] : memref<3584xf32, #tpu.memory_space<vmem>>[vector<16xi32>], vector<16xf32>,
        %parallel_loop3A_341 = arith.constant 0 : i32
        %parallel_loop3A_342 = tpu.memref_slice %arg7[%parallel_loop3A_289, %parallel_loop3A_341] : memref<448x128xf32, #tpu.memory_space<vmem>> -> memref<1x128xf32, #tpu.memory_space<vmem>>
        %parallel_loop3A_343 = tpu.memref_squeeze %parallel_loop3A_342 : memref<1x128xf32, #tpu.memory_space<vmem>> -> memref<128xf32, #tpu.memory_space<vmem>>
        %parallel_loop3A_344 = arith.constant 112 : index
        %parallel_loop3A_345 = tpu.vector_load %parallel_loop3A_343[%parallel_loop3A_344] {strides = array<i32>} : memref<128xf32, #tpu.memory_space<vmem>>, vector<16xf32>,
        tpu.vector_store %parallel_loop3A_343[%parallel_loop3A_344], %parallel_loop3A_340 {strides = array<i32>} : memref<128xf32, #tpu.memory_space<vmem>>, vector<16xf32>,
      } {sc.loop_unroll_factor = 1 : i64, sc.parallel_access}
      %add3A_194 = arith.constant 1 : i32
      %add3A_195 = arith.addi %mul3A_147, %add3A_194 : i32
      %mul3A_196 = arith.constant 112 : i32
      %mul3A_197 = arith.muli %add3A_195, %mul3A_196 : i32
      %multiple_of3A_198 = tpu.assume_multiple %mul3A_197, 8 : i32
      %add3A_199 = arith.addi %multiple_of3A, %multiple_of3A_198 : i32
      %dma_start3A_200 = arith.constant 112 : i32
      %dma_start3A_201 = arith.constant 0 : i32
      %dma_start3A_202 = tpu.memref_slice %arg7[%dma_start3A_200, %dma_start3A_201] : memref<448x128xf32, #tpu.memory_space<vmem>> -> memref<112x128xf32, #tpu.memory_space<vmem>>
      %dma_start3A_203 = arith.constant 0 : i32
      %dma_start3A_204 = tpu.memref_slice %arg4[%add3A_199, %dma_start3A_203] : memref<100000x128xf32, #tpu.memory_space<hbm>> -> memref<112x128xf32, #tpu.memory_space<hbm>>
      %dma_start3A_205 = arith.constant 0 : i32
      %dma_start3A_206 = tpu.memref_slice %arg4[%add3A_199, %dma_start3A_205] : memref<100000x128xf32, #tpu.memory_space<hbm>> -> memref<112x128xf32, #tpu.memory_space<hbm>>
      %dma_start3A_207 = arith.constant 112 : i32
      %dma_start3A_208 = arith.constant 0 : i32
      %dma_start3A_209 = tpu.memref_slice %arg7[%dma_start3A_207, %dma_start3A_208] : memref<448x128xf32, #tpu.memory_space<vmem>> -> memref<112x128xf32, #tpu.memory_space<vmem>>
      tpu.enqueue_dma source(%dma_start3A_209 : memref<112x128xf32, #tpu.memory_space<vmem>>) target(%dma_start3A_206 : memref<112x128xf32, #tpu.memory_space<hbm>>) target_semaphore(%arg9 : memref<!tpu.dma_semaphore, #tpu.memory_space<semaphore_mem>>)
      %dma_wait3A_210 = arith.constant 224 : i32
      %dma_wait3A_211 = arith.constant 0 : i32
      %dma_wait3A_212 = tpu.memref_slice %arg7[%dma_wait3A_210, %dma_wait3A_211] : memref<448x128xf32, #tpu.memory_space<vmem>> -> memref<112x128xf32, #tpu.memory_space<vmem>>
      %dma_wait3A_213 = arith.constant 0 : i32
      %dma_wait3A_214 = tpu.memref_slice %arg4[%multiple_of3A, %dma_wait3A_213] : memref<100000x128xf32, #tpu.memory_space<hbm>> -> memref<112x128xf32, #tpu.memory_space<hbm>>
      %dma_wait3A_215 = arith.constant 0 : i32
      %dma_wait3A_216 = tpu.memref_slice %arg4[%multiple_of3A, %dma_wait3A_215] : memref<100000x128xf32, #tpu.memory_space<hbm>> -> memref<112x128xf32, #tpu.memory_space<hbm>>
      %dma_wait3A_217 = arith.constant 224 : i32
      %dma_wait3A_218 = arith.constant 0 : i32
      %dma_wait3A_219 = tpu.memref_slice %arg7[%dma_wait3A_217, %dma_wait3A_218] : memref<448x128xf32, #tpu.memory_space<vmem>> -> memref<112x128xf32, #tpu.memory_space<vmem>>
      tpu.wait_dma2 semaphore(%arg10 : memref<!tpu.dma_semaphore, #tpu.memory_space<semaphore_mem>>) src(%dma_wait3A_219 : memref<112x128xf32, #tpu.memory_space<vmem>>) dst(%dma_wait3A_216 : memref<112x128xf32, #tpu.memory_space<hbm>>)
      %add3A_220 = arith.constant 2 : i32
      %add3A_221 = arith.addi %mul3A_147, %add3A_220 : i32
      %parallel_loop3A_222 = arith.constant 0 : i32
      %parallel_loop3A_223 = arith.constant 112 : i32
      %parallel_loop3A_224 = arith.constant 1 : i32
      scf.for %parallel_loop3A_272 = %parallel_loop3A_222 to %parallel_loop3A_223 step %parallel_loop3A_224  : i32 {
        %parallel_loop3A_273 = arith.constant 112 : i32
        %parallel_loop3A_274 = arith.muli %add3A_221, %parallel_loop3A_273 : i32
        %parallel_loop3A_275 = arith.constant -16 : i32
        %parallel_loop3A_276 = arith.andi %parallel_loop3A_272, %parallel_loop3A_275 : i32
        %parallel_loop3A_277 = arith.addi %parallel_loop3A_274, %parallel_loop3A_276 : i32
        %parallel_loop3A_278 = arith.index_cast %parallel_loop3A_277 : i32 to index
        %parallel_loop3A_279 = tpu.vector_load %arg6[%parallel_loop3A_278] {strides = array<i32>} : memref<3136xi32, #tpu.memory_space<vmem>>, vector<16xi32>,
        %parallel_loop3A_280 = arith.constant 128 : i32
        %parallel_loop3A_281 = vector.broadcast %parallel_loop3A_280 : i32 to vector<16xi32>
        %parallel_loop3A_282 = arith.muli %parallel_loop3A_279, %parallel_loop3A_281 : vector<16xi32>
        %parallel_loop3A_283 = arith.constant 15 : i32
        %parallel_loop3A_284 = arith.andi %parallel_loop3A_272, %parallel_loop3A_283 : i32
        %parallel_loop3A_285 = vector.broadcast %parallel_loop3A_284 : i32 to vector<16x1xi32>
        %parallel_loop3A_286 = vector.shape_cast %parallel_loop3A_285 : vector<16x1xi32> to vector<16xi32>
        %parallel_loop3A_287 = tpu.dynamic_gather %parallel_loop3A_282[%parallel_loop3A_286] in [0] : vector<16xi32>, vector<16xi32> -> vector<16xi32>
        %parallel_loop3A_288 = arith.constant 224 : i32
        %parallel_loop3A_289 = arith.addi %parallel_loop3A_288, %parallel_loop3A_272 : i32
        %parallel_loop3A_290 = arith.addi %parallel_loop3A_287, %add3A_8 : vector<16xi32>
        %parallel_loop3A_291 = tpu.vector_load_idx %arg5[%parallel_loop3A_290] : memref<3584xf32, #tpu.memory_space<vmem>>[vector<16xi32>], vector<16xf32>,
        %parallel_loop3A_292 = arith.constant 0 : i32
        %parallel_loop3A_293 = tpu.memref_slice %arg7[%parallel_loop3A_289, %parallel_loop3A_292] : memref<448x128xf32, #tpu.memory_space<vmem>> -> memref<1x128xf32, #tpu.memory_space<vmem>>
        %parallel_loop3A_294 = tpu.memref_squeeze %parallel_loop3A_293 : memref<1x128xf32, #tpu.memory_space<vmem>> -> memref<128xf32, #tpu.memory_space<vmem>>
        %parallel_loop3A_295 = arith.constant 0 : index
        %parallel_loop3A_296 = tpu.vector_load %parallel_loop3A_294[%parallel_loop3A_295] {strides = array<i32>} : memref<128xf32, #tpu.memory_space<vmem>>, vector<16xf32>,
        tpu.vector_store %parallel_loop3A_294[%parallel_loop3A_295], %parallel_loop3A_291 {strides = array<i32>} : memref<128xf32, #tpu.memory_space<vmem>>, vector<16xf32>,
        %parallel_loop3A_297 = arith.addi %parallel_loop3A_287, %add3A_12 : vector<16xi32>
        %parallel_loop3A_298 = tpu.vector_load_idx %arg5[%parallel_loop3A_297] : memref<3584xf32, #tpu.memory_space<vmem>>[vector<16xi32>], vector<16xf32>,
        %parallel_loop3A_299 = arith.constant 0 : i32
        %parallel_loop3A_300 = tpu.memref_slice %arg7[%parallel_loop3A_289, %parallel_loop3A_299] : memref<448x128xf32, #tpu.memory_space<vmem>> -> memref<1x128xf32, #tpu.memory_space<vmem>>
        %parallel_loop3A_301 = tpu.memref_squeeze %parallel_loop3A_300 : memref<1x128xf32, #tpu.memory_space<vmem>> -> memref<128xf32, #tpu.memory_space<vmem>>
        %parallel_loop3A_302 = arith.constant 16 : index
        %parallel_loop3A_303 = tpu.vector_load %parallel_loop3A_301[%parallel_loop3A_302] {strides = array<i32>} : memref<128xf32, #tpu.memory_space<vmem>>, vector<16xf32>,
        tpu.vector_store %parallel_loop3A_301[%parallel_loop3A_302], %parallel_loop3A_298 {strides = array<i32>} : memref<128xf32, #tpu.memory_space<vmem>>, vector<16xf32>,
        %parallel_loop3A_304 = arith.addi %parallel_loop3A_287, %add3A_16 : vector<16xi32>
        %parallel_loop3A_305 = tpu.vector_load_idx %arg5[%parallel_loop3A_304] : memref<3584xf32, #tpu.memory_space<vmem>>[vector<16xi32>], vector<16xf32>,
        %parallel_loop3A_306 = arith.constant 0 : i32
        %parallel_loop3A_307 = tpu.memref_slice %arg7[%parallel_loop3A_289, %parallel_loop3A_306] : memref<448x128xf32, #tpu.memory_space<vmem>> -> memref<1x128xf32, #tpu.memory_space<vmem>>
        %parallel_loop3A_308 = tpu.memref_squeeze %parallel_loop3A_307 : memref<1x128xf32, #tpu.memory_space<vmem>> -> memref<128xf32, #tpu.memory_space<vmem>>
        %parallel_loop3A_309 = arith.constant 32 : index
        %parallel_loop3A_310 = tpu.vector_load %parallel_loop3A_308[%parallel_loop3A_309] {strides = array<i32>} : memref<128xf32, #tpu.memory_space<vmem>>, vector<16xf32>,
        tpu.vector_store %parallel_loop3A_308[%parallel_loop3A_309], %parallel_loop3A_305 {strides = array<i32>} : memref<128xf32, #tpu.memory_space<vmem>>, vector<16xf32>,
        %parallel_loop3A_311 = arith.addi %parallel_loop3A_287, %add3A_20 : vector<16xi32>
        %parallel_loop3A_312 = tpu.vector_load_idx %arg5[%parallel_loop3A_311] : memref<3584xf32, #tpu.memory_space<vmem>>[vector<16xi32>], vector<16xf32>,
        %parallel_loop3A_313 = arith.constant 0 : i32
        %parallel_loop3A_314 = tpu.memref_slice %arg7[%parallel_loop3A_289, %parallel_loop3A_313] : memref<448x128xf32, #tpu.memory_space<vmem>> -> memref<1x128xf32, #tpu.memory_space<vmem>>
        %parallel_loop3A_315 = tpu.memref_squeeze %parallel_loop3A_314 : memref<1x128xf32, #tpu.memory_space<vmem>> -> memref<128xf32, #tpu.memory_space<vmem>>
        %parallel_loop3A_316 = arith.constant 48 : index
        %parallel_loop3A_317 = tpu.vector_load %parallel_loop3A_315[%parallel_loop3A_316] {strides = array<i32>} : memref<128xf32, #tpu.memory_space<vmem>>, vector<16xf32>,
        tpu.vector_store %parallel_loop3A_315[%parallel_loop3A_316], %parallel_loop3A_312 {strides = array<i32>} : memref<128xf32, #tpu.memory_space<vmem>>, vector<16xf32>,
        %parallel_loop3A_318 = arith.addi %parallel_loop3A_287, %add3A_24 : vector<16xi32>
        %parallel_loop3A_319 = tpu.vector_load_idx %arg5[%parallel_loop3A_318] : memref<3584xf32, #tpu.memory_space<vmem>>[vector<16xi32>], vector<16xf32>,
        %parallel_loop3A_320 = arith.constant 0 : i32
        %parallel_loop3A_321 = tpu.memref_slice %arg7[%parallel_loop3A_289, %parallel_loop3A_320] : memref<448x128xf32, #tpu.memory_space<vmem>> -> memref<1x128xf32, #tpu.memory_space<vmem>>
        %parallel_loop3A_322 = tpu.memref_squeeze %parallel_loop3A_321 : memref<1x128xf32, #tpu.memory_space<vmem>> -> memref<128xf32, #tpu.memory_space<vmem>>
        %parallel_loop3A_323 = arith.constant 64 : index
        %parallel_loop3A_324 = tpu.vector_load %parallel_loop3A_322[%parallel_loop3A_323] {strides = array<i32>} : memref<128xf32, #tpu.memory_space<vmem>>, vector<16xf32>,
        tpu.vector_store %parallel_loop3A_322[%parallel_loop3A_323], %parallel_loop3A_319 {strides = array<i32>} : memref<128xf32, #tpu.memory_space<vmem>>, vector<16xf32>,
        %parallel_loop3A_325 = arith.addi %parallel_loop3A_287, %add3A_28 : vector<16xi32>
        %parallel_loop3A_326 = tpu.vector_load_idx %arg5[%parallel_loop3A_325] : memref<3584xf32, #tpu.memory_space<vmem>>[vector<16xi32>], vector<16xf32>,
        %parallel_loop3A_327 = arith.constant 0 : i32
        %parallel_loop3A_328 = tpu.memref_slice %arg7[%parallel_loop3A_289, %parallel_loop3A_327] : memref<448x128xf32, #tpu.memory_space<vmem>> -> memref<1x128xf32, #tpu.memory_space<vmem>>
        %parallel_loop3A_329 = tpu.memref_squeeze %parallel_loop3A_328 : memref<1x128xf32, #tpu.memory_space<vmem>> -> memref<128xf32, #tpu.memory_space<vmem>>
        %parallel_loop3A_330 = arith.constant 80 : index
        %parallel_loop3A_331 = tpu.vector_load %parallel_loop3A_329[%parallel_loop3A_330] {strides = array<i32>} : memref<128xf32, #tpu.memory_space<vmem>>, vector<16xf32>,
        tpu.vector_store %parallel_loop3A_329[%parallel_loop3A_330], %parallel_loop3A_326 {strides = array<i32>} : memref<128xf32, #tpu.memory_space<vmem>>, vector<16xf32>,
        %parallel_loop3A_332 = arith.addi %parallel_loop3A_287, %add3A_32 : vector<16xi32>
        %parallel_loop3A_333 = tpu.vector_load_idx %arg5[%parallel_loop3A_332] : memref<3584xf32, #tpu.memory_space<vmem>>[vector<16xi32>], vector<16xf32>,
        %parallel_loop3A_334 = arith.constant 0 : i32
        %parallel_loop3A_335 = tpu.memref_slice %arg7[%parallel_loop3A_289, %parallel_loop3A_334] : memref<448x128xf32, #tpu.memory_space<vmem>> -> memref<1x128xf32, #tpu.memory_space<vmem>>
        %parallel_loop3A_336 = tpu.memref_squeeze %parallel_loop3A_335 : memref<1x128xf32, #tpu.memory_space<vmem>> -> memref<128xf32, #tpu.memory_space<vmem>>
        %parallel_loop3A_337 = arith.constant 96 : index
        %parallel_loop3A_338 = tpu.vector_load %parallel_loop3A_336[%parallel_loop3A_337] {strides = array<i32>} : memref<128xf32, #tpu.memory_space<vmem>>, vector<16xf32>,
        tpu.vector_store %parallel_loop3A_336[%parallel_loop3A_337], %parallel_loop3A_333 {strides = array<i32>} : memref<128xf32, #tpu.memory_space<vmem>>, vector<16xf32>,
        %parallel_loop3A_339 = arith.addi %parallel_loop3A_287, %add3A_36 : vector<16xi32>
        %parallel_loop3A_340 = tpu.vector_load_idx %arg5[%parallel_loop3A_339] : memref<3584xf32, #tpu.memory_space<vmem>>[vector<16xi32>], vector<16xf32>,
        %parallel_loop3A_341 = arith.constant 0 : i32
        %parallel_loop3A_342 = tpu.memref_slice %arg7[%parallel_loop3A_289, %parallel_loop3A_341] : memref<448x128xf32, #tpu.memory_space<vmem>> -> memref<1x128xf32, #tpu.memory_space<vmem>>
        %parallel_loop3A_343 = tpu.memref_squeeze %parallel_loop3A_342 : memref<1x128xf32, #tpu.memory_space<vmem>> -> memref<128xf32, #tpu.memory_space<vmem>>
        %parallel_loop3A_344 = arith.constant 112 : index
        %parallel_loop3A_345 = tpu.vector_load %parallel_loop3A_343[%parallel_loop3A_344] {strides = array<i32>} : memref<128xf32, #tpu.memory_space<vmem>>, vector<16xf32>,
        tpu.vector_store %parallel_loop3A_343[%parallel_loop3A_344], %parallel_loop3A_340 {strides = array<i32>} : memref<128xf32, #tpu.memory_space<vmem>>, vector<16xf32>,
      } {sc.loop_unroll_factor = 1 : i64, sc.parallel_access}
      %add3A_225 = arith.constant 2 : i32
      %add3A_226 = arith.addi %mul3A_147, %add3A_225 : i32
      %mul3A_227 = arith.constant 112 : i32
      %mul3A_228 = arith.muli %add3A_226, %mul3A_227 : i32
      %multiple_of3A_229 = tpu.assume_multiple %mul3A_228, 8 : i32
      %add3A_230 = arith.addi %multiple_of3A, %multiple_of3A_229 : i32
      %dma_start3A_231 = arith.constant 224 : i32
      %dma_start3A_232 = arith.constant 0 : i32
      %dma_start3A_233 = tpu.memref_slice %arg7[%dma_start3A_231, %dma_start3A_232] : memref<448x128xf32, #tpu.memory_space<vmem>> -> memref<112x128xf32, #tpu.memory_space<vmem>>
      %dma_start3A_234 = arith.constant 0 : i32
      %dma_start3A_235 = tpu.memref_slice %arg4[%add3A_230, %dma_start3A_234] : memref<100000x128xf32, #tpu.memory_space<hbm>> -> memref<112x128xf32, #tpu.memory_space<hbm>>
      %dma_start3A_236 = arith.constant 0 : i32
      %dma_start3A_237 = tpu.memref_slice %arg4[%add3A_230, %dma_start3A_236] : memref<100000x128xf32, #tpu.memory_space<hbm>> -> memref<112x128xf32, #tpu.memory_space<hbm>>
      %dma_start3A_238 = arith.constant 224 : i32
      %dma_start3A_239 = arith.constant 0 : i32
      %dma_start3A_240 = tpu.memref_slice %arg7[%dma_start3A_238, %dma_start3A_239] : memref<448x128xf32, #tpu.memory_space<vmem>> -> memref<112x128xf32, #tpu.memory_space<vmem>>
      tpu.enqueue_dma source(%dma_start3A_240 : memref<112x128xf32, #tpu.memory_space<vmem>>) target(%dma_start3A_237 : memref<112x128xf32, #tpu.memory_space<hbm>>) target_semaphore(%arg10 : memref<!tpu.dma_semaphore, #tpu.memory_space<semaphore_mem>>)
      %dma_wait3A_241 = arith.constant 336 : i32
      %dma_wait3A_242 = arith.constant 0 : i32
      %dma_wait3A_243 = tpu.memref_slice %arg7[%dma_wait3A_241, %dma_wait3A_242] : memref<448x128xf32, #tpu.memory_space<vmem>> -> memref<112x128xf32, #tpu.memory_space<vmem>>
      %dma_wait3A_244 = arith.constant 0 : i32
      %dma_wait3A_245 = tpu.memref_slice %arg4[%multiple_of3A, %dma_wait3A_244] : memref<100000x128xf32, #tpu.memory_space<hbm>> -> memref<112x128xf32, #tpu.memory_space<hbm>>
      %dma_wait3A_246 = arith.constant 0 : i32
      %dma_wait3A_247 = tpu.memref_slice %arg4[%multiple_of3A, %dma_wait3A_246] : memref<100000x128xf32, #tpu.memory_space<hbm>> -> memref<112x128xf32, #tpu.memory_space<hbm>>
      %dma_wait3A_248 = arith.constant 336 : i32
      %dma_wait3A_249 = arith.constant 0 : i32
      %dma_wait3A_250 = tpu.memref_slice %arg7[%dma_wait3A_248, %dma_wait3A_249] : memref<448x128xf32, #tpu.memory_space<vmem>> -> memref<112x128xf32, #tpu.memory_space<vmem>>
      tpu.wait_dma2 semaphore(%arg11 : memref<!tpu.dma_semaphore, #tpu.memory_space<semaphore_mem>>) src(%dma_wait3A_250 : memref<112x128xf32, #tpu.memory_space<vmem>>) dst(%dma_wait3A_247 : memref<112x128xf32, #tpu.memory_space<hbm>>)
      %add3A_251 = arith.constant 3 : i32
      %add3A_252 = arith.addi %mul3A_147, %add3A_251 : i32
      %parallel_loop3A_253 = arith.constant 0 : i32
      %parallel_loop3A_254 = arith.constant 112 : i32
      %parallel_loop3A_255 = arith.constant 1 : i32
      scf.for %parallel_loop3A_272 = %parallel_loop3A_253 to %parallel_loop3A_254 step %parallel_loop3A_255  : i32 {
        %parallel_loop3A_273 = arith.constant 112 : i32
        %parallel_loop3A_274 = arith.muli %add3A_252, %parallel_loop3A_273 : i32
        %parallel_loop3A_275 = arith.constant -16 : i32
        %parallel_loop3A_276 = arith.andi %parallel_loop3A_272, %parallel_loop3A_275 : i32
        %parallel_loop3A_277 = arith.addi %parallel_loop3A_274, %parallel_loop3A_276 : i32
        %parallel_loop3A_278 = arith.index_cast %parallel_loop3A_277 : i32 to index
        %parallel_loop3A_279 = tpu.vector_load %arg6[%parallel_loop3A_278] {strides = array<i32>} : memref<3136xi32, #tpu.memory_space<vmem>>, vector<16xi32>,
        %parallel_loop3A_280 = arith.constant 128 : i32
        %parallel_loop3A_281 = vector.broadcast %parallel_loop3A_280 : i32 to vector<16xi32>
        %parallel_loop3A_282 = arith.muli %parallel_loop3A_279, %parallel_loop3A_281 : vector<16xi32>
        %parallel_loop3A_283 = arith.constant 15 : i32
        %parallel_loop3A_284 = arith.andi %parallel_loop3A_272, %parallel_loop3A_283 : i32
        %parallel_loop3A_285 = vector.broadcast %parallel_loop3A_284 : i32 to vector<16x1xi32>
        %parallel_loop3A_286 = vector.shape_cast %parallel_loop3A_285 : vector<16x1xi32> to vector<16xi32>
        %parallel_loop3A_287 = tpu.dynamic_gather %parallel_loop3A_282[%parallel_loop3A_286] in [0] : vector<16xi32>, vector<16xi32> -> vector<16xi32>
        %parallel_loop3A_288 = arith.constant 336 : i32
        %parallel_loop3A_289 = arith.addi %parallel_loop3A_288, %parallel_loop3A_272 : i32
        %parallel_loop3A_290 = arith.addi %parallel_loop3A_287, %add3A_8 : vector<16xi32>
        %parallel_loop3A_291 = tpu.vector_load_idx %arg5[%parallel_loop3A_290] : memref<3584xf32, #tpu.memory_space<vmem>>[vector<16xi32>], vector<16xf32>,
        %parallel_loop3A_292 = arith.constant 0 : i32
        %parallel_loop3A_293 = tpu.memref_slice %arg7[%parallel_loop3A_289, %parallel_loop3A_292] : memref<448x128xf32, #tpu.memory_space<vmem>> -> memref<1x128xf32, #tpu.memory_space<vmem>>
        %parallel_loop3A_294 = tpu.memref_squeeze %parallel_loop3A_293 : memref<1x128xf32, #tpu.memory_space<vmem>> -> memref<128xf32, #tpu.memory_space<vmem>>
        %parallel_loop3A_295 = arith.constant 0 : index
        %parallel_loop3A_296 = tpu.vector_load %parallel_loop3A_294[%parallel_loop3A_295] {strides = array<i32>} : memref<128xf32, #tpu.memory_space<vmem>>, vector<16xf32>,
        tpu.vector_store %parallel_loop3A_294[%parallel_loop3A_295], %parallel_loop3A_291 {strides = array<i32>} : memref<128xf32, #tpu.memory_space<vmem>>, vector<16xf32>,
        %parallel_loop3A_297 = arith.addi %parallel_loop3A_287, %add3A_12 : vector<16xi32>
        %parallel_loop3A_298 = tpu.vector_load_idx %arg5[%parallel_loop3A_297] : memref<3584xf32, #tpu.memory_space<vmem>>[vector<16xi32>], vector<16xf32>,
        %parallel_loop3A_299 = arith.constant 0 : i32
        %parallel_loop3A_300 = tpu.memref_slice %arg7[%parallel_loop3A_289, %parallel_loop3A_299] : memref<448x128xf32, #tpu.memory_space<vmem>> -> memref<1x128xf32, #tpu.memory_space<vmem>>
        %parallel_loop3A_301 = tpu.memref_squeeze %parallel_loop3A_300 : memref<1x128xf32, #tpu.memory_space<vmem>> -> memref<128xf32, #tpu.memory_space<vmem>>
        %parallel_loop3A_302 = arith.constant 16 : index
        %parallel_loop3A_303 = tpu.vector_load %parallel_loop3A_301[%parallel_loop3A_302] {strides = array<i32>} : memref<128xf32, #tpu.memory_space<vmem>>, vector<16xf32>,
        tpu.vector_store %parallel_loop3A_301[%parallel_loop3A_302], %parallel_loop3A_298 {strides = array<i32>} : memref<128xf32, #tpu.memory_space<vmem>>, vector<16xf32>,
        %parallel_loop3A_304 = arith.addi %parallel_loop3A_287, %add3A_16 : vector<16xi32>
        %parallel_loop3A_305 = tpu.vector_load_idx %arg5[%parallel_loop3A_304] : memref<3584xf32, #tpu.memory_space<vmem>>[vector<16xi32>], vector<16xf32>,
        %parallel_loop3A_306 = arith.constant 0 : i32
        %parallel_loop3A_307 = tpu.memref_slice %arg7[%parallel_loop3A_289, %parallel_loop3A_306] : memref<448x128xf32, #tpu.memory_space<vmem>> -> memref<1x128xf32, #tpu.memory_space<vmem>>
        %parallel_loop3A_308 = tpu.memref_squeeze %parallel_loop3A_307 : memref<1x128xf32, #tpu.memory_space<vmem>> -> memref<128xf32, #tpu.memory_space<vmem>>
        %parallel_loop3A_309 = arith.constant 32 : index
        %parallel_loop3A_310 = tpu.vector_load %parallel_loop3A_308[%parallel_loop3A_309] {strides = array<i32>} : memref<128xf32, #tpu.memory_space<vmem>>, vector<16xf32>,
        tpu.vector_store %parallel_loop3A_308[%parallel_loop3A_309], %parallel_loop3A_305 {strides = array<i32>} : memref<128xf32, #tpu.memory_space<vmem>>, vector<16xf32>,
        %parallel_loop3A_311 = arith.addi %parallel_loop3A_287, %add3A_20 : vector<16xi32>
        %parallel_loop3A_312 = tpu.vector_load_idx %arg5[%parallel_loop3A_311] : memref<3584xf32, #tpu.memory_space<vmem>>[vector<16xi32>], vector<16xf32>,
        %parallel_loop3A_313 = arith.constant 0 : i32
        %parallel_loop3A_314 = tpu.memref_slice %arg7[%parallel_loop3A_289, %parallel_loop3A_313] : memref<448x128xf32, #tpu.memory_space<vmem>> -> memref<1x128xf32, #tpu.memory_space<vmem>>
        %parallel_loop3A_315 = tpu.memref_squeeze %parallel_loop3A_314 : memref<1x128xf32, #tpu.memory_space<vmem>> -> memref<128xf32, #tpu.memory_space<vmem>>
        %parallel_loop3A_316 = arith.constant 48 : index
        %parallel_loop3A_317 = tpu.vector_load %parallel_loop3A_315[%parallel_loop3A_316] {strides = array<i32>} : memref<128xf32, #tpu.memory_space<vmem>>, vector<16xf32>,
        tpu.vector_store %parallel_loop3A_315[%parallel_loop3A_316], %parallel_loop3A_312 {strides = array<i32>} : memref<128xf32, #tpu.memory_space<vmem>>, vector<16xf32>,
        %parallel_loop3A_318 = arith.addi %parallel_loop3A_287, %add3A_24 : vector<16xi32>
        %parallel_loop3A_319 = tpu.vector_load_idx %arg5[%parallel_loop3A_318] : memref<3584xf32, #tpu.memory_space<vmem>>[vector<16xi32>], vector<16xf32>,
        %parallel_loop3A_320 = arith.constant 0 : i32
        %parallel_loop3A_321 = tpu.memref_slice %arg7[%parallel_loop3A_289, %parallel_loop3A_320] : memref<448x128xf32, #tpu.memory_space<vmem>> -> memref<1x128xf32, #tpu.memory_space<vmem>>
        %parallel_loop3A_322 = tpu.memref_squeeze %parallel_loop3A_321 : memref<1x128xf32, #tpu.memory_space<vmem>> -> memref<128xf32, #tpu.memory_space<vmem>>
        %parallel_loop3A_323 = arith.constant 64 : index
        %parallel_loop3A_324 = tpu.vector_load %parallel_loop3A_322[%parallel_loop3A_323] {strides = array<i32>} : memref<128xf32, #tpu.memory_space<vmem>>, vector<16xf32>,
        tpu.vector_store %parallel_loop3A_322[%parallel_loop3A_323], %parallel_loop3A_319 {strides = array<i32>} : memref<128xf32, #tpu.memory_space<vmem>>, vector<16xf32>,
        %parallel_loop3A_325 = arith.addi %parallel_loop3A_287, %add3A_28 : vector<16xi32>
        %parallel_loop3A_326 = tpu.vector_load_idx %arg5[%parallel_loop3A_325] : memref<3584xf32, #tpu.memory_space<vmem>>[vector<16xi32>], vector<16xf32>,
        %parallel_loop3A_327 = arith.constant 0 : i32
        %parallel_loop3A_328 = tpu.memref_slice %arg7[%parallel_loop3A_289, %parallel_loop3A_327] : memref<448x128xf32, #tpu.memory_space<vmem>> -> memref<1x128xf32, #tpu.memory_space<vmem>>
        %parallel_loop3A_329 = tpu.memref_squeeze %parallel_loop3A_328 : memref<1x128xf32, #tpu.memory_space<vmem>> -> memref<128xf32, #tpu.memory_space<vmem>>
        %parallel_loop3A_330 = arith.constant 80 : index
        %parallel_loop3A_331 = tpu.vector_load %parallel_loop3A_329[%parallel_loop3A_330] {strides = array<i32>} : memref<128xf32, #tpu.memory_space<vmem>>, vector<16xf32>,
        tpu.vector_store %parallel_loop3A_329[%parallel_loop3A_330], %parallel_loop3A_326 {strides = array<i32>} : memref<128xf32, #tpu.memory_space<vmem>>, vector<16xf32>,
        %parallel_loop3A_332 = arith.addi %parallel_loop3A_287, %add3A_32 : vector<16xi32>
        %parallel_loop3A_333 = tpu.vector_load_idx %arg5[%parallel_loop3A_332] : memref<3584xf32, #tpu.memory_space<vmem>>[vector<16xi32>], vector<16xf32>,
        %parallel_loop3A_334 = arith.constant 0 : i32
        %parallel_loop3A_335 = tpu.memref_slice %arg7[%parallel_loop3A_289, %parallel_loop3A_334] : memref<448x128xf32, #tpu.memory_space<vmem>> -> memref<1x128xf32, #tpu.memory_space<vmem>>
        %parallel_loop3A_336 = tpu.memref_squeeze %parallel_loop3A_335 : memref<1x128xf32, #tpu.memory_space<vmem>> -> memref<128xf32, #tpu.memory_space<vmem>>
        %parallel_loop3A_337 = arith.constant 96 : index
        %parallel_loop3A_338 = tpu.vector_load %parallel_loop3A_336[%parallel_loop3A_337] {strides = array<i32>} : memref<128xf32, #tpu.memory_space<vmem>>, vector<16xf32>,
        tpu.vector_store %parallel_loop3A_336[%parallel_loop3A_337], %parallel_loop3A_333 {strides = array<i32>} : memref<128xf32, #tpu.memory_space<vmem>>, vector<16xf32>,
        %parallel_loop3A_339 = arith.addi %parallel_loop3A_287, %add3A_36 : vector<16xi32>
        %parallel_loop3A_340 = tpu.vector_load_idx %arg5[%parallel_loop3A_339] : memref<3584xf32, #tpu.memory_space<vmem>>[vector<16xi32>], vector<16xf32>,
        %parallel_loop3A_341 = arith.constant 0 : i32
        %parallel_loop3A_342 = tpu.memref_slice %arg7[%parallel_loop3A_289, %parallel_loop3A_341] : memref<448x128xf32, #tpu.memory_space<vmem>> -> memref<1x128xf32, #tpu.memory_space<vmem>>
        %parallel_loop3A_343 = tpu.memref_squeeze %parallel_loop3A_342 : memref<1x128xf32, #tpu.memory_space<vmem>> -> memref<128xf32, #tpu.memory_space<vmem>>
        %parallel_loop3A_344 = arith.constant 112 : index
        %parallel_loop3A_345 = tpu.vector_load %parallel_loop3A_343[%parallel_loop3A_344] {strides = array<i32>} : memref<128xf32, #tpu.memory_space<vmem>>, vector<16xf32>,
        tpu.vector_store %parallel_loop3A_343[%parallel_loop3A_344], %parallel_loop3A_340 {strides = array<i32>} : memref<128xf32, #tpu.memory_space<vmem>>, vector<16xf32>,
      } {sc.loop_unroll_factor = 1 : i64, sc.parallel_access}
      %add3A_256 = arith.constant 3 : i32
      %add3A_257 = arith.addi %mul3A_147, %add3A_256 : i32
      %mul3A_258 = arith.constant 112 : i32
      %mul3A_259 = arith.muli %add3A_257, %mul3A_258 : i32
      %multiple_of3A_260 = tpu.assume_multiple %mul3A_259, 8 : i32
      %add3A_261 = arith.addi %multiple_of3A, %multiple_of3A_260 : i32
      %dma_start3A_262 = arith.constant 336 : i32
      %dma_start3A_263 = arith.constant 0 : i32
      %dma_start3A_264 = tpu.memref_slice %arg7[%dma_start3A_262, %dma_start3A_263] : memref<448x128xf32, #tpu.memory_space<vmem>> -> memref<112x128xf32, #tpu.memory_space<vmem>>
      %dma_start3A_265 = arith.constant 0 : i32
      %dma_start3A_266 = tpu.memref_slice %arg4[%add3A_261, %dma_start3A_265] : memref<100000x128xf32, #tpu.memory_space<hbm>> -> memref<112x128xf32, #tpu.memory_space<hbm>>
      %dma_start3A_267 = arith.constant 0 : i32
      %dma_start3A_268 = tpu.memref_slice %arg4[%add3A_261, %dma_start3A_267] : memref<100000x128xf32, #tpu.memory_space<hbm>> -> memref<112x128xf32, #tpu.memory_space<hbm>>
      %dma_start3A_269 = arith.constant 336 : i32
      %dma_start3A_270 = arith.constant 0 : i32
      %dma_start3A_271 = tpu.memref_slice %arg7[%dma_start3A_269, %dma_start3A_270] : memref<448x128xf32, #tpu.memory_space<vmem>> -> memref<112x128xf32, #tpu.memory_space<vmem>>
      tpu.enqueue_dma source(%dma_start3A_271 : memref<112x128xf32, #tpu.memory_space<vmem>>) target(%dma_start3A_268 : memref<112x128xf32, #tpu.memory_space<hbm>>) target_semaphore(%arg11 : memref<!tpu.dma_semaphore, #tpu.memory_space<semaphore_mem>>)
    }
    %scan3A_104 = arith.constant 6 : i32
    %dma_wait3A_105 = arith.constant 0 : i32
    %dma_wait3A_106 = arith.constant 0 : i32
    %dma_wait3A_107 = tpu.memref_slice %arg7[%dma_wait3A_105, %dma_wait3A_106] : memref<448x128xf32, #tpu.memory_space<vmem>> -> memref<112x128xf32, #tpu.memory_space<vmem>>
    %dma_wait3A_108 = arith.constant 0 : i32
    %dma_wait3A_109 = tpu.memref_slice %arg4[%multiple_of3A, %dma_wait3A_108] : memref<100000x128xf32, #tpu.memory_space<hbm>> -> memref<112x128xf32, #tpu.memory_space<hbm>>
    %dma_wait3A_110 = arith.constant 0 : i32
    %dma_wait3A_111 = tpu.memref_slice %arg4[%multiple_of3A, %dma_wait3A_110] : memref<100000x128xf32, #tpu.memory_space<hbm>> -> memref<112x128xf32, #tpu.memory_space<hbm>>
    %dma_wait3A_112 = arith.constant 0 : i32
    %dma_wait3A_113 = arith.constant 0 : i32
    %dma_wait3A_114 = tpu.memref_slice %arg7[%dma_wait3A_112, %dma_wait3A_113] : memref<448x128xf32, #tpu.memory_space<vmem>> -> memref<112x128xf32, #tpu.memory_space<vmem>>
    tpu.wait_dma2 semaphore(%arg8 : memref<!tpu.dma_semaphore, #tpu.memory_space<semaphore_mem>>) src(%dma_wait3A_114 : memref<112x128xf32, #tpu.memory_space<vmem>>) dst(%dma_wait3A_111 : memref<112x128xf32, #tpu.memory_space<hbm>>)
    %dma_wait3A_115 = arith.constant 112 : i32
    %dma_wait3A_116 = arith.constant 0 : i32
    %dma_wait3A_117 = tpu.memref_slice %arg7[%dma_wait3A_115, %dma_wait3A_116] : memref<448x128xf32, #tpu.memory_space<vmem>> -> memref<112x128xf32, #tpu.memory_space<vmem>>
    %dma_wait3A_118 = arith.constant 0 : i32
    %dma_wait3A_119 = tpu.memref_slice %arg4[%multiple_of3A, %dma_wait3A_118] : memref<100000x128xf32, #tpu.memory_space<hbm>> -> memref<112x128xf32, #tpu.memory_space<hbm>>
    %dma_wait3A_120 = arith.constant 0 : i32
    %dma_wait3A_121 = tpu.memref_slice %arg4[%multiple_of3A, %dma_wait3A_120] : memref<100000x128xf32, #tpu.memory_space<hbm>> -> memref<112x128xf32, #tpu.memory_space<hbm>>
    %dma_wait3A_122 = arith.constant 112 : i32
    %dma_wait3A_123 = arith.constant 0 : i32
    %dma_wait3A_124 = tpu.memref_slice %arg7[%dma_wait3A_122, %dma_wait3A_123] : memref<448x128xf32, #tpu.memory_space<vmem>> -> memref<112x128xf32, #tpu.memory_space<vmem>>
    tpu.wait_dma2 semaphore(%arg9 : memref<!tpu.dma_semaphore, #tpu.memory_space<semaphore_mem>>) src(%dma_wait3A_124 : memref<112x128xf32, #tpu.memory_space<vmem>>) dst(%dma_wait3A_121 : memref<112x128xf32, #tpu.memory_space<hbm>>)
    %dma_wait3A_125 = arith.constant 224 : i32
    %dma_wait3A_126 = arith.constant 0 : i32
    %dma_wait3A_127 = tpu.memref_slice %arg7[%dma_wait3A_125, %dma_wait3A_126] : memref<448x128xf32, #tpu.memory_space<vmem>> -> memref<112x128xf32, #tpu.memory_space<vmem>>
    %dma_wait3A_128 = arith.constant 0 : i32
    %dma_wait3A_129 = tpu.memref_slice %arg4[%multiple_of3A, %dma_wait3A_128] : memref<100000x128xf32, #tpu.memory_space<hbm>> -> memref<112x128xf32, #tpu.memory_space<hbm>>
    %dma_wait3A_130 = arith.constant 0 : i32
    %dma_wait3A_131 = tpu.memref_slice %arg4[%multiple_of3A, %dma_wait3A_130] : memref<100000x128xf32, #tpu.memory_space<hbm>> -> memref<112x128xf32, #tpu.memory_space<hbm>>
    %dma_wait3A_132 = arith.constant 224 : i32
    %dma_wait3A_133 = arith.constant 0 : i32
    %dma_wait3A_134 = tpu.memref_slice %arg7[%dma_wait3A_132, %dma_wait3A_133] : memref<448x128xf32, #tpu.memory_space<vmem>> -> memref<112x128xf32, #tpu.memory_space<vmem>>
    tpu.wait_dma2 semaphore(%arg10 : memref<!tpu.dma_semaphore, #tpu.memory_space<semaphore_mem>>) src(%dma_wait3A_134 : memref<112x128xf32, #tpu.memory_space<vmem>>) dst(%dma_wait3A_131 : memref<112x128xf32, #tpu.memory_space<hbm>>)
    %dma_wait3A_135 = arith.constant 336 : i32
    %dma_wait3A_136 = arith.constant 0 : i32
    %dma_wait3A_137 = tpu.memref_slice %arg7[%dma_wait3A_135, %dma_wait3A_136] : memref<448x128xf32, #tpu.memory_space<vmem>> -> memref<112x128xf32, #tpu.memory_space<vmem>>
    %dma_wait3A_138 = arith.constant 0 : i32
    %dma_wait3A_139 = tpu.memref_slice %arg4[%multiple_of3A, %dma_wait3A_138] : memref<100000x128xf32, #tpu.memory_space<hbm>> -> memref<112x128xf32, #tpu.memory_space<hbm>>
    %dma_wait3A_140 = arith.constant 0 : i32
    %dma_wait3A_141 = tpu.memref_slice %arg4[%multiple_of3A, %dma_wait3A_140] : memref<100000x128xf32, #tpu.memory_space<hbm>> -> memref<112x128xf32, #tpu.memory_space<hbm>>
    %dma_wait3A_142 = arith.constant 336 : i32
    %dma_wait3A_143 = arith.constant 0 : i32
    %dma_wait3A_144 = tpu.memref_slice %arg7[%dma_wait3A_142, %dma_wait3A_143] : memref<448x128xf32, #tpu.memory_space<vmem>> -> memref<112x128xf32, #tpu.memory_space<vmem>>
    tpu.wait_dma2 semaphore(%arg11 : memref<!tpu.dma_semaphore, #tpu.memory_space<semaphore_mem>>) src(%dma_wait3A_144 : memref<112x128xf32, #tpu.memory_space<vmem>>) dst(%dma_wait3A_141 : memref<112x128xf32, #tpu.memory_space<hbm>>)
    return
  }
}

</mosaic_0001>

<sc_bundles>
// kernel: kernel.3.cloned.1.call-start
scs
__scs_entry_jumppad:
0x0: {  	(pc) =	sbr.rel $0x88, $3  }
0x1: {  	(tag) =	ssettag $0x0;
	lr =	simm.s32 $0x1  }
0x2: {  	[smem:$0x3F9F] =	sst lr;
	_ =	strace $0xD0000000  }
0x3: {  	_ = 	snop  }
0x4: {  	_ = 	snop  }
0x5: {  	_ = 	snop  }
0x6: {  	_ = 	snop  }
0x7: {  	_ = 	snop  }
__scs_overlays_trampoline_lowered:
0x8: {  	[smem:$0x3FAE] =	sst s0  }
0x9: {  	[smem:$0x3FAF] =	sst s1  }
0xa: {  	[smem:$0x3FB0] =	sst s2  }
0xb: {  	[smem:$0x3FB1] =	sst s3  }
0xc: {  	[smem:$0x3FB2] =	sst s4  }
0xd: {  	[smem:$0x3FB3] =	sst s5  }
0xe: {  	[smem:$0x3FB4] =	sst s6  }
0xf: {  	[smem:$0x3FB5] =	sst s7  }
0x10: {  	[smem:$0x3FB6] =	sst s8  }
0x11: {  	[smem:$0x3FB7] =	sst s9;
	s0 =	simm.s32 @!p0 $0x0  }
0x12: {  	s1 =	sld [smem:$0x3F9D];
	s0 =	simm.s32 @p0 $0x1  }
0x13: {  	[smem:$0x3FB8] =	sst s0;
	s0 =	simm.s32 @!p1 $0x0  }
0x14: {  	s2 =	sld [smem:$0x3F9C];
	s0 =	simm.s32 @p1 $0x1  }
0x15: {  	[smem:$0x3FB9] =	sst s0;
	s0 =	simm.s32 @!p2 $0x0  }
0x16: {  	s3 =	sld [smem:$0x3FDB];
	s0 =	simm.s32 @p2 $0x1  }
0x17: {  	s4 =	simm.s32 $0x1BF5;
	[smem:$0x3FBB] =	sst s0  }
0x18: {  	s0 =	sld [smem:$0x3F9E];
	_ =	swait.ge [sflag:s4], $0x0  }
0x19: {  	s7 =	sld [smem:$0x3F9F]  }
0x1a: {  	s8 =	sadd.s32 $0xFFFFE003, lr  }
0x1b: {  	s9 =	sadd.s32 $0xFFFFFEF7, lr;
	s5 =	simm.s32 $0xFFFFFFFF;
	p2 =	slt.u32 s8, $0xFFFFF086  }
0x1c: {  	p1 =	slt.u32 s9, $0xF7A;
	s5 =	simm.s32 @!p2 $0x0  }
0x1d: {  	s5 =	simm.s32 @p1 $0x1;
	p0 =	seq.s32 s7, s2  }
0x1e: {  	s7 =	smul.u32 @!p0 $0xF7A, s2;
	p2 =	seq.s32 @!p0 s5, $0x0  }
0x1f: {  	s9 =	smul.u32 $0xF7A, s1;
	s8 =	simm.s32 @!p0 $0x1BF5;
	p2 =	por !p2, p0  }
0x20: {  	[sflag:s8] =	ssyncset.s32 @!p0 $0xFFFFF086;
	s6 =	sadd.s32 @!p0 s3, s7;
	s7 =	simm.s32 @!p0 $0x108  }
0x21: {  	s3 =	sadd.s32 s3, s9;
	s6 =	sadd.s32 @!p0 $0x88, s6;
	s7 =	simm.s32 @p2 $0x1082  }
0x22: {  	[simem:s7], [sflag:s8] =	dma.local @!p0 [hbm:s6], $0xF7A  }
0x23: {  	s9 =	sor.u32 $0xD0000000, s2;
	s6 =	simm.s32 $0x108;
	_ =	swait.ge @!p0 [sflag:s8], $0x0  }
0x24: {  	s3 =	sadd.s32 $0x88, s3;
	s6 =	simm.s32 @!p1 $0x1082;
	[sflag:s4] =	ssyncset.s32 $0xFFFFF086  }
0x25: {  	[simem:s6], [sflag:s4] =	dma.local [hbm:s3], $0xF7A  }
0x26: {  	[smem:$0x3F9F] =	sst s1;
	(tag) =	ssettag s2;
	_ =	strace s9  }
0x27: {  	s1 =	sld [smem:$0x3FAF]  }
0x28: {  	s2 =	sld [smem:$0x3FB0]  }
0x29: {  	s4 =	sld [smem:$0x3FB2]  }
0x2a: {  	p0 =	seq.s32 s5, $0x0;
	s5 =	sld [smem:$0x3FB3]  }
0x2b: {  	s6 =	sld [smem:$0x3FB4]  }
0x2c: {  	s7 =	sld [smem:$0x3FB5]  }
0x2d: {  	s3 =	simm.s32 $0x108;
	s8 =	sld [smem:$0x3FB6]  }
0x2e: {  	s3 =	simm.s32 @!p0 $0x1082;
	s9 =	sld [smem:$0x3FB7]  }
0x2f: {  	lr =	sadd.s32 s0, s3;
	s0 =	sld [smem:$0x3FAE]  }
0x30: {  	s3 =	sld [smem:$0x3FB1]  }
0x31: {  	[smem:$0x3FBA] =	sst s10  }
0x32: {  	s10 =	sld [smem:$0x3FB8];
	_ =	sdelay $0x3  }
0x33: {  	p0 =	seq.s32 s10, $0x1;
	s10 =	sld [smem:$0x3FBA];
	_ =	sdelay $0x3  }
0x34: {  	[smem:$0x3FBA] =	sst s10  }
0x35: {  	s10 =	sld [smem:$0x3FB9];
	_ =	sdelay $0x3  }
0x36: {  	p1 =	seq.s32 s10, $0x1;
	s10 =	sld [smem:$0x3FBA];
	_ =	sdelay $0x3  }
0x37: {  	[smem:$0x3FBA] =	sst s10  }
0x38: {  	s10 =	sld [smem:$0x3FBB]  }
0x39: {  	_ = 	snop;
	(pc) =	sbr.ind lr, $3  }
0x3a: {  	_ = 	snop  }
0x3b: {  	_ = 	snop  }
0x3c: {  	p2 =	seq.s32 s10, $0x1;
	s10 =	sld [smem:$0x3FBA]  }
0x3d: {  	_ =	shalt  }
0x3e: {  	_ =	shalt  }
0x3f: {  	_ =	shalt  }
0x40: {  	_ =	shalt  }
0x41: {  	_ =	shalt  }
0x42: {  	_ =	shalt  }
0x43: {  	_ =	shalt  }
0x44: {  	_ =	shalt  }
0x45: {  	_ =	shalt  }
0x46: {  	_ =	shalt  }
0x47: {  	_ =	shalt  }
0x48: {  	_ =	shalt  }
0x49: {  	_ =	shalt  }
0x4a: {  	_ =	shalt  }
0x4b: {  	_ =	shalt  }
0x4c: {  	_ =	shalt  }
0x4d: {  	_ =	shalt  }
0x4e: {  	_ =	shalt  }
0x4f: {  	_ =	shalt  }
0x50: {  	_ =	shalt  }
0x51: {  	_ =	shalt  }
0x52: {  	_ =	shalt  }
0x53: {  	_ =	shalt  }
0x54: {  	_ =	shalt  }
0x55: {  	_ =	shalt  }
0x56: {  	_ =	shalt  }
0x57: {  	_ =	shalt  }
0x58: {  	_ =	shalt  }
0x59: {  	_ =	shalt  }
0x5a: {  	_ =	shalt  }
0x5b: {  	_ =	shalt  }
0x5c: {  	_ =	shalt  }
0x5d: {  	_ =	shalt  }
0x5e: {  	_ =	shalt  }
0x5f: {  	_ =	shalt  }
0x60: {  	_ =	shalt  }
0x61: {  	_ =	shalt  }
0x62: {  	_ =	shalt  }
0x63: {  	_ =	shalt  }
0x64: {  	_ =	shalt  }
0x65: {  	_ =	shalt  }
0x66: {  	_ =	shalt  }
0x67: {  	_ =	shalt  }
0x68: {  	_ =	shalt  }
0x69: {  	_ =	shalt  }
0x6a: {  	_ =	shalt  }
0x6b: {  	_ =	shalt  }
0x6c: {  	_ =	shalt  }
0x6d: {  	_ =	shalt  }
0x6e: {  	_ =	shalt  }
0x6f: {  	_ =	shalt  }
0x70: {  	_ =	shalt  }
0x71: {  	_ =	shalt  }
0x72: {  	_ =	shalt  }
0x73: {  	_ =	shalt  }
0x74: {  	_ =	shalt  }
0x75: {  	_ =	shalt  }
0x76: {  	_ =	shalt  }
0x77: {  	_ =	shalt  }
0x78: {  	_ =	shalt  }
0x79: {  	_ =	shalt  }
0x7a: {  	_ =	shalt  }
0x7b: {  	_ =	shalt  }
0x7c: {  	_ =	shalt  }
0x7d: {  	_ =	shalt  }
0x7e: {  	_ =	shalt  }
0x7f: {  	_ =	shalt  }
0x80: {  	_ =	shalt  }
0x81: {  	_ =	shalt  }
0x82: {  	_ =	shalt  }
0x83: {  	_ =	shalt  }
0x84: {  	_ =	shalt  }
0x85: {  	_ =	shalt  }
0x86: {  	_ =	shalt  }
0x87: {  	_ =	shalt  }
.Lfunc_end0:
.L_simem_size_0:
called_computation_lowered:
.L_overlay_start_0:
0x88: {  	s2 =	sld [smem:$0x3FD9]  }
0x89: {  	s3 =	sld [smem:$0x3FFE];
	_ =	sdelay $0x1  }
0x8a: {  	s1 =	srdreg.scid  }
0x8b: {  	s0 =	sand.u32 $0x1, s1  }
0x8c: {  	s17 =	sshll.u32 s0, $0xA;
	s2 =	sadd.s32 s3, s2  }
0x8d: {  	s2 =	sadd.s32 s2, s17  }
0x8e: {  	[smem:$0x3FC6] =	sst s2  }
0x8f: {  	_ = 	snop  }
0x90: {  	s2 =	sld [smem:$0x3FC8]  }
0x91: {  	s18 =	sld [smem:$0x3FD0];
	(tm) =	ssettm $0x1  }
0x92: {  	s4 =	sld [smem:$0x3FFB];
	_ =	sdelay $0x3  }
0x93: {  	_ =	strace s4  }
0x94: {  	s4 =	sld [smem:$0x3FFC];
	_ =	sdelay $0x3  }
0x95: {  	_ =	strace s4  }
0x96: {  	s4 =	sld [smem:$0x3FFD];
	_ =	sdelay $0x3  }
0x97: {  	_ =	strace s4  }
0x98: {  	_ =	strace $0x8FFFFFFF  }
0x99: {  	s19 =	sld [smem:$0x3FDB];
	_ =	sdelay $0x1  }
0x9a: {  	s5 =	simm.s32 $_scs_section_size  }
0x9b: {  	s6 =	simm.s32 $_size__tile_overlayer_lowered;
	s7 =	simm.s32 $_tile_overlayer_lowered  }
0x9c: {  	s22 =	simm.s32 $0x1BFF;
	s21 =	sshll.u32 s7, $0x1;
	s4 =	sadd.s32 s5, s19  }
0x9d: {  	s8 =	simm.s32 $0x0;
	s20 =	sshll.u32 s6, $0x1;
	s6 =	sadd.s32 s21, s4  }
0x9e: {  	[timem:s8], [sflag:s22] =	dma.local [hbm:s6], s20  }
0x9f: {  	_ =	swait.ge [sflag:s22], s20  }
0xa0: {  	s5 =	ssub.s32 $0x0, s20;
	[sflag:s22] =	ssyncset.done $0x0  }
0xa1: {  	[sflag:s22] =	ssyncadd.s32 s5;
	_ =	sdelay $0x1  }
0xa2: {  	s23 =	simm.s32 $0x1B8B  }
0xa3: {  	_ =	swait.ge [sflag:s23], $0x1  }
0xa4: {  	[sflag:s23] =	ssyncset.done $0x0  }
0xa5: {  	s25 =	simm.s32 $0x1B8E;
	s24 =	sld [smem:$0x3FFE];
	[sflag:s23] =	ssyncadd.s32 $0xFFFFFFFF  }
0xa6: {  	s26 =	simm.s32 $execute0_lowered;
	[smem:$0x3FD2] =	sst s25  }
0xa7: {  	s6 =	sshll.u32 s26, $0x1;
	_ =	strace $0x80000046;
	[dreg:$0x1] =	wrdreg $0xFFFFFFFF  }
0xa8: {  	s28 =	simm.s32 $_size_execute0_lowered;
	s4 =	sadd.s32 s4, s6;
	[dreg:$0x0] =	wrdreg $0x0  }
0xa9: {  	s6 =	sshll.u32 s28, $0x1;
	[dreg:$0x2] =	wrdreg s4  }
0xaa: {  	[dreg:$0x3] =	wrdreg s6  }
0xab: {  	[dreg:$0x4] =	wrdreg $0xC0  }
0xac: {  	_ =	task [dreg:s8], $0x5FFFF  }
0xad: {  	[dreg:$0x1] =	wrdreg $0xFFFFFFFF  }
0xae: {  	[dreg:$0x0] =	wrdreg $0x60  }
0xaf: {  	[dreg:$0x2] =	wrdreg s24  }
0xb0: {  	[dreg:$0x3] =	wrdreg s2  }
0xb1: {  	[dreg:$0x4] =	wrdreg s18  }
0xb2: {  	[dreg:$0x5] =	wrdreg $0x9  }
0xb3: {  	_ =	task.clear_ibuf [dreg:s8], $0x6FFFF;
	_ =	strace $0x90000046  }
0xb4: {  	s29 =	simm.s32 $0x9;
	_ =	strace $0x80000048  }
0xb5: {  	_ =	swait.ge [sflag:s29], $0x1  }
0xb6: {  	[sflag:s29] =	ssyncadd.s32 $0xFFFFFFFF  }
0xb7: {  	_ =	strace $0x90000048  }
0xb8: {  	_ =	sfence  }
0xb9: {  	s30 =	sld [smem:$0x0];
	_ =	sdelay $0x2  }
0xba: {  	s31 =	sshll.u32 s1, $0xD;
	s1 =	sshrl.u32 s1, $0x2  }
0xbb: {  	s3 =	sand.u32 $0x4000, s31;
	s1 =	sadd.s32 s1, s30  }
0xbc: {  	s0 =	sor.u32 s3, s0;
	s1 =	sshll.u32 s1, $0x11  }
0xbd: {  	s0 =	sor.u32 s1, s0  }
0xbe: {  	s0 =	sadd.s32 $0x8F2B, s0  }
0xbf: {  	[sflag:s0] =	ssyncadd.remote.s32 $0x1  }
0xc0: {  	_ =	sfence.sel $0xFFFF  }
0xc1: {  	[dreg:$0x0] =	wrdreg $0xFFFFFFFF;
	(pc) =	sbr.abs _section_cstart, $3  }
0xc2: {  	[dreg:$0x1] =	wrdreg $0xFFFFFFFF  }
0xc3: {  	_ =	task.clear_ibuf [dreg:s8], $0x2FFFF;
	_ =	strace $0x9FFFFFFF  }
0xc4: {  	(tm) =	ssettm $0x7FFFFFFF  }
0xc5: {  	_ =	shalt  }
tec
execute0_lowered:
.L_overlay_start_1:
0x0: {  	(tag) =	ssettag $0x1  }
0x1: {  	s0 =	srdreg.scid;
	s1 =	rddreg [dreg:$0x0]  }
0x2: {  	s2 =	stileid.u32;
	s3 =	rddreg [dreg:$0x2];
	s4 =	simm.s32 $0x0  }
0x3: {  	s13 =	simm.s32 $0x1;
	s0 =	sand.u32 $0x1, s0;
	s2 =	sshll.u32 s2, $0x1  }
0x4: {  	s14 =	simm.s32 $0x2;
	s15 =	simm.s32 $0x1A80;
	s2 =	sor.u32 s0, s2  }
0x5: {  	s16 =	simm.s32 $0x5280;
	s17 =	simm.s32 $0x8A80;
	s2 =	smul.u32 $0xC40, s2  }
0x6: {  	s18 =	simm.s32 $0xC280;
	s19 =	simm.s32 $0x3;
	s20 =	simm.s32 $0x4  }
0x7: {  	s21 =	simm.s32 $0x0;
	[smem:$0x7FF] =	sst s4;
	s5 =	smin.u32 s2, $0x17A60  }
0x8: {  	s0 =	ssub.s32 $0x2, s0;
	s6 =	sshll.u32 s5, $0x4;
	s29 =	sshrl.u32 s5, $0x3  }
0x9: {  	v0 =	vlaneseq.u32;
	_ =	strace $0x80000047;
	s6 =	sadd.s32 s3, s6;
	s1 =	sadd.s32 s1, s29  }
0xa: {  	v1 =	vor.u32 $0x10, v0;
	s28 =	sshrl.u32 s0, $0x1;
	[dreg:$0x4] =	wrdreg s1;
	s30 =	sadd.s32 $0x700, s6  }
0xb: {  	v2 =	vor.u32 $0x20, v0;
	v3 =	vor.u32 $0x30, v0;
	v4 =	vor.u32 $0x40, v0;
	s0 =	ssub.s32 s0, s28;
	s31 =	sadd.s32 $0xE00, s6;
	[dreg:$0x5] =	wrdreg s30  }
0xc: {  	v5 =	vor.u32 $0x50, v0;
	v6 =	vor.u32 $0x60, v0;
	v7 =	vor.u32 $0x70, v0;
	s11 =	smax.u32 s0, $0x1;
	s10 =	sadd.s32 $0x1500, s6;
	[dreg:$0x6] =	wrdreg s31  }
.LBB2_1:
0xd: {  	s0 =	rddreg [dreg:$0x1]  }
0xe: {  	[tilespmem:s4], [sflag:$0x1] =	stream.linear.gather [hbm4b:s0+s4], $0xE00, $0x38;
	[tilespmem:$0xFA80] =	vst v63  }
0xf: {  	s31 =	rddreg [dreg:$0x4];
	s1 =	simm.s32 $0xE00  }
0x10: {  	[tilespmem:s1], [sflag:$0x2] =	stream.linear.gather [hbm4b:s31+s4], $0xC40, $0x38;
	[tilespmem:$0xFA80] =	vst v63  }
0x11: {  	_ =	swait.ge [sflag:s13], $0xE00  }
0x12: {  	[sflag:s13] =	ssyncset.done $0x0  }
0x13: {  	[sflag:s13] =	ssyncadd.s32 $0xFFFFF200  }
0x14: {  	_ =	swait.ge [sflag:s14], $0xC40  }
0x15: {  	[sflag:s14] =	ssyncset.done $0x0  }
0x16: {  	s2 =	sand.u32 $0x70, s4;
	[sflag:s14] =	ssyncadd.s32 $0xFFFFF3C0  }
0x17: {  	v8 =	vld [tilespmem:s2+$0xE00];
	_ =	sdelay $0x4  }
0x18: {  	v9 =	vmov s4;
	v8 =	vshll.u32 v8, $0x7  }
0x19: {  	s7 =	simm.s32 $0x1;
	v13 =	vperm.xlane v8, v9  }
0x1a: {  	s8 =	sand.u32 $0x70, s7  }
0x1b: {  	v8 =	vld [tilespmem:s8+$0xE00];
	v9 =	vadd.s32 v0, v13;
	_ =	sdelay $0x4  }
0x1c: {  	v10 =	vmov s7;
	v8 =	vshll.u32 v8, $0x7;
	v9 =	vld.idx.msk [tilespmem:v9+s4+$0x0], $0xffff  }
0x1d: {  	s9 =	simm.s32 $0x2;
	v10 =	vperm.xlane v8, v10;
	v8 =	vadd.s32 v1, v13  }
0x1e: {  	s12 =	sand.u32 $0x70, s9  }
0x1f: {  	v11 =	vld [tilespmem:s12+$0xE00];
	v12 =	vadd.s32 v0, v10  }
0x20: {  	s25 =	simm.s32 $0x1AC0  }
0x21: {  	[tilespmem:s25+$0xFFFFFFC0] =	vst v9  }
0x22: {  	v9 =	vld.idx.msk [tilespmem:v8+s4+$0x0], $0xffff  }
0x23: {  	v14 =	vadd.s32 v2, v13  }
0x24: {  	s22 =	simm.s32 $0x3;
	v12 =	vld.idx.msk [tilespmem:v12+s4+$0x0], $0xffff;
	v8 =	vshll.u32 v11, $0x7;
	v11 =	vmov s9  }
0x25: {  	s24 =	sand.u32 $0x70, s22;
	v8 =	vperm.xlane v8, v11;
	v11 =	vadd.s32 v1, v10  }
0x26: {  	v15 =	vld [tilespmem:s24+$0xE00]  }
0x27: {  	v16 =	vadd.s32 v0, v8;
	[tilespmem:s25+$0xFFFFFFD0] =	vst v9  }
0x28: {  	s23 =	simm.s32 $0x1B40;
	v14 =	vld.idx.msk [tilespmem:v14+s4+$0x0], $0xffff  }
0x29: {  	[tilespmem:s23+$0xFFFFFFC0] =	vst v12;
	v12 =	vadd.s32 v3, v13  }
0x2a: {  	v11 =	vld.idx.msk [tilespmem:v11+s4+$0x0], $0xffff  }
0x2b: {  	s26 =	simm.s32 $0x4;
	v17 =	vadd.s32 v2, v10;
	v9 =	vshll.u32 v15, $0x7;
	v15 =	vmov s22  }
0x2c: {  	s28 =	sand.u32 $0x70, s26;
	v9 =	vperm.xlane v9, v15;
	v16 =	vld.idx.msk [tilespmem:v16+s4+$0x0], $0xffff  }
0x2d: {  	v18 =	vadd.s32 v1, v8;
	v15 =	vld [tilespmem:s28+$0xE00];
	[tilespmem:s25+$0xFFFFFFE0] =	vst v14  }
0x2e: {  	v14 =	vadd.s32 v0, v9;
	v12 =	vld.idx.msk [tilespmem:v12+s4+$0x0], $0xffff  }
0x2f: {  	[tilespmem:s23+$0xFFFFFFD0] =	vst v11;
	v11 =	vadd.s32 v4, v13  }
0x30: {  	s22 =	simm.s32 $0x1BC0;
	v17 =	vld.idx.msk [tilespmem:v17+s4+$0x0], $0xffff  }
0x31: {  	[tilespmem:s22+$0xFFFFFFC0] =	vst v16;
	v16 =	vadd.s32 v3, v10  }
0x32: {  	v18 =	vld.idx.msk [tilespmem:v18+s4+$0x0], $0xffff  }
0x33: {  	v19 =	vadd.s32 v2, v8;
	v14 =	vld.idx.msk [tilespmem:v14+s4+$0x0], $0xffff;
	[tilespmem:s25+$0xFFFFFFF0] =	vst v12;
	v12 =	vshll.u32 v15, $0x7;
	v15 =	vmov s26  }
0x34: {  	v20 =	vld.idx.msk [tilespmem:v11+s4+$0x0], $0xffff;
	v11 =	vperm.xlane v12, v15;
	v12 =	vadd.s32 v1, v9  }
0x35: {  	s29 =	simm.s32 $0x5;
	[tilespmem:s23+$0xFFFFFFE0] =	vst v17  }
0x36: {  	s30 =	sand.u32 $0x70, s29;
	v17 =	vadd.s32 v5, v13;
	v16 =	vld.idx.msk [tilespmem:v16+s4+$0x0], $0xffff  }
0x37: {  	s24 =	simm.s32 $0x1C40;
	v15 =	vld [tilespmem:s30+$0xE00];
	[tilespmem:s22+$0xFFFFFFD0] =	vst v18;
	v18 =	vadd.s32 v4, v10  }
0x38: {  	s2 =	simm.s32 $0x6;
	v21 =	vadd.s32 v0, v11;
	v19 =	vld.idx.msk [tilespmem:v19+s4+$0x0], $0xffff;
	[tilespmem:s24+$0xFFFFFFC0] =	vst v14  }
0x39: {  	s31 =	sand.u32 $0x70, s2;
	v22 =	vadd.s32 v3, v8;
	v14 =	vld.idx.msk [tilespmem:v12+s4+$0x0], $0xffff  }
0x3a: {  	v23 =	vld [tilespmem:s31+$0xE00];
	[tilespmem:s25+$0x0] =	vst v20;
	v20 =	vadd.s32 v2, v9  }
0x3b: {  	[tilespmem:s23+$0xFFFFFFF0] =	vst v16;
	v17 =	vld.idx.msk [tilespmem:v17+s4+$0x0], $0xffff  }
0x3c: {  	v16 =	vadd.s32 v6, v13;
	v18 =	vld.idx.msk [tilespmem:v18+s4+$0x0], $0xffff  }
0x3d: {  	v12 =	vshll.u32 v15, $0x7;
	v15 =	vmov s29;
	v21 =	vld.idx.msk [tilespmem:v21+s4+$0x0], $0xffff;
	[tilespmem:s22+$0xFFFFFFE0] =	vst v19;
	v19 =	vadd.s32 v5, v10  }
0x3e: {  	v12 =	vperm.xlane v12, v15;
	v15 =	vadd.s32 v1, v11;
	v22 =	vld.idx.msk [tilespmem:v22+s4+$0x0], $0xffff;
	[tilespmem:s24+$0xFFFFFFD0] =	vst v14  }
0x3f: {  	v25 =	vld.idx.msk [tilespmem:v20+s4+$0x0], $0xffff;
	v20 =	vadd.s32 v4, v8  }
0x40: {  	v24 =	vadd.s32 v0, v12;
	[tilespmem:s25+$0x10] =	vst v17  }
0x41: {  	s0 =	simm.s32 $0x1CC0;
	[tilespmem:s23+$0x0] =	vst v18;
	v16 =	vld.idx.msk [tilespmem:v16+s4+$0x0], $0xffff  }
0x42: {  	v17 =	vadd.s32 v3, v9;
	[tilespmem:s0+$0xFFFFFFC0] =	vst v21;
	v14 =	vld.idx.msk [tilespmem:v19+s4+$0x0], $0xffff  }
0x43: {  	v27 =	vadd.s32 v7, v13;
	v26 =	vld.idx.msk [tilespmem:v15+s4+$0x0], $0xffff;
	[tilespmem:s22+$0xFFFFFFF0] =	vst v22  }
0x44: {  	s1 =	simm.s32 $0x7;
	v13 =	vshll.u32 v23, $0x7;
	v18 =	vmov s2;
	v15 =	vld.idx.msk [tilespmem:v20+s4+$0x0], $0xffff;
	v20 =	vadd.s32 v2, v11  }
0x45: {  	s7 =	sand.u32 $0x70, s1;
	v13 =	vperm.xlane v13, v18;
	v18 =	vadd.s32 v6, v10;
	v21 =	vld.idx.msk [tilespmem:v24+s4+$0x0], $0xffff  }
0x46: {  	v23 =	vadd.s32 v1, v12;
	v22 =	vld [tilespmem:s7+$0xE00];
	[tilespmem:s24+$0xFFFFFFE0] =	vst v25  }
0x47: {  	v19 =	vld.idx.msk [tilespmem:v17+s4+$0x0], $0xffff;
	[tilespmem:s25+$0x20] =	vst v16;
	v17 =	vadd.s32 v5, v8  }
0x48: {  	s26 =	simm.s32 $0x1CC0;
	s2 =	simm.s32 $0x8;
	v24 =	vadd.s32 v0, v13;
	[tilespmem:s0+$0xFFFFFFD0] =	vst v26;
	v16 =	vld.idx.msk [tilespmem:v27+s4+$0x0], $0xffff  }
.LBB2_2:
0x49: {  	p0 =	sne.s32 s2, $0x6F;
	v25 =	vld.idx.msk [tilespmem:v20+s4+$0x0], $0xffff;
	s0 =	sadd.s32 $0x80, s0;
	v26 =	vadd.s32 v4, v9;
	[tilespmem:s23+$0x10] =	vst v14  }
0x4a: {  	[tilespmem:s0+$0xFFFFFFC0] =	vst v21;
	v27 =	vld.idx.msk [tilespmem:v18+s4+$0x0], $0xffff  }
0x4b: {  	v29 =	vadd.s32 v3, v11;
	v28 =	vld.idx.msk [tilespmem:v23+s4+$0x0], $0xffff;
	[tilespmem:s22+$0x0] =	vst v15  }
0x4c: {  	v30 =	vadd.s32 v7, v10;
	v10 =	vmovc v8;
	v8 =	vmovc v9;
	v9 =	vmov v11;
	v11 =	vmov v12;
	v14 =	vld.idx.msk [tilespmem:v17+s4+$0x0], $0xffff  }
.Ltmp0:
0x4d: {  	v12 =	vmov v13;
	v20 =	vadd.s32 v2, v11;
	v21 =	vld.idx.msk [tilespmem:v24+s4+$0x0], $0xffff;
	[tilespmem:s24+$0xFFFFFFF0] =	vst v19;
	(pc) =	sbr.rel @p0 .LBB2_2-.Ltmp0, $4  }
0x4e: {  	s7 =	sand.u32 $0x70, s2;
	v18 =	vadd.s32 v6, v10;
	v13 =	vshll.u32 v22, $0x7;
	v17 =	vmov s1;
	v15 =	vld.idx.msk [tilespmem:v26+s4+$0x0], $0xffff;
	[tilespmem:s25+$0x30] =	vst v16;
	s25 =	smov.u32 s23;
	s23 =	smov.u32 s22  }
0x4f: {  	v23 =	vadd.s32 v1, v12;
	v13 =	vperm.xlane v13, v17;
	s22 =	smov.u32 s24;
	s24 =	smov.u32 s26;
	v22 =	vld [tilespmem:s7+$0xE00];
	[tilespmem:s26+$0xFFFFFFE0] =	vst v25;
	s26 =	smov.u32 s0  }
0x50: {  	s1 =	smov.u32 s2;
	v17 =	vadd.s32 v5, v8;
	v19 =	vld.idx.msk [tilespmem:v29+s4+$0x0], $0xffff;
	[tilespmem:s25+$0x20] =	vst v27  }
0x51: {  	s2 =	sadd.s32 $0x1, s2;
	v24 =	vadd.s32 v0, v13;
	[tilespmem:s0+$0xFFFFFFD0] =	vst v28;
	v16 =	vld.idx.msk [tilespmem:v30+s4+$0x0], $0xffff  }
0x52: {  	_ =	sdelay $0x1  }
0x53: {  	v25 =	vmov s1;
	v22 =	vshll.u32 v22, $0x7  }
0x54: {  	v22 =	vperm.xlane v22, v25;
	_ =	sdelay $0x1  }
0x55: {  	v25 =	vadd.s32 v0, v22;
	_ =	sdelay $0x3  }
0x56: {  	v24 =	vld.idx.msk [tilespmem:v24+s4+$0x0], $0xffff  }
0x57: {  	v26 =	vadd.s32 v1, v13;
	v25 =	vld.idx.msk [tilespmem:v25+s4+$0x0], $0xffff  }
0x58: {  	v27 =	vadd.s32 v1, v22  }
0x59: {  	s0 =	sadd.s32 $0x80, s0  }
0x5a: {  	[tilespmem:s0+$0xFFFFFFC0] =	vst v21;
	s30 =	sadd.s32 $0x80, s0  }
0x5b: {  	v21 =	vld.idx.msk [tilespmem:v23+s4+$0x0], $0xffff;
	s28 =	sadd.s32 $0x80, s30;
	[tilespmem:s30+$0xFFFFFFC0] =	vst v24  }
0x5c: {  	v23 =	vadd.s32 v2, v12;
	v24 =	vld.idx.msk [tilespmem:v26+s4+$0x0], $0xffff;
	[tilespmem:s28+$0xFFFFFFC0] =	vst v25  }
0x5d: {  	v25 =	vadd.s32 v2, v13;
	v26 =	vld.idx.msk [tilespmem:v27+s4+$0x0], $0xffff  }
0x5e: {  	v27 =	vadd.s32 v2, v22  }
0x5f: {  	[tilespmem:s23+$0x10] =	vst v14  }
0x60: {  	v14 =	vld.idx.msk [tilespmem:v20+s4+$0x0], $0xffff;
	[tilespmem:s0+$0xFFFFFFD0] =	vst v21  }
0x61: {  	v20 =	vadd.s32 v3, v11;
	v21 =	vld.idx.msk [tilespmem:v23+s4+$0x0], $0xffff;
	[tilespmem:s30+$0xFFFFFFD0] =	vst v24  }
0x62: {  	v23 =	vadd.s32 v3, v12;
	v24 =	vld.idx.msk [tilespmem:v25+s4+$0x0], $0xffff;
	[tilespmem:s28+$0xFFFFFFD0] =	vst v26  }
0x63: {  	[tilespmem:s22+$0x0] =	vst v15;
	v15 =	vadd.s32 v3, v13;
	v25 =	vld.idx.msk [tilespmem:v27+s4+$0x0], $0xffff  }
0x64: {  	[tilespmem:s24+$0xFFFFFFF0] =	vst v19;
	v19 =	vadd.s32 v3, v22  }
0x65: {  	v18 =	vld.idx.msk [tilespmem:v18+s4+$0x0], $0xffff;
	[tilespmem:s26+$0xFFFFFFE0] =	vst v14  }
0x66: {  	v14 =	vadd.s32 v4, v9;
	v20 =	vld.idx.msk [tilespmem:v20+s4+$0x0], $0xffff;
	[tilespmem:s0+$0xFFFFFFE0] =	vst v21  }
0x67: {  	v21 =	vadd.s32 v4, v11;
	v23 =	vld.idx.msk [tilespmem:v23+s4+$0x0], $0xffff;
	[tilespmem:s30+$0xFFFFFFE0] =	vst v24  }
0x68: {  	v24 =	vadd.s32 v4, v12;
	v15 =	vld.idx.msk [tilespmem:v15+s4+$0x0], $0xffff;
	[tilespmem:s28+$0xFFFFFFE0] =	vst v25  }
0x69: {  	[tilespmem:s25+$0x30] =	vst v16;
	v16 =	vadd.s32 v4, v13;
	v19 =	vld.idx.msk [tilespmem:v19+s4+$0x0], $0xffff  }
0x6a: {  	v17 =	vld.idx.msk [tilespmem:v17+s4+$0x0], $0xffff;
	[tilespmem:s23+$0x20] =	vst v18;
	v18 =	vadd.s32 v4, v22  }
0x6b: {  	v10 =	vadd.s32 v7, v10;
	v14 =	vld.idx.msk [tilespmem:v14+s4+$0x0], $0xffff;
	[tilespmem:s26+$0xFFFFFFF0] =	vst v20  }
0x6c: {  	v20 =	vadd.s32 v5, v9;
	v21 =	vld.idx.msk [tilespmem:v21+s4+$0x0], $0xffff;
	[tilespmem:s0+$0xFFFFFFF0] =	vst v23  }
0x6d: {  	v23 =	vadd.s32 v5, v11;
	v24 =	vld.idx.msk [tilespmem:v24+s4+$0x0], $0xffff;
	[tilespmem:s30+$0xFFFFFFF0] =	vst v15  }
0x6e: {  	v15 =	vadd.s32 v5, v12;
	v16 =	vld.idx.msk [tilespmem:v16+s4+$0x0], $0xffff;
	[tilespmem:s28+$0xFFFFFFF0] =	vst v19  }
0x6f: {  	[tilespmem:s22+$0x10] =	vst v17;
	v17 =	vadd.s32 v5, v13;
	v18 =	vld.idx.msk [tilespmem:v18+s4+$0x0], $0xffff  }
0x70: {  	v10 =	vld.idx.msk [tilespmem:v10+s4+$0x0], $0xffff;
	[tilespmem:s24+$0x0] =	vst v14;
	v14 =	vadd.s32 v5, v22  }
0x71: {  	v20 =	vld.idx.msk [tilespmem:v20+s4+$0x0], $0xffff;
	[tilespmem:s26+$0x0] =	vst v21;
	v19 =	vadd.s32 v6, v8  }
0x72: {  	v21 =	vadd.s32 v6, v9;
	v23 =	vld.idx.msk [tilespmem:v23+s4+$0x0], $0xffff;
	[tilespmem:s0+$0x0] =	vst v24  }
0x73: {  	v24 =	vadd.s32 v6, v11;
	v15 =	vld.idx.msk [tilespmem:v15+s4+$0x0], $0xffff;
	[tilespmem:s30+$0x0] =	vst v16  }
0x74: {  	v16 =	vadd.s32 v6, v12;
	v17 =	vld.idx.msk [tilespmem:v17+s4+$0x0], $0xffff;
	[tilespmem:s28+$0x0] =	vst v18  }
0x75: {  	[tilespmem:s23+$0x30] =	vst v10;
	v10 =	vadd.s32 v6, v13;
	v14 =	vld.idx.msk [tilespmem:v14+s4+$0x0], $0xffff  }
0x76: {  	[tilespmem:s24+$0x10] =	vst v20;
	v18 =	vld.idx.msk [tilespmem:v19+s4+$0x0], $0xffff;
	v19 =	vadd.s32 v6, v22  }
0x77: {  	v20 =	vld.idx.msk [tilespmem:v21+s4+$0x0], $0xffff;
	[tilespmem:s26+$0x10] =	vst v23;
	v8 =	vadd.s32 v7, v8  }
0x78: {  	v9 =	vadd.s32 v7, v9;
	v21 =	vld.idx.msk [tilespmem:v24+s4+$0x0], $0xffff;
	[tilespmem:s0+$0x10] =	vst v15  }
0x79: {  	v11 =	vadd.s32 v7, v11;
	v15 =	vld.idx.msk [tilespmem:v16+s4+$0x0], $0xffff;
	[tilespmem:s30+$0x10] =	vst v17  }
0x7a: {  	v12 =	vadd.s32 v7, v12;
	v10 =	vld.idx.msk [tilespmem:v10+s4+$0x0], $0xffff;
	[tilespmem:s28+$0x10] =	vst v14  }
0x7b: {  	v13 =	vadd.s32 v7, v13;
	[tilespmem:s22+$0x20] =	vst v18;
	v14 =	vld.idx.msk [tilespmem:v19+s4+$0x0], $0xffff  }
0x7c: {  	[tilespmem:s24+$0x20] =	vst v20;
	v16 =	vadd.s32 v7, v22;
	v8 =	vld.idx.msk [tilespmem:v8+s4+$0x0], $0xffff  }
0x7d: {  	v9 =	vld.idx.msk [tilespmem:v9+s4+$0x0], $0xffff;
	[tilespmem:s26+$0x20] =	vst v21  }
0x7e: {  	v11 =	vld.idx.msk [tilespmem:v11+s4+$0x0], $0xffff;
	[tilespmem:s0+$0x20] =	vst v15  }
0x7f: {  	v12 =	vld.idx.msk [tilespmem:v12+s4+$0x0], $0xffff;
	[tilespmem:s30+$0x20] =	vst v10  }
0x80: {  	v10 =	vld.idx.msk [tilespmem:v13+s4+$0x0], $0xffff;
	[tilespmem:s28+$0x20] =	vst v14  }
0x81: {  	[tilespmem:s22+$0x30] =	vst v8;
	v8 =	vld.idx.msk [tilespmem:v16+s4+$0x0], $0xffff  }
0x82: {  	[tilespmem:s24+$0x30] =	vst v9  }
0x83: {  	[tilespmem:s26+$0x30] =	vst v11  }
0x84: {  	[tilespmem:s0+$0x30] =	vst v12  }
0x85: {  	s31 =	simm.s32 $0x0;
	[tilespmem:s30+$0x30] =	vst v10  }
0x86: {  	s2 =	sand.u32 $0x70, s31;
	[tilespmem:s28+$0x30] =	vst v8  }
0x87: {  	[hbm4b:s6+s31] =	stream.linear.scatter [tilespmem:s15], [sflag:$0x1], $0x3800, $0x38;
	[tilespmem:$0xFA80] =	vst v63  }
0x88: {  	v8 =	vld [tilespmem:s2+$0xE70];
	_ =	sdelay $0x4  }
0x89: {  	v9 =	vmov s31;
	v8 =	vshll.u32 v8, $0x7  }
0x8a: {  	s7 =	simm.s32 $0x1;
	v13 =	vperm.xlane v8, v9  }
0x8b: {  	s8 =	sand.u32 $0x70, s7  }
0x8c: {  	v8 =	vld [tilespmem:s8+$0xE70];
	v9 =	vadd.s32 v0, v13;
	_ =	sdelay $0x4  }
0x8d: {  	v10 =	vmov s7;
	v8 =	vshll.u32 v8, $0x7;
	v9 =	vld.idx.msk [tilespmem:v9+s4+$0x0], $0xffff  }
0x8e: {  	s9 =	simm.s32 $0x2;
	v10 =	vperm.xlane v8, v10;
	v8 =	vadd.s32 v1, v13  }
0x8f: {  	s12 =	sand.u32 $0x70, s9  }
0x90: {  	v11 =	vld [tilespmem:s12+$0xE70];
	v12 =	vadd.s32 v0, v10  }
0x91: {  	s25 =	simm.s32 $0x52F0  }
0x92: {  	[tilespmem:s25+$0xFFFFFF90] =	vst v9  }
0x93: {  	v9 =	vld.idx.msk [tilespmem:v8+s4+$0x0], $0xffff  }
0x94: {  	v14 =	vadd.s32 v2, v13  }
0x95: {  	s22 =	simm.s32 $0x3;
	v12 =	vld.idx.msk [tilespmem:v12+s4+$0x0], $0xffff;
	v8 =	vshll.u32 v11, $0x7;
	v11 =	vmov s9  }
0x96: {  	s24 =	sand.u32 $0x70, s22;
	v8 =	vperm.xlane v8, v11;
	v11 =	vadd.s32 v1, v10  }
0x97: {  	v15 =	vld [tilespmem:s24+$0xE70]  }
0x98: {  	v16 =	vadd.s32 v0, v8;
	[tilespmem:s25+$0xFFFFFFA0] =	vst v9  }
0x99: {  	s23 =	simm.s32 $0x5370;
	v14 =	vld.idx.msk [tilespmem:v14+s4+$0x0], $0xffff  }
0x9a: {  	[tilespmem:s23+$0xFFFFFF90] =	vst v12;
	v12 =	vadd.s32 v3, v13  }
0x9b: {  	v11 =	vld.idx.msk [tilespmem:v11+s4+$0x0], $0xffff  }
0x9c: {  	s26 =	simm.s32 $0x4;
	v17 =	vadd.s32 v2, v10;
	v9 =	vshll.u32 v15, $0x7;
	v15 =	vmov s22  }
0x9d: {  	s28 =	sand.u32 $0x70, s26;
	v9 =	vperm.xlane v9, v15;
	v16 =	vld.idx.msk [tilespmem:v16+s4+$0x0], $0xffff  }
0x9e: {  	v18 =	vadd.s32 v1, v8;
	v15 =	vld [tilespmem:s28+$0xE70];
	[tilespmem:s25+$0xFFFFFFB0] =	vst v14  }
0x9f: {  	v14 =	vadd.s32 v0, v9;
	v12 =	vld.idx.msk [tilespmem:v12+s4+$0x0], $0xffff  }
0xa0: {  	[tilespmem:s23+$0xFFFFFFA0] =	vst v11;
	v11 =	vadd.s32 v4, v13  }
0xa1: {  	s22 =	simm.s32 $0x53F0;
	v17 =	vld.idx.msk [tilespmem:v17+s4+$0x0], $0xffff  }
0xa2: {  	[tilespmem:s22+$0xFFFFFF90] =	vst v16;
	v16 =	vadd.s32 v3, v10  }
0xa3: {  	v18 =	vld.idx.msk [tilespmem:v18+s4+$0x0], $0xffff  }
0xa4: {  	v19 =	vadd.s32 v2, v8;
	v14 =	vld.idx.msk [tilespmem:v14+s4+$0x0], $0xffff;
	[tilespmem:s25+$0xFFFFFFC0] =	vst v12;
	v12 =	vshll.u32 v15, $0x7;
	v15 =	vmov s26  }
0xa5: {  	v20 =	vld.idx.msk [tilespmem:v11+s4+$0x0], $0xffff;
	v11 =	vperm.xlane v12, v15;
	v12 =	vadd.s32 v1, v9  }
0xa6: {  	s29 =	simm.s32 $0x5;
	[tilespmem:s23+$0xFFFFFFB0] =	vst v17  }
0xa7: {  	s30 =	sand.u32 $0x70, s29;
	v17 =	vadd.s32 v5, v13;
	v16 =	vld.idx.msk [tilespmem:v16+s4+$0x0], $0xffff  }
0xa8: {  	s24 =	simm.s32 $0x5470;
	v15 =	vld [tilespmem:s30+$0xE70];
	[tilespmem:s22+$0xFFFFFFA0] =	vst v18;
	v18 =	vadd.s32 v4, v10  }
0xa9: {  	s2 =	simm.s32 $0x6;
	v21 =	vadd.s32 v0, v11;
	v19 =	vld.idx.msk [tilespmem:v19+s4+$0x0], $0xffff;
	[tilespmem:s24+$0xFFFFFF90] =	vst v14  }
0xaa: {  	s31 =	sand.u32 $0x70, s2;
	v22 =	vadd.s32 v3, v8;
	v14 =	vld.idx.msk [tilespmem:v12+s4+$0x0], $0xffff  }
0xab: {  	v23 =	vld [tilespmem:s31+$0xE70];
	[tilespmem:s25+$0xFFFFFFD0] =	vst v20;
	v20 =	vadd.s32 v2, v9  }
0xac: {  	[tilespmem:s23+$0xFFFFFFC0] =	vst v16;
	v17 =	vld.idx.msk [tilespmem:v17+s4+$0x0], $0xffff  }
0xad: {  	v16 =	vadd.s32 v6, v13;
	v18 =	vld.idx.msk [tilespmem:v18+s4+$0x0], $0xffff  }
0xae: {  	v12 =	vshll.u32 v15, $0x7;
	v15 =	vmov s29;
	v21 =	vld.idx.msk [tilespmem:v21+s4+$0x0], $0xffff;
	[tilespmem:s22+$0xFFFFFFB0] =	vst v19;
	v19 =	vadd.s32 v5, v10  }
0xaf: {  	v12 =	vperm.xlane v12, v15;
	v15 =	vadd.s32 v1, v11;
	v22 =	vld.idx.msk [tilespmem:v22+s4+$0x0], $0xffff;
	[tilespmem:s24+$0xFFFFFFA0] =	vst v14  }
0xb0: {  	v25 =	vld.idx.msk [tilespmem:v20+s4+$0x0], $0xffff;
	v20 =	vadd.s32 v4, v8  }
0xb1: {  	v24 =	vadd.s32 v0, v12;
	[tilespmem:s25+$0xFFFFFFE0] =	vst v17  }
0xb2: {  	s0 =	simm.s32 $0x54F0;
	[tilespmem:s23+$0xFFFFFFD0] =	vst v18;
	v16 =	vld.idx.msk [tilespmem:v16+s4+$0x0], $0xffff  }
0xb3: {  	v17 =	vadd.s32 v3, v9;
	[tilespmem:s0+$0xFFFFFF90] =	vst v21;
	v14 =	vld.idx.msk [tilespmem:v19+s4+$0x0], $0xffff  }
0xb4: {  	v27 =	vadd.s32 v7, v13;
	v26 =	vld.idx.msk [tilespmem:v15+s4+$0x0], $0xffff;
	[tilespmem:s22+$0xFFFFFFC0] =	vst v22  }
0xb5: {  	s1 =	simm.s32 $0x7;
	v13 =	vshll.u32 v23, $0x7;
	v18 =	vmov s2;
	v15 =	vld.idx.msk [tilespmem:v20+s4+$0x0], $0xffff;
	v20 =	vadd.s32 v2, v11  }
0xb6: {  	s7 =	sand.u32 $0x70, s1;
	v13 =	vperm.xlane v13, v18;
	v18 =	vadd.s32 v6, v10;
	v21 =	vld.idx.msk [tilespmem:v24+s4+$0x0], $0xffff  }
0xb7: {  	v23 =	vadd.s32 v1, v12;
	v22 =	vld [tilespmem:s7+$0xE70];
	[tilespmem:s24+$0xFFFFFFB0] =	vst v25  }
0xb8: {  	v19 =	vld.idx.msk [tilespmem:v17+s4+$0x0], $0xffff;
	[tilespmem:s25+$0xFFFFFFF0] =	vst v16;
	v17 =	vadd.s32 v5, v8  }
0xb9: {  	s26 =	simm.s32 $0x54F0;
	s2 =	simm.s32 $0x8;
	v24 =	vadd.s32 v0, v13;
	[tilespmem:s0+$0xFFFFFFA0] =	vst v26;
	v16 =	vld.idx.msk [tilespmem:v27+s4+$0x0], $0xffff  }
.LBB2_4:
0xba: {  	p0 =	sne.s32 s2, $0x6F;
	v25 =	vld.idx.msk [tilespmem:v20+s4+$0x0], $0xffff;
	s0 =	sadd.s32 $0x80, s0;
	v26 =	vadd.s32 v4, v9;
	[tilespmem:s23+$0xFFFFFFE0] =	vst v14  }
0xbb: {  	[tilespmem:s0+$0xFFFFFF90] =	vst v21;
	v27 =	vld.idx.msk [tilespmem:v18+s4+$0x0], $0xffff  }
0xbc: {  	v29 =	vadd.s32 v3, v11;
	v28 =	vld.idx.msk [tilespmem:v23+s4+$0x0], $0xffff;
	[tilespmem:s22+$0xFFFFFFD0] =	vst v15  }
0xbd: {  	v30 =	vadd.s32 v7, v10;
	v10 =	vmovc v8;
	v8 =	vmovc v9;
	v9 =	vmov v11;
	v11 =	vmov v12;
	v14 =	vld.idx.msk [tilespmem:v17+s4+$0x0], $0xffff  }
.Ltmp1:
0xbe: {  	v12 =	vmov v13;
	v20 =	vadd.s32 v2, v11;
	v21 =	vld.idx.msk [tilespmem:v24+s4+$0x0], $0xffff;
	[tilespmem:s24+$0xFFFFFFC0] =	vst v19;
	(pc) =	sbr.rel @p0 .LBB2_4-.Ltmp1, $4  }
0xbf: {  	s7 =	sand.u32 $0x70, s2;
	v18 =	vadd.s32 v6, v10;
	v13 =	vshll.u32 v22, $0x7;
	v17 =	vmov s1;
	v15 =	vld.idx.msk [tilespmem:v26+s4+$0x0], $0xffff;
	[tilespmem:s25+$0x0] =	vst v16;
	s25 =	smov.u32 s23;
	s23 =	smov.u32 s22  }
0xc0: {  	v23 =	vadd.s32 v1, v12;
	v13 =	vperm.xlane v13, v17;
	s22 =	smov.u32 s24;
	s24 =	smov.u32 s26;
	v22 =	vld [tilespmem:s7+$0xE70];
	[tilespmem:s26+$0xFFFFFFB0] =	vst v25;
	s26 =	smov.u32 s0  }
0xc1: {  	s1 =	smov.u32 s2;
	v17 =	vadd.s32 v5, v8;
	v19 =	vld.idx.msk [tilespmem:v29+s4+$0x0], $0xffff;
	[tilespmem:s25+$0xFFFFFFF0] =	vst v27  }
0xc2: {  	s2 =	sadd.s32 $0x1, s2;
	v24 =	vadd.s32 v0, v13;
	[tilespmem:s0+$0xFFFFFFA0] =	vst v28;
	v16 =	vld.idx.msk [tilespmem:v30+s4+$0x0], $0xffff  }
0xc3: {  	_ =	sdelay $0x1  }
0xc4: {  	v25 =	vmov s1;
	v22 =	vshll.u32 v22, $0x7  }
0xc5: {  	v22 =	vperm.xlane v22, v25;
	_ =	sdelay $0x1  }
0xc6: {  	v25 =	vadd.s32 v0, v22;
	_ =	sdelay $0x3  }
0xc7: {  	v24 =	vld.idx.msk [tilespmem:v24+s4+$0x0], $0xffff  }
0xc8: {  	v26 =	vadd.s32 v1, v13;
	v25 =	vld.idx.msk [tilespmem:v25+s4+$0x0], $0xffff  }
0xc9: {  	v27 =	vadd.s32 v1, v22  }
0xca: {  	s0 =	sadd.s32 $0x80, s0  }
0xcb: {  	[tilespmem:s0+$0xFFFFFF90] =	vst v21;
	s12 =	sadd.s32 $0x80, s0  }
0xcc: {  	v21 =	vld.idx.msk [tilespmem:v23+s4+$0x0], $0xffff;
	s28 =	sadd.s32 $0x80, s12;
	[tilespmem:s12+$0xFFFFFF90] =	vst v24  }
0xcd: {  	v23 =	vadd.s32 v2, v12;
	v24 =	vld.idx.msk [tilespmem:v26+s4+$0x0], $0xffff;
	[tilespmem:s28+$0xFFFFFF90] =	vst v25  }
0xce: {  	v25 =	vadd.s32 v2, v13;
	v26 =	vld.idx.msk [tilespmem:v27+s4+$0x0], $0xffff  }
0xcf: {  	v27 =	vadd.s32 v2, v22  }
0xd0: {  	[tilespmem:s23+$0xFFFFFFE0] =	vst v14  }
0xd1: {  	v14 =	vld.idx.msk [tilespmem:v20+s4+$0x0], $0xffff;
	[tilespmem:s0+$0xFFFFFFA0] =	vst v21  }
0xd2: {  	v20 =	vadd.s32 v3, v11;
	v21 =	vld.idx.msk [tilespmem:v23+s4+$0x0], $0xffff;
	[tilespmem:s12+$0xFFFFFFA0] =	vst v24  }
0xd3: {  	v23 =	vadd.s32 v3, v12;
	v24 =	vld.idx.msk [tilespmem:v25+s4+$0x0], $0xffff;
	[tilespmem:s28+$0xFFFFFFA0] =	vst v26  }
0xd4: {  	[tilespmem:s22+$0xFFFFFFD0] =	vst v15;
	v15 =	vadd.s32 v3, v13;
	v25 =	vld.idx.msk [tilespmem:v27+s4+$0x0], $0xffff  }
0xd5: {  	[tilespmem:s24+$0xFFFFFFC0] =	vst v19;
	v19 =	vadd.s32 v3, v22  }
0xd6: {  	v18 =	vld.idx.msk [tilespmem:v18+s4+$0x0], $0xffff;
	[tilespmem:s26+$0xFFFFFFB0] =	vst v14  }
0xd7: {  	v14 =	vadd.s32 v4, v9;
	v20 =	vld.idx.msk [tilespmem:v20+s4+$0x0], $0xffff;
	[tilespmem:s0+$0xFFFFFFB0] =	vst v21  }
0xd8: {  	v21 =	vadd.s32 v4, v11;
	v23 =	vld.idx.msk [tilespmem:v23+s4+$0x0], $0xffff;
	[tilespmem:s12+$0xFFFFFFB0] =	vst v24  }
0xd9: {  	v24 =	vadd.s32 v4, v12;
	v15 =	vld.idx.msk [tilespmem:v15+s4+$0x0], $0xffff;
	[tilespmem:s28+$0xFFFFFFB0] =	vst v25  }
0xda: {  	[tilespmem:s25+$0x0] =	vst v16;
	v16 =	vadd.s32 v4, v13;
	v19 =	vld.idx.msk [tilespmem:v19+s4+$0x0], $0xffff  }
0xdb: {  	v17 =	vld.idx.msk [tilespmem:v17+s4+$0x0], $0xffff;
	[tilespmem:s23+$0xFFFFFFF0] =	vst v18;
	v18 =	vadd.s32 v4, v22  }
0xdc: {  	v10 =	vadd.s32 v7, v10;
	v14 =	vld.idx.msk [tilespmem:v14+s4+$0x0], $0xffff;
	[tilespmem:s26+$0xFFFFFFC0] =	vst v20  }
0xdd: {  	v20 =	vadd.s32 v5, v9;
	v21 =	vld.idx.msk [tilespmem:v21+s4+$0x0], $0xffff;
	[tilespmem:s0+$0xFFFFFFC0] =	vst v23  }
0xde: {  	v23 =	vadd.s32 v5, v11;
	v24 =	vld.idx.msk [tilespmem:v24+s4+$0x0], $0xffff;
	[tilespmem:s12+$0xFFFFFFC0] =	vst v15  }
0xdf: {  	v15 =	vadd.s32 v5, v12;
	v16 =	vld.idx.msk [tilespmem:v16+s4+$0x0], $0xffff;
	[tilespmem:s28+$0xFFFFFFC0] =	vst v19  }
0xe0: {  	[tilespmem:s22+$0xFFFFFFE0] =	vst v17;
	v17 =	vadd.s32 v5, v13;
	v18 =	vld.idx.msk [tilespmem:v18+s4+$0x0], $0xffff  }
0xe1: {  	v10 =	vld.idx.msk [tilespmem:v10+s4+$0x0], $0xffff;
	[tilespmem:s24+$0xFFFFFFD0] =	vst v14;
	v14 =	vadd.s32 v5, v22  }
0xe2: {  	v20 =	vld.idx.msk [tilespmem:v20+s4+$0x0], $0xffff;
	[tilespmem:s26+$0xFFFFFFD0] =	vst v21;
	v19 =	vadd.s32 v6, v8  }
0xe3: {  	v21 =	vadd.s32 v6, v9;
	v23 =	vld.idx.msk [tilespmem:v23+s4+$0x0], $0xffff;
	[tilespmem:s0+$0xFFFFFFD0] =	vst v24  }
0xe4: {  	v24 =	vadd.s32 v6, v11;
	v15 =	vld.idx.msk [tilespmem:v15+s4+$0x0], $0xffff;
	[tilespmem:s12+$0xFFFFFFD0] =	vst v16  }
0xe5: {  	v16 =	vadd.s32 v6, v12;
	v17 =	vld.idx.msk [tilespmem:v17+s4+$0x0], $0xffff;
	[tilespmem:s28+$0xFFFFFFD0] =	vst v18  }
0xe6: {  	[tilespmem:s23+$0x0] =	vst v10;
	v10 =	vadd.s32 v6, v13;
	v14 =	vld.idx.msk [tilespmem:v14+s4+$0x0], $0xffff  }
0xe7: {  	[tilespmem:s24+$0xFFFFFFE0] =	vst v20;
	v18 =	vld.idx.msk [tilespmem:v19+s4+$0x0], $0xffff;
	v19 =	vadd.s32 v6, v22  }
0xe8: {  	v20 =	vld.idx.msk [tilespmem:v21+s4+$0x0], $0xffff;
	[tilespmem:s26+$0xFFFFFFE0] =	vst v23;
	v8 =	vadd.s32 v7, v8  }
0xe9: {  	v9 =	vadd.s32 v7, v9;
	v21 =	vld.idx.msk [tilespmem:v24+s4+$0x0], $0xffff;
	[tilespmem:s0+$0xFFFFFFE0] =	vst v15  }
0xea: {  	v11 =	vadd.s32 v7, v11;
	v15 =	vld.idx.msk [tilespmem:v16+s4+$0x0], $0xffff;
	[tilespmem:s12+$0xFFFFFFE0] =	vst v17  }
0xeb: {  	v12 =	vadd.s32 v7, v12;
	v10 =	vld.idx.msk [tilespmem:v10+s4+$0x0], $0xffff;
	[tilespmem:s28+$0xFFFFFFE0] =	vst v14  }
0xec: {  	v13 =	vadd.s32 v7, v13;
	[tilespmem:s22+$0xFFFFFFF0] =	vst v18;
	v14 =	vld.idx.msk [tilespmem:v19+s4+$0x0], $0xffff  }
0xed: {  	[tilespmem:s24+$0xFFFFFFF0] =	vst v20;
	v16 =	vadd.s32 v7, v22;
	v8 =	vld.idx.msk [tilespmem:v8+s4+$0x0], $0xffff  }
0xee: {  	v9 =	vld.idx.msk [tilespmem:v9+s4+$0x0], $0xffff;
	[tilespmem:s26+$0xFFFFFFF0] =	vst v21  }
0xef: {  	v11 =	vld.idx.msk [tilespmem:v11+s4+$0x0], $0xffff;
	[tilespmem:s0+$0xFFFFFFF0] =	vst v15  }
0xf0: {  	v12 =	vld.idx.msk [tilespmem:v12+s4+$0x0], $0xffff;
	[tilespmem:s12+$0xFFFFFFF0] =	vst v10  }
0xf1: {  	v10 =	vld.idx.msk [tilespmem:v13+s4+$0x0], $0xffff;
	[tilespmem:s28+$0xFFFFFFF0] =	vst v14  }
0xf2: {  	[tilespmem:s22+$0x0] =	vst v8;
	v8 =	vld.idx.msk [tilespmem:v16+s4+$0x0], $0xffff  }
0xf3: {  	[tilespmem:s24+$0x0] =	vst v9  }
0xf4: {  	[tilespmem:s26+$0x0] =	vst v11  }
0xf5: {  	[tilespmem:s0+$0x0] =	vst v12  }
0xf6: {  	[tilespmem:s12+$0x0] =	vst v10  }
0xf7: {  	s23 =	simm.s32 $0x0;
	[tilespmem:s28+$0x0] =	vst v8  }
0xf8: {  	s24 =	sand.u32 $0x70, s23;
	s1 =	rddreg [dreg:$0x5]  }
0xf9: {  	[hbm4b:s1+s23] =	stream.linear.scatter [tilespmem:s16], [sflag:$0x2], $0x3800, $0x38;
	[tilespmem:$0xFA80] =	vst v63  }
0xfa: {  	v8 =	vld [tilespmem:s24+$0xEE0];
	_ =	sdelay $0x4  }
0xfb: {  	v9 =	vmov s23;
	v8 =	vshll.u32 v8, $0x7  }
0xfc: {  	s25 =	simm.s32 $0x1;
	v13 =	vperm.xlane v8, v9  }
0xfd: {  	s26 =	sand.u32 $0x70, s25  }
0xfe: {  	v8 =	vld [tilespmem:s26+$0xEE0];
	v9 =	vadd.s32 v0, v13;
	_ =	sdelay $0x4  }
0xff: {  	v10 =	vmov s25;
	v8 =	vshll.u32 v8, $0x7;
	v9 =	vld.idx.msk [tilespmem:v9+s4+$0x0], $0xffff  }
0x100: {  	s30 =	simm.s32 $0x2;
	v10 =	vperm.xlane v8, v10;
	v8 =	vadd.s32 v1, v13  }
0x101: {  	s31 =	sand.u32 $0x70, s30  }
0x102: {  	v11 =	vld [tilespmem:s31+$0xEE0];
	v12 =	vadd.s32 v0, v10  }
0x103: {  	s25 =	simm.s32 $0x0  }
0x104: {  	[tilespmem:s25+$0x8A80] =	vst v9  }
0x105: {  	v9 =	vld.idx.msk [tilespmem:v8+s4+$0x0], $0xffff  }
0x106: {  	v14 =	vadd.s32 v2, v13  }
0x107: {  	s2 =	simm.s32 $0x3;
	v12 =	vld.idx.msk [tilespmem:v12+s4+$0x0], $0xffff;
	v8 =	vshll.u32 v11, $0x7;
	v11 =	vmov s30  }
0x108: {  	s7 =	sand.u32 $0x70, s2;
	v8 =	vperm.xlane v8, v11;
	v11 =	vadd.s32 v1, v10  }
0x109: {  	v15 =	vld [tilespmem:s7+$0xEE0]  }
0x10a: {  	v16 =	vadd.s32 v0, v8;
	[tilespmem:s25+$0x8A90] =	vst v9  }
0x10b: {  	s23 =	simm.s32 $0x80;
	v14 =	vld.idx.msk [tilespmem:v14+s4+$0x0], $0xffff  }
0x10c: {  	[tilespmem:s23+$0x8A80] =	vst v12;
	v12 =	vadd.s32 v3, v13  }
0x10d: {  	v11 =	vld.idx.msk [tilespmem:v11+s4+$0x0], $0xffff  }
0x10e: {  	s8 =	simm.s32 $0x4;
	v17 =	vadd.s32 v2, v10;
	v9 =	vshll.u32 v15, $0x7;
	v15 =	vmov s2  }
0x10f: {  	s9 =	sand.u32 $0x70, s8;
	v9 =	vperm.xlane v9, v15;
	v16 =	vld.idx.msk [tilespmem:v16+s4+$0x0], $0xffff  }
0x110: {  	v18 =	vadd.s32 v1, v8;
	v15 =	vld [tilespmem:s9+$0xEE0];
	[tilespmem:s25+$0x8AA0] =	vst v14  }
0x111: {  	v14 =	vadd.s32 v0, v9;
	v12 =	vld.idx.msk [tilespmem:v12+s4+$0x0], $0xffff  }
0x112: {  	[tilespmem:s23+$0x8A90] =	vst v11;
	v11 =	vadd.s32 v4, v13  }
0x113: {  	s22 =	simm.s32 $0x100;
	v17 =	vld.idx.msk [tilespmem:v17+s4+$0x0], $0xffff  }
0x114: {  	[tilespmem:s22+$0x8A80] =	vst v16;
	v16 =	vadd.s32 v3, v10  }
0x115: {  	v18 =	vld.idx.msk [tilespmem:v18+s4+$0x0], $0xffff  }
0x116: {  	v19 =	vadd.s32 v2, v8;
	v14 =	vld.idx.msk [tilespmem:v14+s4+$0x0], $0xffff;
	[tilespmem:s25+$0x8AB0] =	vst v12;
	v12 =	vshll.u32 v15, $0x7;
	v15 =	vmov s8  }
0x117: {  	v20 =	vld.idx.msk [tilespmem:v11+s4+$0x0], $0xffff;
	v11 =	vperm.xlane v12, v15;
	v12 =	vadd.s32 v1, v9  }
0x118: {  	s12 =	simm.s32 $0x5;
	[tilespmem:s23+$0x8AA0] =	vst v17  }
0x119: {  	s26 =	sand.u32 $0x70, s12;
	v17 =	vadd.s32 v5, v13;
	v16 =	vld.idx.msk [tilespmem:v16+s4+$0x0], $0xffff  }
0x11a: {  	s24 =	simm.s32 $0x180;
	v15 =	vld [tilespmem:s26+$0xEE0];
	[tilespmem:s22+$0x8A90] =	vst v18;
	v18 =	vadd.s32 v4, v10  }
0x11b: {  	v21 =	vadd.s32 v0, v11;
	v19 =	vld.idx.msk [tilespmem:v19+s4+$0x0], $0xffff;
	[tilespmem:s24+$0x8A80] =	vst v14  }
0x11c: {  	v22 =	vadd.s32 v3, v8;
	v14 =	vld.idx.msk [tilespmem:v12+s4+$0x0], $0xffff  }
0x11d: {  	[tilespmem:s25+$0x8AC0] =	vst v20;
	v20 =	vadd.s32 v2, v9  }
0x11e: {  	[tilespmem:s23+$0x8AB0] =	vst v16;
	v17 =	vld.idx.msk [tilespmem:v17+s4+$0x0], $0xffff  }
0x11f: {  	v16 =	vadd.s32 v6, v13;
	v18 =	vld.idx.msk [tilespmem:v18+s4+$0x0], $0xffff  }
0x120: {  	v12 =	vshll.u32 v15, $0x7;
	v15 =	vmov s12;
	v21 =	vld.idx.msk [tilespmem:v21+s4+$0x0], $0xffff;
	[tilespmem:s22+$0x8AA0] =	vst v19;
	v19 =	vadd.s32 v5, v10  }
0x121: {  	s2 =	simm.s32 $0x6;
	v12 =	vperm.xlane v12, v15;
	v15 =	vadd.s32 v1, v11;
	v22 =	vld.idx.msk [tilespmem:v22+s4+$0x0], $0xffff;
	[tilespmem:s24+$0x8A90] =	vst v14  }
0x122: {  	s30 =	sand.u32 $0x70, s2;
	v25 =	vld.idx.msk [tilespmem:v20+s4+$0x0], $0xffff;
	v20 =	vadd.s32 v4, v8  }
0x123: {  	v23 =	vld [tilespmem:s30+$0xEE0];
	v24 =	vadd.s32 v0, v12;
	[tilespmem:s25+$0x8AD0] =	vst v17  }
0x124: {  	s26 =	simm.s32 $0x200;
	[tilespmem:s23+$0x8AC0] =	vst v18;
	v16 =	vld.idx.msk [tilespmem:v16+s4+$0x0], $0xffff  }
0x125: {  	v17 =	vadd.s32 v3, v9;
	[tilespmem:s26+$0x8A80] =	vst v21;
	v14 =	vld.idx.msk [tilespmem:v19+s4+$0x0], $0xffff  }
0x126: {  	v27 =	vadd.s32 v7, v13;
	v26 =	vld.idx.msk [tilespmem:v15+s4+$0x0], $0xffff;
	[tilespmem:s22+$0x8AB0] =	vst v22  }
0x127: {  	s0 =	simm.s32 $0x7;
	v15 =	vld.idx.msk [tilespmem:v20+s4+$0x0], $0xffff;
	v20 =	vadd.s32 v2, v11  }
0x128: {  	s31 =	sand.u32 $0x70, s0;
	v13 =	vshll.u32 v23, $0x7;
	v18 =	vmov s2;
	v19 =	vadd.s32 v6, v10;
	v21 =	vld.idx.msk [tilespmem:v24+s4+$0x0], $0xffff  }
0x129: {  	v23 =	vadd.s32 v1, v12;
	v13 =	vperm.xlane v13, v18;
	v22 =	vld [tilespmem:s31+$0xEE0];
	[tilespmem:s24+$0x8AA0] =	vst v25  }
0x12a: {  	s29 =	simm.s32 $0x7;
	s28 =	simm.s32 $0xA00;
	v18 =	vld.idx.msk [tilespmem:v17+s4+$0x0], $0xffff;
	[tilespmem:s25+$0x8AE0] =	vst v16;
	v17 =	vadd.s32 v5, v8  }
0x12b: {  	s1 =	simm.s32 $0xC00;
	s12 =	simm.s32 $0x1000;
	s2 =	simm.s32 $0xE00;
	v24 =	vadd.s32 v0, v13;
	[tilespmem:s26+$0x8A90] =	vst v26;
	v16 =	vld.idx.msk [tilespmem:v27+s4+$0x0], $0xffff  }
.LBB2_6:
0x12c: {  	p0 =	sne.s32 s12, $0xDE00;
	s7 =	sshra.s32 s28, $0x2;
	v25 =	vld.idx.msk [tilespmem:v20+s4+$0x0], $0xffff;
	v26 =	vadd.s32 v4, v9;
	[tilespmem:s23+$0x8AD0] =	vst v14;
	s28 =	smov.u32 s1  }
0x12d: {  	s1 =	smov.u32 s2;
	s2 =	smov.u32 s12;
	[tilespmem:s7+$0x8A80] =	vst v21;
	v27 =	vld.idx.msk [tilespmem:v19+s4+$0x0], $0xffff  }
0x12e: {  	v29 =	vadd.s32 v3, v11;
	v28 =	vld.idx.msk [tilespmem:v23+s4+$0x0], $0xffff;
	[tilespmem:s22+$0x8AC0] =	vst v15  }
0x12f: {  	v30 =	vadd.s32 v7, v10;
	v10 =	vmovc v8;
	v8 =	vmovc v9;
	v9 =	vmov v11;
	v11 =	vmov v12;
	v14 =	vld.idx.msk [tilespmem:v17+s4+$0x0], $0xffff  }
.Ltmp2:
0x130: {  	s0 =	sadd.s32 $0x1, s0;
	v12 =	vmov v13;
	v20 =	vadd.s32 v2, v11;
	v21 =	vld.idx.msk [tilespmem:v24+s4+$0x0], $0xffff;
	[tilespmem:s24+$0x8AB0] =	vst v18;
	(pc) =	sbr.rel @p0 .LBB2_6-.Ltmp2, $4  }
0x131: {  	s30 =	sand.u32 $0x70, s0;
	v19 =	vadd.s32 v6, v10;
	v13 =	vshll.u32 v22, $0x7;
	v17 =	vmov s29;
	v15 =	vld.idx.msk [tilespmem:v26+s4+$0x0], $0xffff;
	[tilespmem:s25+$0x8AF0] =	vst v16;
	s25 =	smov.u32 s23;
	s23 =	smov.u32 s22  }
0x132: {  	v23 =	vadd.s32 v1, v12;
	v13 =	vperm.xlane v13, v17;
	s22 =	smov.u32 s24;
	s24 =	smov.u32 s26;
	v22 =	vld [tilespmem:s30+$0xEE0];
	[tilespmem:s26+$0x8AA0] =	vst v25;
	s26 =	smov.u32 s7  }
0x133: {  	s29 =	smov.u32 s0;
	v17 =	vadd.s32 v5, v8;
	v18 =	vld.idx.msk [tilespmem:v29+s4+$0x0], $0xffff;
	[tilespmem:s25+$0x8AE0] =	vst v27  }
0x134: {  	s12 =	sadd.s32 $0x200, s12;
	v24 =	vadd.s32 v0, v13;
	[tilespmem:s26+$0x8A90] =	vst v28;
	v16 =	vld.idx.msk [tilespmem:v30+s4+$0x0], $0xffff  }
0x135: {  	_ =	sdelay $0x1  }
0x136: {  	v25 =	vmov s29;
	v22 =	vshll.u32 v22, $0x7  }
0x137: {  	v22 =	vperm.xlane v22, v25;
	_ =	sdelay $0x1  }
0x138: {  	v25 =	vadd.s32 v0, v22;
	_ =	sdelay $0x3  }
0x139: {  	v24 =	vld.idx.msk [tilespmem:v24+s4+$0x0], $0xffff  }
0x13a: {  	v26 =	vadd.s32 v1, v13;
	v25 =	vld.idx.msk [tilespmem:v25+s4+$0x0], $0xffff  }
0x13b: {  	v27 =	vadd.s32 v1, v22  }
0x13c: {  	s0 =	sshra.s32 s28, $0x2  }
0x13d: {  	s1 =	sshra.s32 s1, $0x2;
	[tilespmem:s0+$0x8A80] =	vst v21  }
0x13e: {  	s28 =	sshra.s32 s2, $0x2;
	v21 =	vld.idx.msk [tilespmem:v23+s4+$0x0], $0xffff;
	[tilespmem:s1+$0x8A80] =	vst v24  }
0x13f: {  	v23 =	vadd.s32 v2, v12;
	v24 =	vld.idx.msk [tilespmem:v26+s4+$0x0], $0xffff;
	[tilespmem:s28+$0x8A80] =	vst v25  }
0x140: {  	v25 =	vadd.s32 v2, v13;
	v26 =	vld.idx.msk [tilespmem:v27+s4+$0x0], $0xffff  }
0x141: {  	v27 =	vadd.s32 v2, v22  }
0x142: {  	[tilespmem:s23+$0x8AD0] =	vst v14  }
0x143: {  	v14 =	vld.idx.msk [tilespmem:v20+s4+$0x0], $0xffff;
	[tilespmem:s0+$0x8A90] =	vst v21  }
0x144: {  	v20 =	vadd.s32 v3, v11;
	v21 =	vld.idx.msk [tilespmem:v23+s4+$0x0], $0xffff;
	[tilespmem:s1+$0x8A90] =	vst v24  }
0x145: {  	v23 =	vadd.s32 v3, v12;
	v24 =	vld.idx.msk [tilespmem:v25+s4+$0x0], $0xffff;
	[tilespmem:s28+$0x8A90] =	vst v26  }
0x146: {  	[tilespmem:s22+$0x8AC0] =	vst v15;
	v15 =	vadd.s32 v3, v13;
	v25 =	vld.idx.msk [tilespmem:v27+s4+$0x0], $0xffff  }
0x147: {  	[tilespmem:s24+$0x8AB0] =	vst v18;
	v18 =	vadd.s32 v3, v22  }
0x148: {  	v19 =	vld.idx.msk [tilespmem:v19+s4+$0x0], $0xffff;
	[tilespmem:s26+$0x8AA0] =	vst v14  }
0x149: {  	v14 =	vadd.s32 v4, v9;
	v20 =	vld.idx.msk [tilespmem:v20+s4+$0x0], $0xffff;
	[tilespmem:s0+$0x8AA0] =	vst v21  }
0x14a: {  	v21 =	vadd.s32 v4, v11;
	v23 =	vld.idx.msk [tilespmem:v23+s4+$0x0], $0xffff;
	[tilespmem:s1+$0x8AA0] =	vst v24  }
0x14b: {  	v24 =	vadd.s32 v4, v12;
	v15 =	vld.idx.msk [tilespmem:v15+s4+$0x0], $0xffff;
	[tilespmem:s28+$0x8AA0] =	vst v25  }
0x14c: {  	[tilespmem:s25+$0x8AF0] =	vst v16;
	v16 =	vadd.s32 v4, v13;
	v18 =	vld.idx.msk [tilespmem:v18+s4+$0x0], $0xffff  }
0x14d: {  	v17 =	vld.idx.msk [tilespmem:v17+s4+$0x0], $0xffff;
	[tilespmem:s23+$0x8AE0] =	vst v19;
	v19 =	vadd.s32 v4, v22  }
0x14e: {  	v10 =	vadd.s32 v7, v10;
	v14 =	vld.idx.msk [tilespmem:v14+s4+$0x0], $0xffff;
	[tilespmem:s26+$0x8AB0] =	vst v20  }
0x14f: {  	v20 =	vadd.s32 v5, v9;
	v21 =	vld.idx.msk [tilespmem:v21+s4+$0x0], $0xffff;
	[tilespmem:s0+$0x8AB0] =	vst v23  }
0x150: {  	v23 =	vadd.s32 v5, v11;
	v24 =	vld.idx.msk [tilespmem:v24+s4+$0x0], $0xffff;
	[tilespmem:s1+$0x8AB0] =	vst v15  }
0x151: {  	v15 =	vadd.s32 v5, v12;
	v16 =	vld.idx.msk [tilespmem:v16+s4+$0x0], $0xffff;
	[tilespmem:s28+$0x8AB0] =	vst v18  }
0x152: {  	[tilespmem:s22+$0x8AD0] =	vst v17;
	v17 =	vadd.s32 v5, v13;
	v18 =	vld.idx.msk [tilespmem:v19+s4+$0x0], $0xffff  }
0x153: {  	v10 =	vld.idx.msk [tilespmem:v10+s4+$0x0], $0xffff;
	[tilespmem:s24+$0x8AC0] =	vst v14;
	v14 =	vadd.s32 v5, v22  }
0x154: {  	v20 =	vld.idx.msk [tilespmem:v20+s4+$0x0], $0xffff;
	[tilespmem:s26+$0x8AC0] =	vst v21;
	v19 =	vadd.s32 v6, v8  }
0x155: {  	v21 =	vadd.s32 v6, v9;
	v23 =	vld.idx.msk [tilespmem:v23+s4+$0x0], $0xffff;
	[tilespmem:s0+$0x8AC0] =	vst v24  }
0x156: {  	v24 =	vadd.s32 v6, v11;
	v15 =	vld.idx.msk [tilespmem:v15+s4+$0x0], $0xffff;
	[tilespmem:s1+$0x8AC0] =	vst v16  }
0x157: {  	v16 =	vadd.s32 v6, v12;
	v17 =	vld.idx.msk [tilespmem:v17+s4+$0x0], $0xffff;
	[tilespmem:s28+$0x8AC0] =	vst v18  }
0x158: {  	[tilespmem:s23+$0x8AF0] =	vst v10;
	v10 =	vadd.s32 v6, v13;
	v14 =	vld.idx.msk [tilespmem:v14+s4+$0x0], $0xffff  }
0x159: {  	[tilespmem:s24+$0x8AD0] =	vst v20;
	v18 =	vld.idx.msk [tilespmem:v19+s4+$0x0], $0xffff;
	v19 =	vadd.s32 v6, v22  }
0x15a: {  	v20 =	vld.idx.msk [tilespmem:v21+s4+$0x0], $0xffff;
	[tilespmem:s26+$0x8AD0] =	vst v23;
	v8 =	vadd.s32 v7, v8  }
0x15b: {  	v9 =	vadd.s32 v7, v9;
	v21 =	vld.idx.msk [tilespmem:v24+s4+$0x0], $0xffff;
	[tilespmem:s0+$0x8AD0] =	vst v15  }
0x15c: {  	v11 =	vadd.s32 v7, v11;
	v15 =	vld.idx.msk [tilespmem:v16+s4+$0x0], $0xffff;
	[tilespmem:s1+$0x8AD0] =	vst v17  }
0x15d: {  	v12 =	vadd.s32 v7, v12;
	v10 =	vld.idx.msk [tilespmem:v10+s4+$0x0], $0xffff;
	[tilespmem:s28+$0x8AD0] =	vst v14  }
0x15e: {  	v13 =	vadd.s32 v7, v13;
	[tilespmem:s22+$0x8AE0] =	vst v18;
	v14 =	vld.idx.msk [tilespmem:v19+s4+$0x0], $0xffff  }
0x15f: {  	[tilespmem:s24+$0x8AE0] =	vst v20;
	v16 =	vadd.s32 v7, v22;
	v8 =	vld.idx.msk [tilespmem:v8+s4+$0x0], $0xffff  }
0x160: {  	v9 =	vld.idx.msk [tilespmem:v9+s4+$0x0], $0xffff;
	[tilespmem:s26+$0x8AE0] =	vst v21  }
0x161: {  	v11 =	vld.idx.msk [tilespmem:v11+s4+$0x0], $0xffff;
	[tilespmem:s0+$0x8AE0] =	vst v15  }
0x162: {  	v12 =	vld.idx.msk [tilespmem:v12+s4+$0x0], $0xffff;
	[tilespmem:s1+$0x8AE0] =	vst v10  }
0x163: {  	v10 =	vld.idx.msk [tilespmem:v13+s4+$0x0], $0xffff;
	[tilespmem:s28+$0x8AE0] =	vst v14  }
0x164: {  	[tilespmem:s22+$0x8AF0] =	vst v8;
	v8 =	vld.idx.msk [tilespmem:v16+s4+$0x0], $0xffff  }
0x165: {  	[tilespmem:s24+$0x8AF0] =	vst v9  }
0x166: {  	[tilespmem:s26+$0x8AF0] =	vst v11  }
0x167: {  	[tilespmem:s0+$0x8AF0] =	vst v12  }
0x168: {  	[tilespmem:s1+$0x8AF0] =	vst v10  }
0x169: {  	s9 =	simm.s32 $0x0;
	[tilespmem:s28+$0x8AF0] =	vst v8  }
0x16a: {  	s12 =	sand.u32 $0x70, s9;
	s1 =	rddreg [dreg:$0x6]  }
0x16b: {  	[hbm4b:s1+s9] =	stream.linear.scatter [tilespmem:s17], [sflag:$0x3], $0x3800, $0x38;
	[tilespmem:$0xFA80] =	vst v63  }
0x16c: {  	v8 =	vld [tilespmem:s12+$0xF50];
	_ =	sdelay $0x4  }
0x16d: {  	v9 =	vmov s9;
	v8 =	vshll.u32 v8, $0x7  }
0x16e: {  	s22 =	simm.s32 $0x1;
	v13 =	vperm.xlane v8, v9  }
0x16f: {  	s23 =	sand.u32 $0x70, s22  }
0x170: {  	v8 =	vld [tilespmem:s23+$0xF50];
	v9 =	vadd.s32 v0, v13;
	_ =	sdelay $0x4  }
0x171: {  	v10 =	vmov s22;
	v8 =	vshll.u32 v8, $0x7;
	v9 =	vld.idx.msk [tilespmem:v9+s4+$0x0], $0xffff  }
0x172: {  	s24 =	simm.s32 $0x2;
	v10 =	vperm.xlane v8, v10;
	v8 =	vadd.s32 v1, v13  }
0x173: {  	s26 =	sand.u32 $0x70, s24  }
0x174: {  	v11 =	vld [tilespmem:s26+$0xF50];
	v12 =	vadd.s32 v0, v10  }
0x175: {  	s25 =	simm.s32 $0x0  }
0x176: {  	[tilespmem:s25+$0xC280] =	vst v9  }
0x177: {  	v9 =	vld.idx.msk [tilespmem:v8+s4+$0x0], $0xffff  }
0x178: {  	v14 =	vadd.s32 v2, v13  }
0x179: {  	s30 =	simm.s32 $0x3;
	v12 =	vld.idx.msk [tilespmem:v12+s4+$0x0], $0xffff;
	v8 =	vshll.u32 v11, $0x7;
	v11 =	vmov s24  }
0x17a: {  	s31 =	sand.u32 $0x70, s30;
	v8 =	vperm.xlane v8, v11;
	v11 =	vadd.s32 v1, v10  }
0x17b: {  	v15 =	vld [tilespmem:s31+$0xF50]  }
0x17c: {  	v16 =	vadd.s32 v0, v8;
	[tilespmem:s25+$0xC290] =	vst v9  }
0x17d: {  	s23 =	simm.s32 $0x80;
	v14 =	vld.idx.msk [tilespmem:v14+s4+$0x0], $0xffff  }
0x17e: {  	[tilespmem:s23+$0xC280] =	vst v12;
	v12 =	vadd.s32 v3, v13  }
0x17f: {  	v11 =	vld.idx.msk [tilespmem:v11+s4+$0x0], $0xffff  }
0x180: {  	s2 =	simm.s32 $0x4;
	v17 =	vadd.s32 v2, v10;
	v9 =	vshll.u32 v15, $0x7;
	v15 =	vmov s30  }
0x181: {  	s7 =	sand.u32 $0x70, s2;
	v9 =	vperm.xlane v9, v15;
	v16 =	vld.idx.msk [tilespmem:v16+s4+$0x0], $0xffff  }
0x182: {  	v18 =	vadd.s32 v1, v8;
	v15 =	vld [tilespmem:s7+$0xF50];
	[tilespmem:s25+$0xC2A0] =	vst v14  }
0x183: {  	v14 =	vadd.s32 v0, v9;
	v12 =	vld.idx.msk [tilespmem:v12+s4+$0x0], $0xffff  }
0x184: {  	[tilespmem:s23+$0xC290] =	vst v11;
	v11 =	vadd.s32 v4, v13  }
0x185: {  	s22 =	simm.s32 $0x100;
	v17 =	vld.idx.msk [tilespmem:v17+s4+$0x0], $0xffff  }
0x186: {  	[tilespmem:s22+$0xC280] =	vst v16;
	v16 =	vadd.s32 v3, v10  }
0x187: {  	v18 =	vld.idx.msk [tilespmem:v18+s4+$0x0], $0xffff  }
0x188: {  	v19 =	vadd.s32 v2, v8;
	v14 =	vld.idx.msk [tilespmem:v14+s4+$0x0], $0xffff;
	[tilespmem:s25+$0xC2B0] =	vst v12;
	v12 =	vshll.u32 v15, $0x7;
	v15 =	vmov s2  }
0x189: {  	v20 =	vld.idx.msk [tilespmem:v11+s4+$0x0], $0xffff;
	v11 =	vperm.xlane v12, v15;
	v12 =	vadd.s32 v1, v9  }
0x18a: {  	s8 =	simm.s32 $0x5;
	[tilespmem:s23+$0xC2A0] =	vst v17  }
0x18b: {  	s9 =	sand.u32 $0x70, s8;
	v17 =	vadd.s32 v5, v13;
	v16 =	vld.idx.msk [tilespmem:v16+s4+$0x0], $0xffff  }
0x18c: {  	s24 =	simm.s32 $0x180;
	v15 =	vld [tilespmem:s9+$0xF50];
	[tilespmem:s22+$0xC290] =	vst v18;
	v18 =	vadd.s32 v4, v10  }
0x18d: {  	v21 =	vadd.s32 v0, v11;
	v19 =	vld.idx.msk [tilespmem:v19+s4+$0x0], $0xffff;
	[tilespmem:s24+$0xC280] =	vst v14  }
0x18e: {  	v22 =	vadd.s32 v3, v8;
	v14 =	vld.idx.msk [tilespmem:v12+s4+$0x0], $0xffff  }
0x18f: {  	[tilespmem:s25+$0xC2C0] =	vst v20;
	v20 =	vadd.s32 v2, v9  }
0x190: {  	[tilespmem:s23+$0xC2B0] =	vst v16;
	v17 =	vld.idx.msk [tilespmem:v17+s4+$0x0], $0xffff  }
0x191: {  	v16 =	vadd.s32 v6, v13;
	v18 =	vld.idx.msk [tilespmem:v18+s4+$0x0], $0xffff  }
0x192: {  	v12 =	vshll.u32 v15, $0x7;
	v15 =	vmov s8;
	v21 =	vld.idx.msk [tilespmem:v21+s4+$0x0], $0xffff;
	[tilespmem:s22+$0xC2A0] =	vst v19;
	v19 =	vadd.s32 v5, v10  }
0x193: {  	s12 =	simm.s32 $0x6;
	v12 =	vperm.xlane v12, v15;
	v15 =	vadd.s32 v1, v11;
	v22 =	vld.idx.msk [tilespmem:v22+s4+$0x0], $0xffff;
	[tilespmem:s24+$0xC290] =	vst v14  }
0x194: {  	s30 =	sand.u32 $0x70, s12;
	v25 =	vld.idx.msk [tilespmem:v20+s4+$0x0], $0xffff;
	v20 =	vadd.s32 v4, v8  }
0x195: {  	v23 =	vld [tilespmem:s30+$0xF50];
	v24 =	vadd.s32 v0, v12;
	[tilespmem:s25+$0xC2D0] =	vst v17  }
0x196: {  	s26 =	simm.s32 $0x200;
	[tilespmem:s23+$0xC2C0] =	vst v18;
	v16 =	vld.idx.msk [tilespmem:v16+s4+$0x0], $0xffff  }
0x197: {  	v17 =	vadd.s32 v3, v9;
	[tilespmem:s26+$0xC280] =	vst v21;
	v14 =	vld.idx.msk [tilespmem:v19+s4+$0x0], $0xffff  }
0x198: {  	v27 =	vadd.s32 v7, v13;
	v26 =	vld.idx.msk [tilespmem:v15+s4+$0x0], $0xffff;
	[tilespmem:s22+$0xC2B0] =	vst v22  }
0x199: {  	s0 =	simm.s32 $0x7;
	v15 =	vld.idx.msk [tilespmem:v20+s4+$0x0], $0xffff;
	v20 =	vadd.s32 v2, v11  }
0x19a: {  	s31 =	sand.u32 $0x70, s0;
	v13 =	vshll.u32 v23, $0x7;
	v18 =	vmov s12;
	v19 =	vadd.s32 v6, v10;
	v21 =	vld.idx.msk [tilespmem:v24+s4+$0x0], $0xffff  }
0x19b: {  	v23 =	vadd.s32 v1, v12;
	v13 =	vperm.xlane v13, v18;
	v22 =	vld [tilespmem:s31+$0xF50];
	[tilespmem:s24+$0xC2A0] =	vst v25  }
0x19c: {  	s29 =	simm.s32 $0x7;
	s28 =	simm.s32 $0xA00;
	v18 =	vld.idx.msk [tilespmem:v17+s4+$0x0], $0xffff;
	[tilespmem:s25+$0xC2E0] =	vst v16;
	v17 =	vadd.s32 v5, v8  }
0x19d: {  	s1 =	simm.s32 $0xC00;
	s2 =	simm.s32 $0xE00;
	s12 =	simm.s32 $0x1000;
	v24 =	vadd.s32 v0, v13;
	[tilespmem:s26+$0xC290] =	vst v26;
	v16 =	vld.idx.msk [tilespmem:v27+s4+$0x0], $0xffff  }
.LBB2_8:
0x19e: {  	p0 =	sne.s32 s12, $0xDE00;
	s7 =	sshra.s32 s28, $0x2;
	v25 =	vld.idx.msk [tilespmem:v20+s4+$0x0], $0xffff;
	v26 =	vadd.s32 v4, v9;
	[tilespmem:s23+$0xC2D0] =	vst v14;
	s28 =	smov.u32 s1  }
0x19f: {  	s1 =	smov.u32 s2;
	s2 =	smov.u32 s12;
	[tilespmem:s7+$0xC280] =	vst v21;
	v27 =	vld.idx.msk [tilespmem:v19+s4+$0x0], $0xffff  }
0x1a0: {  	v29 =	vadd.s32 v3, v11;
	v28 =	vld.idx.msk [tilespmem:v23+s4+$0x0], $0xffff;
	[tilespmem:s22+$0xC2C0] =	vst v15  }
0x1a1: {  	v30 =	vadd.s32 v7, v10;
	v10 =	vmovc v8;
	v8 =	vmovc v9;
	v9 =	vmov v11;
	v11 =	vmov v12;
	v14 =	vld.idx.msk [tilespmem:v17+s4+$0x0], $0xffff  }
.Ltmp3:
0x1a2: {  	s0 =	sadd.s32 $0x1, s0;
	v12 =	vmov v13;
	v20 =	vadd.s32 v2, v11;
	v21 =	vld.idx.msk [tilespmem:v24+s4+$0x0], $0xffff;
	[tilespmem:s24+$0xC2B0] =	vst v18;
	(pc) =	sbr.rel @p0 .LBB2_8-.Ltmp3, $4  }
0x1a3: {  	s30 =	sand.u32 $0x70, s0;
	v19 =	vadd.s32 v6, v10;
	v13 =	vshll.u32 v22, $0x7;
	v17 =	vmov s29;
	v15 =	vld.idx.msk [tilespmem:v26+s4+$0x0], $0xffff;
	[tilespmem:s25+$0xC2F0] =	vst v16;
	s25 =	smov.u32 s23;
	s23 =	smov.u32 s22  }
0x1a4: {  	v23 =	vadd.s32 v1, v12;
	v13 =	vperm.xlane v13, v17;
	s22 =	smov.u32 s24;
	s24 =	smov.u32 s26;
	v22 =	vld [tilespmem:s30+$0xF50];
	[tilespmem:s26+$0xC2A0] =	vst v25;
	s26 =	smov.u32 s7  }
0x1a5: {  	s29 =	smov.u32 s0;
	v17 =	vadd.s32 v5, v8;
	v18 =	vld.idx.msk [tilespmem:v29+s4+$0x0], $0xffff;
	[tilespmem:s25+$0xC2E0] =	vst v27  }
0x1a6: {  	s12 =	sadd.s32 $0x200, s12;
	v24 =	vadd.s32 v0, v13;
	[tilespmem:s26+$0xC290] =	vst v28;
	v16 =	vld.idx.msk [tilespmem:v30+s4+$0x0], $0xffff  }
0x1a7: {  	_ =	sdelay $0x1  }
0x1a8: {  	v25 =	vmov s29;
	v22 =	vshll.u32 v22, $0x7  }
0x1a9: {  	v22 =	vperm.xlane v22, v25;
	_ =	sdelay $0x1  }
0x1aa: {  	v25 =	vadd.s32 v0, v22;
	_ =	sdelay $0x3  }
0x1ab: {  	v24 =	vld.idx.msk [tilespmem:v24+s4+$0x0], $0xffff  }
0x1ac: {  	v26 =	vadd.s32 v1, v13;
	v25 =	vld.idx.msk [tilespmem:v25+s4+$0x0], $0xffff  }
0x1ad: {  	v27 =	vadd.s32 v1, v22  }
0x1ae: {  	s0 =	sshra.s32 s28, $0x2  }
0x1af: {  	s1 =	sshra.s32 s1, $0x2;
	[tilespmem:s0+$0xC280] =	vst v21  }
0x1b0: {  	s31 =	sshra.s32 s2, $0x2;
	v21 =	vld.idx.msk [tilespmem:v23+s4+$0x0], $0xffff;
	[tilespmem:s1+$0xC280] =	vst v24  }
0x1b1: {  	v31 =	vadd.s32 v2, v12;
	v24 =	vld.idx.msk [tilespmem:v26+s4+$0x0], $0xffff;
	[tilespmem:s31+$0xC280] =	vst v25  }
0x1b2: {  	v32 =	vadd.s32 v2, v13;
	v33 =	vld.idx.msk [tilespmem:v27+s4+$0x0], $0xffff  }
0x1b3: {  	v34 =	vadd.s32 v2, v22  }
0x1b4: {  	[tilespmem:s23+$0xC2D0] =	vst v14  }
0x1b5: {  	v35 =	vld.idx.msk [tilespmem:v20+s4+$0x0], $0xffff;
	[tilespmem:s0+$0xC290] =	vst v21  }
0x1b6: {  	v36 =	vadd.s32 v3, v11;
	v21 =	vld.idx.msk [tilespmem:v31+s4+$0x0], $0xffff;
	[tilespmem:s1+$0xC290] =	vst v24  }
0x1b7: {  	v37 =	vadd.s32 v3, v12;
	v24 =	vld.idx.msk [tilespmem:v32+s4+$0x0], $0xffff;
	[tilespmem:s31+$0xC290] =	vst v33  }
0x1b8: {  	v38 =	vadd.s32 v3, v13;
	[tilespmem:s22+$0xC2C0] =	vst v15;
	v39 =	vld.idx.msk [tilespmem:v34+s4+$0x0], $0xffff  }
0x1b9: {  	[tilespmem:s24+$0xC2B0] =	vst v18;
	v40 =	vadd.s32 v3, v22  }
0x1ba: {  	v19 =	vld.idx.msk [tilespmem:v19+s4+$0x0], $0xffff;
	[tilespmem:s26+$0xC2A0] =	vst v35  }
0x1bb: {  	v41 =	vadd.s32 v4, v9;
	v20 =	vld.idx.msk [tilespmem:v36+s4+$0x0], $0xffff;
	[tilespmem:s0+$0xC2A0] =	vst v21  }
0x1bc: {  	v42 =	vadd.s32 v4, v11;
	v23 =	vld.idx.msk [tilespmem:v37+s4+$0x0], $0xffff;
	[tilespmem:s1+$0xC2A0] =	vst v24  }
0x1bd: {  	v43 =	vadd.s32 v4, v12;
	v15 =	vld.idx.msk [tilespmem:v38+s4+$0x0], $0xffff;
	[tilespmem:s31+$0xC2A0] =	vst v39  }
0x1be: {  	v44 =	vadd.s32 v4, v13;
	[tilespmem:s25+$0xC2F0] =	vst v16;
	v18 =	vld.idx.msk [tilespmem:v40+s4+$0x0], $0xffff  }
0x1bf: {  	v17 =	vld.idx.msk [tilespmem:v17+s4+$0x0], $0xffff;
	v45 =	vadd.s32 v4, v22;
	[tilespmem:s23+$0xC2E0] =	vst v19  }
0x1c0: {  	v10 =	vadd.s32 v7, v10;
	v14 =	vld.idx.msk [tilespmem:v41+s4+$0x0], $0xffff;
	[tilespmem:s26+$0xC2B0] =	vst v20  }
0x1c1: {  	v46 =	vadd.s32 v5, v9;
	v21 =	vld.idx.msk [tilespmem:v42+s4+$0x0], $0xffff;
	[tilespmem:s0+$0xC2B0] =	vst v23  }
0x1c2: {  	v47 =	vadd.s32 v5, v11;
	v24 =	vld.idx.msk [tilespmem:v43+s4+$0x0], $0xffff;
	[tilespmem:s1+$0xC2B0] =	vst v15  }
0x1c3: {  	v48 =	vadd.s32 v5, v12;
	v16 =	vld.idx.msk [tilespmem:v44+s4+$0x0], $0xffff;
	[tilespmem:s31+$0xC2B0] =	vst v18  }
0x1c4: {  	v49 =	vadd.s32 v5, v13;
	[tilespmem:s22+$0xC2D0] =	vst v17;
	v18 =	vld.idx.msk [tilespmem:v45+s4+$0x0], $0xffff  }
0x1c5: {  	v50 =	vadd.s32 v5, v22;
	v10 =	vld.idx.msk [tilespmem:v10+s4+$0x0], $0xffff;
	[tilespmem:s24+$0xC2C0] =	vst v14  }
0x1c6: {  	v51 =	vadd.s32 v6, v8;
	v20 =	vld.idx.msk [tilespmem:v46+s4+$0x0], $0xffff;
	[tilespmem:s26+$0xC2C0] =	vst v21  }
0x1c7: {  	v52 =	vadd.s32 v6, v9;
	v23 =	vld.idx.msk [tilespmem:v47+s4+$0x0], $0xffff;
	[tilespmem:s0+$0xC2C0] =	vst v24  }
0x1c8: {  	v53 =	vadd.s32 v6, v11;
	v15 =	vld.idx.msk [tilespmem:v48+s4+$0x0], $0xffff;
	[tilespmem:s1+$0xC2C0] =	vst v16  }
0x1c9: {  	v54 =	vadd.s32 v6, v12;
	v17 =	vld.idx.msk [tilespmem:v49+s4+$0x0], $0xffff;
	[tilespmem:s31+$0xC2C0] =	vst v18  }
0x1ca: {  	v55 =	vadd.s32 v6, v13;
	[tilespmem:s23+$0xC2F0] =	vst v10;
	v14 =	vld.idx.msk [tilespmem:v50+s4+$0x0], $0xffff  }
0x1cb: {  	v57 =	vadd.s32 v6, v22;
	v56 =	vld.idx.msk [tilespmem:v51+s4+$0x0], $0xffff;
	[tilespmem:s24+$0xC2D0] =	vst v20  }
0x1cc: {  	v8 =	vadd.s32 v7, v8;
	v20 =	vld.idx.msk [tilespmem:v52+s4+$0x0], $0xffff;
	[tilespmem:s26+$0xC2D0] =	vst v23  }
0x1cd: {  	v58 =	vadd.s32 v7, v9;
	v59 =	vld.idx.msk [tilespmem:v53+s4+$0x0], $0xffff;
	[tilespmem:s0+$0xC2D0] =	vst v15  }
0x1ce: {  	v60 =	vadd.s32 v7, v11;
	v15 =	vld.idx.msk [tilespmem:v54+s4+$0x0], $0xffff;
	[tilespmem:s1+$0xC2D0] =	vst v17  }
0x1cf: {  	v61 =	vadd.s32 v7, v12;
	v10 =	vld.idx.msk [tilespmem:v55+s4+$0x0], $0xffff;
	[tilespmem:s31+$0xC2D0] =	vst v14  }
0x1d0: {  	v62 =	vadd.s32 v7, v13;
	[tilespmem:s22+$0xC2E0] =	vst v56;
	v14 =	vld.idx.msk [tilespmem:v57+s4+$0x0], $0xffff  }
0x1d1: {  	v63 =	vadd.s32 v7, v22;
	v8 =	vld.idx.msk [tilespmem:v8+s4+$0x0], $0xffff;
	[tilespmem:s24+$0xC2E0] =	vst v20  }
0x1d2: {  	v9 =	vld.idx.msk [tilespmem:v58+s4+$0x0], $0xffff;
	[tilespmem:s26+$0xC2E0] =	vst v59  }
0x1d3: {  	v11 =	vld.idx.msk [tilespmem:v60+s4+$0x0], $0xffff;
	[tilespmem:s0+$0xC2E0] =	vst v15  }
0x1d4: {  	v12 =	vld.idx.msk [tilespmem:v61+s4+$0x0], $0xffff;
	[tilespmem:s1+$0xC2E0] =	vst v10  }
0x1d5: {  	v10 =	vld.idx.msk [tilespmem:v62+s4+$0x0], $0xffff;
	[tilespmem:s31+$0xC2E0] =	vst v14  }
0x1d6: {  	[tilespmem:s22+$0xC2F0] =	vst v8;
	v8 =	vld.idx.msk [tilespmem:v63+s4+$0x0], $0xffff  }
0x1d7: {  	[tilespmem:s24+$0xC2F0] =	vst v9  }
0x1d8: {  	[tilespmem:s26+$0xC2F0] =	vst v11  }
0x1d9: {  	[tilespmem:s0+$0xC2F0] =	vst v12  }
0x1da: {  	[tilespmem:s1+$0xC2F0] =	vst v10  }
0x1db: {  	s22 =	simm.s32 $0x1;
	[tilespmem:s31+$0xC2F0] =	vst v8  }
0x1dc: {  	[hbm4b:s10+s4] =	stream.linear.scatter [tilespmem:s18], [sflag:$0x4], $0x3800, $0x38;
	[tilespmem:$0xFA80] =	vst v63  }
.LBB2_10:
0x1dd: {  	s0 =	smul.u32 $0x700, s22;
	_ =	sdelay $0x1  }
0x1de: {  	s0 =	sshra.s32 s0, $0x2  }
0x1df: {  	s0 =	sadd.s32 $0xE00, s0  }
0x1e0: {  	v13 =	vmov s0;
	_ =	sdelay $0x1  }
0x1e1: {  	_ =	swait.ge [sflag:s13], $0x3800  }
0x1e2: {  	s25 =	simm.s32 $0x0;
	[sflag:s13] =	ssyncset.done $0x0  }
0x1e3: {  	s1 =	sand.u32 $0x70, s25;
	[sflag:s13] =	ssyncadd.s32 $0xFFFFC800  }
0x1e4: {  	v8 =	vld.idx.msk [tilespmem:v13+s1+$0x0 ss:$0x1], $0xffff;
	_ =	sdelay $0x4  }
0x1e5: {  	v9 =	vmov s25;
	v8 =	vshll.u32 v8, $0x7  }
0x1e6: {  	s26 =	simm.s32 $0x1;
	v14 =	vperm.xlane v8, v9  }
0x1e7: {  	s29 =	sand.u32 $0x70, s26  }
0x1e8: {  	v8 =	vld.idx.msk [tilespmem:v13+s29+$0x0 ss:$0x1], $0xffff;
	v9 =	vadd.s32 v0, v14;
	_ =	sdelay $0x4  }
0x1e9: {  	s30 =	simm.s32 $0x2;
	v10 =	vmov s26;
	v8 =	vshll.u32 v8, $0x7;
	v9 =	vld.idx.msk [tilespmem:v9+s4+$0x0], $0xffff  }
0x1ea: {  	s31 =	sand.u32 $0x70, s30;
	v10 =	vperm.xlane v8, v10;
	v8 =	vadd.s32 v1, v14  }
0x1eb: {  	v11 =	vld.idx.msk [tilespmem:v13+s31+$0x0 ss:$0x1], $0xffff  }
0x1ec: {  	v12 =	vadd.s32 v0, v10  }
0x1ed: {  	s26 =	simm.s32 $0x1AC0  }
0x1ee: {  	[tilespmem:s26+$0xFFFFFFC0] =	vst v9  }
0x1ef: {  	v9 =	vld.idx.msk [tilespmem:v8+s4+$0x0], $0xffff  }
0x1f0: {  	v15 =	vadd.s32 v2, v14;
	v8 =	vshll.u32 v11, $0x7;
	v11 =	vmov s30  }
0x1f1: {  	s2 =	simm.s32 $0x3;
	v12 =	vld.idx.msk [tilespmem:v12+s4+$0x0], $0xffff;
	v8 =	vperm.xlane v8, v11  }
0x1f2: {  	s7 =	sand.u32 $0x70, s2;
	v11 =	vadd.s32 v1, v10  }
0x1f3: {  	v16 =	vld.idx.msk [tilespmem:v13+s7+$0x0 ss:$0x1], $0xffff;
	v17 =	vadd.s32 v0, v8  }
0x1f4: {  	[tilespmem:s26+$0xFFFFFFD0] =	vst v9  }
0x1f5: {  	s23 =	simm.s32 $0x1B40;
	v15 =	vld.idx.msk [tilespmem:v15+s4+$0x0], $0xffff  }
0x1f6: {  	[tilespmem:s23+$0xFFFFFFC0] =	vst v12;
	v12 =	vadd.s32 v3, v14  }
0x1f7: {  	v11 =	vld.idx.msk [tilespmem:v11+s4+$0x0], $0xffff  }
0x1f8: {  	s8 =	simm.s32 $0x4;
	v18 =	vadd.s32 v2, v10;
	v9 =	vshll.u32 v16, $0x7;
	v16 =	vmov s2;
	v17 =	vld.idx.msk [tilespmem:v17+s4+$0x0], $0xffff  }
0x1f9: {  	s9 =	sand.u32 $0x70, s8;
	v19 =	vadd.s32 v1, v8;
	v9 =	vperm.xlane v9, v16  }
0x1fa: {  	v16 =	vld.idx.msk [tilespmem:v13+s9+$0x0 ss:$0x1], $0xffff;
	[tilespmem:s26+$0xFFFFFFE0] =	vst v15  }
0x1fb: {  	v15 =	vadd.s32 v0, v9;
	v12 =	vld.idx.msk [tilespmem:v12+s4+$0x0], $0xffff  }
0x1fc: {  	s24 =	simm.s32 $0x1BC0;
	[tilespmem:s23+$0xFFFFFFD0] =	vst v11;
	v11 =	vadd.s32 v4, v14  }
0x1fd: {  	v18 =	vld.idx.msk [tilespmem:v18+s4+$0x0], $0xffff;
	[tilespmem:s24+$0xFFFFFFC0] =	vst v17  }
0x1fe: {  	v17 =	vadd.s32 v3, v10;
	v19 =	vld.idx.msk [tilespmem:v19+s4+$0x0], $0xffff  }
0x1ff: {  	v20 =	vadd.s32 v2, v8  }
0x200: {  	s12 =	simm.s32 $0x5;
	v15 =	vld.idx.msk [tilespmem:v15+s4+$0x0], $0xffff;
	[tilespmem:s26+$0xFFFFFFF0] =	vst v12;
	v12 =	vshll.u32 v16, $0x7;
	v16 =	vmov s8  }
0x201: {  	s29 =	sand.u32 $0x70, s12;
	v21 =	vld.idx.msk [tilespmem:v11+s4+$0x0], $0xffff;
	v11 =	vperm.xlane v12, v16;
	v12 =	vadd.s32 v1, v9  }
0x202: {  	[tilespmem:s23+$0xFFFFFFE0] =	vst v18;
	v18 =	vadd.s32 v5, v14;
	v16 =	vld.idx.msk [tilespmem:v13+s29+$0x0 ss:$0x1], $0xffff  }
0x203: {  	s7 =	simm.s32 $0x6;
	v17 =	vld.idx.msk [tilespmem:v17+s4+$0x0], $0xffff;
	[tilespmem:s24+$0xFFFFFFD0] =	vst v19;
	v22 =	vadd.s32 v0, v11  }
0x204: {  	s25 =	simm.s32 $0x1C40;
	s30 =	sand.u32 $0x70, s7;
	v19 =	vadd.s32 v4, v10;
	v20 =	vld.idx.msk [tilespmem:v20+s4+$0x0], $0xffff  }
0x205: {  	v24 =	vld.idx.msk [tilespmem:v13+s30+$0x0 ss:$0x1], $0xffff;
	v23 =	vadd.s32 v3, v8;
	[tilespmem:s25+$0xFFFFFFC0] =	vst v15  }
0x206: {  	v15 =	vld.idx.msk [tilespmem:v12+s4+$0x0], $0xffff;
	[tilespmem:s26+$0x0] =	vst v21  }
0x207: {  	v21 =	vadd.s32 v2, v9;
	v18 =	vld.idx.msk [tilespmem:v18+s4+$0x0], $0xffff  }
0x208: {  	[tilespmem:s23+$0xFFFFFFF0] =	vst v17;
	v12 =	vshll.u32 v16, $0x7;
	v16 =	vmov s12;
	v17 =	vadd.s32 v6, v14;
	v22 =	vld.idx.msk [tilespmem:v22+s4+$0x0], $0xffff  }
0x209: {  	s2 =	simm.s32 $0x7;
	v19 =	vld.idx.msk [tilespmem:v19+s4+$0x0], $0xffff;
	v12 =	vperm.xlane v12, v16;
	v16 =	vadd.s32 v1, v11;
	[tilespmem:s24+$0xFFFFFFE0] =	vst v20  }
0x20a: {  	s31 =	sand.u32 $0x70, s2;
	v20 =	vadd.s32 v5, v10;
	v25 =	vld.idx.msk [tilespmem:v23+s4+$0x0], $0xffff  }
0x20b: {  	v23 =	vadd.s32 v0, v12;
	[tilespmem:s25+$0xFFFFFFD0] =	vst v15;
	v15 =	vadd.s32 v7, v14;
	v14 =	vshll.u32 v24, $0x7;
	v24 =	vld.idx.msk [tilespmem:v13+s31+$0x0 ss:$0x1], $0xffff  }
0x20c: {  	s0 =	simm.s32 $0x1CC0;
	v26 =	vadd.s32 v4, v8;
	v21 =	vld.idx.msk [tilespmem:v21+s4+$0x0], $0xffff;
	[tilespmem:s26+$0x10] =	vst v18  }
0x20d: {  	v28 =	vadd.s32 v3, v9;
	[tilespmem:s0+$0xFFFFFFC0] =	vst v22;
	v27 =	vld.idx.msk [tilespmem:v17+s4+$0x0], $0xffff  }
0x20e: {  	[tilespmem:s23+$0x0] =	vst v19;
	v17 =	vld.idx.msk [tilespmem:v16+s4+$0x0], $0xffff  }
0x20f: {  	v22 =	vadd.s32 v2, v11;
	v16 =	vld.idx.msk [tilespmem:v20+s4+$0x0], $0xffff  }
0x210: {  	v18 =	vadd.s32 v6, v10;
	v23 =	vld.idx.msk [tilespmem:v23+s4+$0x0], $0xffff;
	[tilespmem:s24+$0xFFFFFFF0] =	vst v25;
	v20 =	vmov s7  }
0x211: {  	v25 =	vadd.s32 v1, v12;
	v19 =	vld.idx.msk [tilespmem:v26+s4+$0x0], $0xffff;
	v14 =	vperm.xlane v14, v20;
	[tilespmem:s25+$0xFFFFFFE0] =	vst v21  }
0x212: {  	s28 =	simm.s32 $0x1CC0;
	s1 =	simm.s32 $0x8;
	v20 =	vadd.s32 v5, v8;
	v21 =	vld.idx.msk [tilespmem:v28+s4+$0x0], $0xffff;
	[tilespmem:s26+$0x20] =	vst v27  }
.LBB2_11:
0x213: {  	p0 =	sne.s32 s1, $0x6F;
	v26 =	vadd.s32 v0, v14;
	[tilespmem:s0+$0xFFFFFFD0] =	vst v17;
	v27 =	vld.idx.msk [tilespmem:v15+s4+$0x0], $0xffff  }
0x214: {  	s0 =	sadd.s32 $0x80, s0;
	v29 =	vadd.s32 v4, v9;
	v28 =	vld.idx.msk [tilespmem:v22+s4+$0x0], $0xffff;
	[tilespmem:s23+$0x10] =	vst v16  }
0x215: {  	[tilespmem:s0+$0xFFFFFFC0] =	vst v23;
	v30 =	vld.idx.msk [tilespmem:v18+s4+$0x0], $0xffff  }
0x216: {  	v31 =	vadd.s32 v3, v11;
	v17 =	vld.idx.msk [tilespmem:v25+s4+$0x0], $0xffff;
	[tilespmem:s24+$0x0] =	vst v19  }
.Ltmp4:
0x217: {  	v15 =	vadd.s32 v7, v10;
	v10 =	vmovc v8;
	v8 =	vmovc v9;
	v9 =	vmov v11;
	v11 =	vmov v12;
	v16 =	vld.idx.msk [tilespmem:v20+s4+$0x0], $0xffff;
	(pc) =	sbr.rel @p0 .LBB2_11-.Ltmp4, $4  }
0x218: {  	v12 =	vmov v14;
	v22 =	vadd.s32 v2, v11;
	v23 =	vld.idx.msk [tilespmem:v26+s4+$0x0], $0xffff;
	[tilespmem:s25+$0xFFFFFFF0] =	vst v21  }
0x219: {  	s7 =	sand.u32 $0x70, s1;
	v18 =	vadd.s32 v6, v10;
	v14 =	vshll.u32 v24, $0x7;
	v20 =	vmov s2;
	v19 =	vld.idx.msk [tilespmem:v29+s4+$0x0], $0xffff;
	[tilespmem:s26+$0x30] =	vst v27;
	s26 =	smov.u32 s23;
	s23 =	smov.u32 s24  }
0x21a: {  	v25 =	vadd.s32 v1, v12;
	v14 =	vperm.xlane v14, v20;
	s24 =	smov.u32 s25;
	s25 =	smov.u32 s28;
	v24 =	vld.idx.msk [tilespmem:v13+s7+$0x0 ss:$0x1], $0xffff;
	[tilespmem:s28+$0xFFFFFFE0] =	vst v28;
	s28 =	smov.u32 s0  }
0x21b: {  	s2 =	smov.u32 s1;
	s1 =	sadd.s32 $0x1, s1;
	v20 =	vadd.s32 v5, v8;
	v21 =	vld.idx.msk [tilespmem:v31+s4+$0x0], $0xffff;
	[tilespmem:s26+$0x20] =	vst v30  }
0x21c: {  	_ =	sdelay $0x2  }
0x21d: {  	v13 =	vshll.u32 v24, $0x7;
	v24 =	vmov s2  }
0x21e: {  	v13 =	vperm.xlane v13, v24  }
0x21f: {  	v24 =	vadd.s32 v0, v14  }
0x220: {  	v26 =	vadd.s32 v0, v13;
	_ =	sdelay $0x3  }
0x221: {  	v24 =	vld.idx.msk [tilespmem:v24+s4+$0x0], $0xffff  }
0x222: {  	v27 =	vadd.s32 v1, v14;
	v26 =	vld.idx.msk [tilespmem:v26+s4+$0x0], $0xffff  }
0x223: {  	v28 =	vadd.s32 v1, v13  }
0x224: {  	s31 =	sadd.s32 $0x80, s0  }
0x225: {  	[tilespmem:s31+$0xFFFFFFC0] =	vst v23;
	s30 =	sadd.s32 $0x80, s31  }
0x226: {  	v23 =	vld.idx.msk [tilespmem:v25+s4+$0x0], $0xffff;
	s29 =	sadd.s32 $0x80, s30;
	[tilespmem:s30+$0xFFFFFFC0] =	vst v24  }
0x227: {  	v24 =	vadd.s32 v2, v12;
	v25 =	vld.idx.msk [tilespmem:v27+s4+$0x0], $0xffff;
	[tilespmem:s29+$0xFFFFFFC0] =	vst v26  }
0x228: {  	v26 =	vadd.s32 v2, v14;
	v27 =	vld.idx.msk [tilespmem:v28+s4+$0x0], $0xffff  }
0x229: {  	[tilespmem:s0+$0xFFFFFFD0] =	vst v17;
	v17 =	vadd.s32 v2, v13  }
0x22a: {  	[tilespmem:s23+$0x10] =	vst v16  }
0x22b: {  	v16 =	vld.idx.msk [tilespmem:v22+s4+$0x0], $0xffff;
	[tilespmem:s31+$0xFFFFFFD0] =	vst v23  }
0x22c: {  	v22 =	vadd.s32 v3, v11;
	v23 =	vld.idx.msk [tilespmem:v24+s4+$0x0], $0xffff;
	[tilespmem:s30+$0xFFFFFFD0] =	vst v25  }
0x22d: {  	v24 =	vadd.s32 v3, v12;
	v25 =	vld.idx.msk [tilespmem:v26+s4+$0x0], $0xffff;
	[tilespmem:s29+$0xFFFFFFD0] =	vst v27  }
0x22e: {  	[tilespmem:s24+$0x0] =	vst v19;
	v19 =	vadd.s32 v3, v14;
	v17 =	vld.idx.msk [tilespmem:v17+s4+$0x0], $0xffff  }
0x22f: {  	v15 =	vld.idx.msk [tilespmem:v15+s4+$0x0], $0xffff;
	[tilespmem:s25+$0xFFFFFFF0] =	vst v21;
	v21 =	vadd.s32 v3, v13  }
0x230: {  	v18 =	vld.idx.msk [tilespmem:v18+s4+$0x0], $0xffff;
	[tilespmem:s28+$0xFFFFFFE0] =	vst v16  }
0x231: {  	v16 =	vadd.s32 v4, v9;
	v22 =	vld.idx.msk [tilespmem:v22+s4+$0x0], $0xffff;
	[tilespmem:s31+$0xFFFFFFE0] =	vst v23  }
0x232: {  	v23 =	vadd.s32 v4, v11;
	v24 =	vld.idx.msk [tilespmem:v24+s4+$0x0], $0xffff;
	[tilespmem:s30+$0xFFFFFFE0] =	vst v25  }
0x233: {  	v25 =	vadd.s32 v4, v12;
	v19 =	vld.idx.msk [tilespmem:v19+s4+$0x0], $0xffff;
	[tilespmem:s29+$0xFFFFFFE0] =	vst v17  }
0x234: {  	[tilespmem:s26+$0x30] =	vst v15;
	v15 =	vadd.s32 v4, v14;
	v17 =	vld.idx.msk [tilespmem:v21+s4+$0x0], $0xffff  }
0x235: {  	v20 =	vld.idx.msk [tilespmem:v20+s4+$0x0], $0xffff;
	[tilespmem:s23+$0x20] =	vst v18;
	v18 =	vadd.s32 v4, v13  }
0x236: {  	v10 =	vadd.s32 v7, v10;
	v16 =	vld.idx.msk [tilespmem:v16+s4+$0x0], $0xffff;
	[tilespmem:s28+$0xFFFFFFF0] =	vst v22  }
0x237: {  	v21 =	vadd.s32 v5, v9;
	v22 =	vld.idx.msk [tilespmem:v23+s4+$0x0], $0xffff;
	[tilespmem:s31+$0xFFFFFFF0] =	vst v24  }
0x238: {  	v23 =	vadd.s32 v5, v11;
	v24 =	vld.idx.msk [tilespmem:v25+s4+$0x0], $0xffff;
	[tilespmem:s30+$0xFFFFFFF0] =	vst v19  }
0x239: {  	v19 =	vadd.s32 v5, v12;
	v15 =	vld.idx.msk [tilespmem:v15+s4+$0x0], $0xffff;
	[tilespmem:s29+$0xFFFFFFF0] =	vst v17  }
0x23a: {  	[tilespmem:s24+$0x10] =	vst v20;
	v17 =	vadd.s32 v5, v14;
	v18 =	vld.idx.msk [tilespmem:v18+s4+$0x0], $0xffff  }
0x23b: {  	v10 =	vld.idx.msk [tilespmem:v10+s4+$0x0], $0xffff;
	[tilespmem:s25+$0x0] =	vst v16;
	v16 =	vadd.s32 v5, v13  }
0x23c: {  	v20 =	vadd.s32 v6, v8;
	v21 =	vld.idx.msk [tilespmem:v21+s4+$0x0], $0xffff;
	[tilespmem:s28+$0x0] =	vst v22  }
0x23d: {  	v22 =	vadd.s32 v6, v9;
	v23 =	vld.idx.msk [tilespmem:v23+s4+$0x0], $0xffff;
	[tilespmem:s31+$0x0] =	vst v24  }
0x23e: {  	v24 =	vadd.s32 v6, v11;
	v19 =	vld.idx.msk [tilespmem:v19+s4+$0x0], $0xffff;
	[tilespmem:s30+$0x0] =	vst v15  }
0x23f: {  	v15 =	vadd.s32 v6, v12;
	v17 =	vld.idx.msk [tilespmem:v17+s4+$0x0], $0xffff;
	[tilespmem:s29+$0x0] =	vst v18  }
0x240: {  	[tilespmem:s23+$0x30] =	vst v10;
	v10 =	vadd.s32 v6, v14;
	v16 =	vld.idx.msk [tilespmem:v16+s4+$0x0], $0xffff  }
0x241: {  	[tilespmem:s25+$0x10] =	vst v21;
	v18 =	vld.idx.msk [tilespmem:v20+s4+$0x0], $0xffff;
	v20 =	vadd.s32 v6, v13  }
0x242: {  	v8 =	vadd.s32 v7, v8;
	v21 =	vld.idx.msk [tilespmem:v22+s4+$0x0], $0xffff;
	[tilespmem:s28+$0x10] =	vst v23  }
0x243: {  	v9 =	vadd.s32 v7, v9;
	v22 =	vld.idx.msk [tilespmem:v24+s4+$0x0], $0xffff;
	[tilespmem:s31+$0x10] =	vst v19  }
0x244: {  	v11 =	vadd.s32 v7, v11;
	v15 =	vld.idx.msk [tilespmem:v15+s4+$0x0], $0xffff;
	[tilespmem:s30+$0x10] =	vst v17  }
0x245: {  	v12 =	vadd.s32 v7, v12;
	v10 =	vld.idx.msk [tilespmem:v10+s4+$0x0], $0xffff;
	[tilespmem:s29+$0x10] =	vst v16  }
0x246: {  	v14 =	vadd.s32 v7, v14;
	[tilespmem:s24+$0x20] =	vst v18;
	v16 =	vld.idx.msk [tilespmem:v20+s4+$0x0], $0xffff  }
0x247: {  	v13 =	vadd.s32 v7, v13;
	[tilespmem:s25+$0x20] =	vst v21;
	v8 =	vld.idx.msk [tilespmem:v8+s4+$0x0], $0xffff  }
0x248: {  	v9 =	vld.idx.msk [tilespmem:v9+s4+$0x0], $0xffff;
	[tilespmem:s28+$0x20] =	vst v22  }
0x249: {  	v11 =	vld.idx.msk [tilespmem:v11+s4+$0x0], $0xffff;
	[tilespmem:s31+$0x20] =	vst v15  }
0x24a: {  	v12 =	vld.idx.msk [tilespmem:v12+s4+$0x0], $0xffff;
	[tilespmem:s30+$0x20] =	vst v10  }
0x24b: {  	s23 =	sshll.u32 s22, $0x2;
	v10 =	vld.idx.msk [tilespmem:v14+s4+$0x0], $0xffff;
	[tilespmem:s29+$0x20] =	vst v16  }
0x24c: {  	s26 =	smul.u32 $0x1C0, s22;
	[tilespmem:s24+$0x30] =	vst v8;
	s24 =	sor.u32 $0x1, s23;
	v8 =	vld.idx.msk [tilespmem:v13+s4+$0x0], $0xffff  }
0x24d: {  	[tilespmem:s25+$0x30] =	vst v9;
	s1 =	smul.u32 $0x1C0, s24  }
0x24e: {  	[tilespmem:s28+$0x30] =	vst v11  }
0x24f: {  	s0 =	sadd.s32 s5, s26;
	[tilespmem:s31+$0x30] =	vst v12;
	s1 =	sshra.s32 s1, $0x2  }
0x250: {  	s0 =	sshll.u32 s0, $0x4;
	s1 =	sadd.s32 $0xE00, s1;
	[tilespmem:s30+$0x30] =	vst v10  }
0x251: {  	s0 =	sadd.s32 s3, s0;
	s31 =	simm.s32 $0x0;
	v13 =	vmov s1;
	[tilespmem:s29+$0x30] =	vst v8  }
0x252: {  	[hbm4b:s0+s31] =	stream.linear.scatter [tilespmem:s15], [sflag:$0x1], $0x3800, $0x38;
	[tilespmem:$0xFA80] =	vst v63  }
0x253: {  	_ =	swait.ge [sflag:s14], $0x3800  }
0x254: {  	[sflag:s14] =	ssyncset.done $0x0  }
0x255: {  	s1 =	sand.u32 $0x70, s31;
	[sflag:s14] =	ssyncadd.s32 $0xFFFFC800  }
0x256: {  	v8 =	vld.idx.msk [tilespmem:v13+s1+$0x0 ss:$0x1], $0xffff;
	_ =	sdelay $0x4  }
0x257: {  	v9 =	vmov s31;
	v8 =	vshll.u32 v8, $0x7  }
0x258: {  	s7 =	simm.s32 $0x1;
	v14 =	vperm.xlane v8, v9  }
0x259: {  	s8 =	sand.u32 $0x70, s7  }
0x25a: {  	v8 =	vld.idx.msk [tilespmem:v13+s8+$0x0 ss:$0x1], $0xffff;
	v9 =	vadd.s32 v0, v14;
	_ =	sdelay $0x4  }
0x25b: {  	s9 =	simm.s32 $0x2;
	v10 =	vmov s7;
	v8 =	vshll.u32 v8, $0x7;
	v9 =	vld.idx.msk [tilespmem:v9+s4+$0x0], $0xffff  }
0x25c: {  	s12 =	sand.u32 $0x70, s9;
	v10 =	vperm.xlane v8, v10;
	v8 =	vadd.s32 v1, v14  }
0x25d: {  	v11 =	vld.idx.msk [tilespmem:v13+s12+$0x0 ss:$0x1], $0xffff  }
0x25e: {  	v12 =	vadd.s32 v0, v10  }
0x25f: {  	s29 =	simm.s32 $0x52F0  }
0x260: {  	[tilespmem:s29+$0xFFFFFF90] =	vst v9  }
0x261: {  	v9 =	vld.idx.msk [tilespmem:v8+s4+$0x0], $0xffff  }
0x262: {  	v15 =	vadd.s32 v2, v14;
	v8 =	vshll.u32 v11, $0x7;
	v11 =	vmov s9  }
0x263: {  	s25 =	simm.s32 $0x3;
	v12 =	vld.idx.msk [tilespmem:v12+s4+$0x0], $0xffff;
	v8 =	vperm.xlane v8, v11  }
0x264: {  	s31 =	sand.u32 $0x70, s25;
	v11 =	vadd.s32 v1, v10  }
0x265: {  	v16 =	vld.idx.msk [tilespmem:v13+s31+$0x0 ss:$0x1], $0xffff;
	v17 =	vadd.s32 v0, v8  }
0x266: {  	[tilespmem:s29+$0xFFFFFFA0] =	vst v9  }
0x267: {  	s26 =	simm.s32 $0x5370;
	v15 =	vld.idx.msk [tilespmem:v15+s4+$0x0], $0xffff  }
0x268: {  	[tilespmem:s26+$0xFFFFFF90] =	vst v12;
	v12 =	vadd.s32 v3, v14  }
0x269: {  	v11 =	vld.idx.msk [tilespmem:v11+s4+$0x0], $0xffff  }
0x26a: {  	s2 =	simm.s32 $0x4;
	v18 =	vadd.s32 v2, v10;
	v9 =	vshll.u32 v16, $0x7;
	v16 =	vmov s25;
	v17 =	vld.idx.msk [tilespmem:v17+s4+$0x0], $0xffff  }
0x26b: {  	s7 =	sand.u32 $0x70, s2;
	v19 =	vadd.s32 v1, v8;
	v9 =	vperm.xlane v9, v16  }
0x26c: {  	v16 =	vld.idx.msk [tilespmem:v13+s7+$0x0 ss:$0x1], $0xffff;
	[tilespmem:s29+$0xFFFFFFB0] =	vst v15  }
0x26d: {  	v15 =	vadd.s32 v0, v9;
	v12 =	vld.idx.msk [tilespmem:v12+s4+$0x0], $0xffff  }
0x26e: {  	s25 =	simm.s32 $0x53F0;
	[tilespmem:s26+$0xFFFFFFA0] =	vst v11;
	v11 =	vadd.s32 v4, v14  }
0x26f: {  	v18 =	vld.idx.msk [tilespmem:v18+s4+$0x0], $0xffff;
	[tilespmem:s25+$0xFFFFFF90] =	vst v17  }
0x270: {  	v17 =	vadd.s32 v3, v10;
	v19 =	vld.idx.msk [tilespmem:v19+s4+$0x0], $0xffff  }
0x271: {  	v20 =	vadd.s32 v2, v8  }
0x272: {  	s8 =	simm.s32 $0x5;
	v15 =	vld.idx.msk [tilespmem:v15+s4+$0x0], $0xffff;
	[tilespmem:s29+$0xFFFFFFC0] =	vst v12;
	v12 =	vshll.u32 v16, $0x7;
	v16 =	vmov s2  }
0x273: {  	s9 =	sand.u32 $0x70, s8;
	v21 =	vld.idx.msk [tilespmem:v11+s4+$0x0], $0xffff;
	v11 =	vperm.xlane v12, v16;
	v12 =	vadd.s32 v1, v9  }
0x274: {  	[tilespmem:s26+$0xFFFFFFB0] =	vst v18;
	v18 =	vadd.s32 v5, v14;
	v16 =	vld.idx.msk [tilespmem:v13+s9+$0x0 ss:$0x1], $0xffff  }
0x275: {  	s12 =	simm.s32 $0x6;
	v17 =	vld.idx.msk [tilespmem:v17+s4+$0x0], $0xffff;
	[tilespmem:s25+$0xFFFFFFA0] =	vst v19;
	v22 =	vadd.s32 v0, v11  }
0x276: {  	s28 =	simm.s32 $0x5470;
	s31 =	sand.u32 $0x70, s12;
	v19 =	vadd.s32 v4, v10;
	v20 =	vld.idx.msk [tilespmem:v20+s4+$0x0], $0xffff  }
0x277: {  	v24 =	vld.idx.msk [tilespmem:v13+s31+$0x0 ss:$0x1], $0xffff;
	v23 =	vadd.s32 v3, v8;
	[tilespmem:s28+$0xFFFFFF90] =	vst v15  }
0x278: {  	v15 =	vld.idx.msk [tilespmem:v12+s4+$0x0], $0xffff;
	[tilespmem:s29+$0xFFFFFFD0] =	vst v21  }
0x279: {  	v21 =	vadd.s32 v2, v9;
	v18 =	vld.idx.msk [tilespmem:v18+s4+$0x0], $0xffff  }
0x27a: {  	[tilespmem:s26+$0xFFFFFFC0] =	vst v17;
	v12 =	vshll.u32 v16, $0x7;
	v16 =	vmov s8;
	v17 =	vadd.s32 v6, v14;
	v22 =	vld.idx.msk [tilespmem:v22+s4+$0x0], $0xffff  }
0x27b: {  	s1 =	simm.s32 $0x7;
	v19 =	vld.idx.msk [tilespmem:v19+s4+$0x0], $0xffff;
	v12 =	vperm.xlane v12, v16;
	v16 =	vadd.s32 v1, v11;
	[tilespmem:s25+$0xFFFFFFB0] =	vst v20  }
0x27c: {  	s7 =	sand.u32 $0x70, s1;
	v20 =	vadd.s32 v5, v10;
	v25 =	vld.idx.msk [tilespmem:v23+s4+$0x0], $0xffff  }
0x27d: {  	v23 =	vadd.s32 v0, v12;
	[tilespmem:s28+$0xFFFFFFA0] =	vst v15;
	v15 =	vadd.s32 v7, v14;
	v14 =	vshll.u32 v24, $0x7;
	v24 =	vld.idx.msk [tilespmem:v13+s7+$0x0 ss:$0x1], $0xffff  }
0x27e: {  	v26 =	vadd.s32 v4, v8;
	s2 =	simm.s32 $0x54F0;
	v21 =	vld.idx.msk [tilespmem:v21+s4+$0x0], $0xffff;
	[tilespmem:s29+$0xFFFFFFE0] =	vst v18  }
0x27f: {  	v63 =	vadd.s32 v3, v9;
	[tilespmem:s2+$0xFFFFFF90] =	vst v22;
	v27 =	vld.idx.msk [tilespmem:v17+s4+$0x0], $0xffff  }
0x280: {  	[tilespmem:s26+$0xFFFFFFD0] =	vst v19;
	v17 =	vld.idx.msk [tilespmem:v16+s4+$0x0], $0xffff  }
0x281: {  	v22 =	vadd.s32 v2, v11;
	v16 =	vld.idx.msk [tilespmem:v20+s4+$0x0], $0xffff  }
0x282: {  	v18 =	vadd.s32 v6, v10;
	v23 =	vld.idx.msk [tilespmem:v23+s4+$0x0], $0xffff;
	[tilespmem:s25+$0xFFFFFFC0] =	vst v25;
	v20 =	vmov s12  }
0x283: {  	v25 =	vadd.s32 v1, v12;
	v19 =	vld.idx.msk [tilespmem:v26+s4+$0x0], $0xffff;
	v14 =	vperm.xlane v14, v20;
	[tilespmem:s28+$0xFFFFFFB0] =	vst v21  }
0x284: {  	s30 =	simm.s32 $0x54F0;
	s0 =	simm.s32 $0x8;
	v20 =	vadd.s32 v5, v8;
	v21 =	vld.idx.msk [tilespmem:v63+s4+$0x0], $0xffff;
	[tilespmem:s29+$0xFFFFFFF0] =	vst v27  }
.LBB2_13:
0x285: {  	p0 =	sne.s32 s0, $0x6F;
	v26 =	vadd.s32 v0, v14;
	[tilespmem:s2+$0xFFFFFFA0] =	vst v17;
	v27 =	vld.idx.msk [tilespmem:v15+s4+$0x0], $0xffff  }
0x286: {  	s2 =	sadd.s32 $0x80, s2;
	v29 =	vadd.s32 v4, v9;
	v28 =	vld.idx.msk [tilespmem:v22+s4+$0x0], $0xffff;
	[tilespmem:s26+$0xFFFFFFE0] =	vst v16  }
0x287: {  	[tilespmem:s2+$0xFFFFFF90] =	vst v23;
	v30 =	vld.idx.msk [tilespmem:v18+s4+$0x0], $0xffff  }
0x288: {  	v31 =	vadd.s32 v3, v11;
	v17 =	vld.idx.msk [tilespmem:v25+s4+$0x0], $0xffff;
	[tilespmem:s25+$0xFFFFFFD0] =	vst v19  }
.Ltmp5:
0x289: {  	v15 =	vadd.s32 v7, v10;
	v10 =	vmovc v8;
	v8 =	vmovc v9;
	v9 =	vmov v11;
	v11 =	vmov v12;
	v16 =	vld.idx.msk [tilespmem:v20+s4+$0x0], $0xffff;
	(pc) =	sbr.rel @p0 .LBB2_13-.Ltmp5, $4  }
0x28a: {  	v12 =	vmov v14;
	v22 =	vadd.s32 v2, v11;
	v23 =	vld.idx.msk [tilespmem:v26+s4+$0x0], $0xffff;
	[tilespmem:s28+$0xFFFFFFC0] =	vst v21  }
0x28b: {  	s7 =	sand.u32 $0x70, s0;
	v18 =	vadd.s32 v6, v10;
	v14 =	vshll.u32 v24, $0x7;
	v20 =	vmov s1;
	v19 =	vld.idx.msk [tilespmem:v29+s4+$0x0], $0xffff;
	[tilespmem:s29+$0x0] =	vst v27;
	s29 =	smov.u32 s26;
	s26 =	smov.u32 s25  }
0x28c: {  	v25 =	vadd.s32 v1, v12;
	v14 =	vperm.xlane v14, v20;
	s25 =	smov.u32 s28;
	s28 =	smov.u32 s30;
	v24 =	vld.idx.msk [tilespmem:v13+s7+$0x0 ss:$0x1], $0xffff;
	[tilespmem:s30+$0xFFFFFFB0] =	vst v28;
	s30 =	smov.u32 s2  }
0x28d: {  	s1 =	smov.u32 s0;
	s0 =	sadd.s32 $0x1, s0;
	v20 =	vadd.s32 v5, v8;
	v21 =	vld.idx.msk [tilespmem:v31+s4+$0x0], $0xffff;
	[tilespmem:s29+$0xFFFFFFF0] =	vst v30  }
0x28e: {  	_ =	sdelay $0x2  }
0x28f: {  	v13 =	vshll.u32 v24, $0x7;
	v24 =	vmov s1  }
0x290: {  	v13 =	vperm.xlane v13, v24  }
0x291: {  	v24 =	vadd.s32 v0, v14  }
0x292: {  	v26 =	vadd.s32 v0, v13;
	_ =	sdelay $0x3  }
0x293: {  	v24 =	vld.idx.msk [tilespmem:v24+s4+$0x0], $0xffff  }
0x294: {  	v27 =	vadd.s32 v1, v14;
	v26 =	vld.idx.msk [tilespmem:v26+s4+$0x0], $0xffff  }
0x295: {  	v28 =	vadd.s32 v1, v13  }
0x296: {  	s0 =	sadd.s32 $0x80, s2  }
0x297: {  	[tilespmem:s0+$0xFFFFFF90] =	vst v23;
	s12 =	sadd.s32 $0x80, s0  }
0x298: {  	v23 =	vld.idx.msk [tilespmem:v25+s4+$0x0], $0xffff;
	s31 =	sadd.s32 $0x80, s12;
	[tilespmem:s12+$0xFFFFFF90] =	vst v24  }
0x299: {  	v24 =	vadd.s32 v2, v12;
	v25 =	vld.idx.msk [tilespmem:v27+s4+$0x0], $0xffff;
	[tilespmem:s31+$0xFFFFFF90] =	vst v26  }
0x29a: {  	v26 =	vadd.s32 v2, v14;
	v27 =	vld.idx.msk [tilespmem:v28+s4+$0x0], $0xffff  }
0x29b: {  	[tilespmem:s2+$0xFFFFFFA0] =	vst v17;
	v17 =	vadd.s32 v2, v13  }
0x29c: {  	[tilespmem:s26+$0xFFFFFFE0] =	vst v16  }
0x29d: {  	v16 =	vld.idx.msk [tilespmem:v22+s4+$0x0], $0xffff;
	[tilespmem:s0+$0xFFFFFFA0] =	vst v23  }
0x29e: {  	v22 =	vadd.s32 v3, v11;
	v23 =	vld.idx.msk [tilespmem:v24+s4+$0x0], $0xffff;
	[tilespmem:s12+$0xFFFFFFA0] =	vst v25  }
0x29f: {  	v24 =	vadd.s32 v3, v12;
	v25 =	vld.idx.msk [tilespmem:v26+s4+$0x0], $0xffff;
	[tilespmem:s31+$0xFFFFFFA0] =	vst v27  }
0x2a0: {  	[tilespmem:s25+$0xFFFFFFD0] =	vst v19;
	v19 =	vadd.s32 v3, v14;
	v17 =	vld.idx.msk [tilespmem:v17+s4+$0x0], $0xffff  }
0x2a1: {  	v15 =	vld.idx.msk [tilespmem:v15+s4+$0x0], $0xffff;
	[tilespmem:s28+$0xFFFFFFC0] =	vst v21;
	v21 =	vadd.s32 v3, v13  }
0x2a2: {  	v18 =	vld.idx.msk [tilespmem:v18+s4+$0x0], $0xffff;
	[tilespmem:s30+$0xFFFFFFB0] =	vst v16  }
0x2a3: {  	v16 =	vadd.s32 v4, v9;
	v22 =	vld.idx.msk [tilespmem:v22+s4+$0x0], $0xffff;
	[tilespmem:s0+$0xFFFFFFB0] =	vst v23  }
0x2a4: {  	v23 =	vadd.s32 v4, v11;
	v24 =	vld.idx.msk [tilespmem:v24+s4+$0x0], $0xffff;
	[tilespmem:s12+$0xFFFFFFB0] =	vst v25  }
0x2a5: {  	v25 =	vadd.s32 v4, v12;
	v19 =	vld.idx.msk [tilespmem:v19+s4+$0x0], $0xffff;
	[tilespmem:s31+$0xFFFFFFB0] =	vst v17  }
0x2a6: {  	[tilespmem:s29+$0x0] =	vst v15;
	v15 =	vadd.s32 v4, v14;
	v17 =	vld.idx.msk [tilespmem:v21+s4+$0x0], $0xffff  }
0x2a7: {  	v20 =	vld.idx.msk [tilespmem:v20+s4+$0x0], $0xffff;
	[tilespmem:s26+$0xFFFFFFF0] =	vst v18;
	v18 =	vadd.s32 v4, v13  }
0x2a8: {  	v10 =	vadd.s32 v7, v10;
	v16 =	vld.idx.msk [tilespmem:v16+s4+$0x0], $0xffff;
	[tilespmem:s30+$0xFFFFFFC0] =	vst v22  }
0x2a9: {  	v21 =	vadd.s32 v5, v9;
	v22 =	vld.idx.msk [tilespmem:v23+s4+$0x0], $0xffff;
	[tilespmem:s0+$0xFFFFFFC0] =	vst v24  }
0x2aa: {  	v23 =	vadd.s32 v5, v11;
	v24 =	vld.idx.msk [tilespmem:v25+s4+$0x0], $0xffff;
	[tilespmem:s12+$0xFFFFFFC0] =	vst v19  }
0x2ab: {  	v19 =	vadd.s32 v5, v12;
	v15 =	vld.idx.msk [tilespmem:v15+s4+$0x0], $0xffff;
	[tilespmem:s31+$0xFFFFFFC0] =	vst v17  }
0x2ac: {  	[tilespmem:s25+$0xFFFFFFE0] =	vst v20;
	v17 =	vadd.s32 v5, v14;
	v18 =	vld.idx.msk [tilespmem:v18+s4+$0x0], $0xffff  }
0x2ad: {  	v10 =	vld.idx.msk [tilespmem:v10+s4+$0x0], $0xffff;
	[tilespmem:s28+$0xFFFFFFD0] =	vst v16;
	v16 =	vadd.s32 v5, v13  }
0x2ae: {  	v20 =	vadd.s32 v6, v8;
	v21 =	vld.idx.msk [tilespmem:v21+s4+$0x0], $0xffff;
	[tilespmem:s30+$0xFFFFFFD0] =	vst v22  }
0x2af: {  	v22 =	vadd.s32 v6, v9;
	v23 =	vld.idx.msk [tilespmem:v23+s4+$0x0], $0xffff;
	[tilespmem:s0+$0xFFFFFFD0] =	vst v24  }
0x2b0: {  	v24 =	vadd.s32 v6, v11;
	v19 =	vld.idx.msk [tilespmem:v19+s4+$0x0], $0xffff;
	[tilespmem:s12+$0xFFFFFFD0] =	vst v15  }
0x2b1: {  	v15 =	vadd.s32 v6, v12;
	v17 =	vld.idx.msk [tilespmem:v17+s4+$0x0], $0xffff;
	[tilespmem:s31+$0xFFFFFFD0] =	vst v18  }
0x2b2: {  	[tilespmem:s26+$0x0] =	vst v10;
	v10 =	vadd.s32 v6, v14;
	v16 =	vld.idx.msk [tilespmem:v16+s4+$0x0], $0xffff  }
0x2b3: {  	[tilespmem:s28+$0xFFFFFFE0] =	vst v21;
	v18 =	vld.idx.msk [tilespmem:v20+s4+$0x0], $0xffff;
	v20 =	vadd.s32 v6, v13  }
0x2b4: {  	v8 =	vadd.s32 v7, v8;
	v21 =	vld.idx.msk [tilespmem:v22+s4+$0x0], $0xffff;
	[tilespmem:s30+$0xFFFFFFE0] =	vst v23  }
0x2b5: {  	v9 =	vadd.s32 v7, v9;
	v22 =	vld.idx.msk [tilespmem:v24+s4+$0x0], $0xffff;
	[tilespmem:s0+$0xFFFFFFE0] =	vst v19  }
0x2b6: {  	v11 =	vadd.s32 v7, v11;
	v15 =	vld.idx.msk [tilespmem:v15+s4+$0x0], $0xffff;
	[tilespmem:s12+$0xFFFFFFE0] =	vst v17  }
0x2b7: {  	v12 =	vadd.s32 v7, v12;
	v10 =	vld.idx.msk [tilespmem:v10+s4+$0x0], $0xffff;
	[tilespmem:s31+$0xFFFFFFE0] =	vst v16  }
0x2b8: {  	v14 =	vadd.s32 v7, v14;
	[tilespmem:s25+$0xFFFFFFF0] =	vst v18;
	v16 =	vld.idx.msk [tilespmem:v20+s4+$0x0], $0xffff  }
0x2b9: {  	v13 =	vadd.s32 v7, v13;
	[tilespmem:s28+$0xFFFFFFF0] =	vst v21;
	v8 =	vld.idx.msk [tilespmem:v8+s4+$0x0], $0xffff  }
0x2ba: {  	v9 =	vld.idx.msk [tilespmem:v9+s4+$0x0], $0xffff;
	[tilespmem:s30+$0xFFFFFFF0] =	vst v22  }
0x2bb: {  	v11 =	vld.idx.msk [tilespmem:v11+s4+$0x0], $0xffff;
	[tilespmem:s0+$0xFFFFFFF0] =	vst v15  }
0x2bc: {  	v12 =	vld.idx.msk [tilespmem:v12+s4+$0x0], $0xffff;
	[tilespmem:s12+$0xFFFFFFF0] =	vst v10  }
0x2bd: {  	v10 =	vld.idx.msk [tilespmem:v14+s4+$0x0], $0xffff;
	[tilespmem:s31+$0xFFFFFFF0] =	vst v16  }
0x2be: {  	s26 =	smul.u32 $0x70, s24;
	s24 =	sor.u32 $0x2, s23;
	[tilespmem:s25+$0x0] =	vst v8;
	v8 =	vld.idx.msk [tilespmem:v13+s4+$0x0], $0xffff  }
0x2bf: {  	s7 =	smul.u32 $0x1C0, s24;
	[tilespmem:s28+$0x0] =	vst v9  }
0x2c0: {  	[tilespmem:s30+$0x0] =	vst v11  }
0x2c1: {  	s2 =	sadd.s32 s5, s26;
	s7 =	sshra.s32 s7, $0x2;
	[tilespmem:s0+$0x0] =	vst v12  }
0x2c2: {  	s8 =	sadd.s32 $0xE00, s7;
	s0 =	sshll.u32 s2, $0x4;
	[tilespmem:s12+$0x0] =	vst v10  }
0x2c3: {  	s9 =	simm.s32 $0x0;
	v13 =	vmov s8;
	s0 =	sadd.s32 s3, s0;
	[tilespmem:s31+$0x0] =	vst v8  }
0x2c4: {  	[hbm4b:s0+s9] =	stream.linear.scatter [tilespmem:s16], [sflag:$0x2], $0x3800, $0x38;
	[tilespmem:$0xFA80] =	vst v63  }
0x2c5: {  	_ =	swait.ge [sflag:s19], $0x3800  }
0x2c6: {  	[sflag:s19] =	ssyncset.done $0x0  }
0x2c7: {  	s12 =	sand.u32 $0x70, s9;
	[sflag:s19] =	ssyncadd.s32 $0xFFFFC800  }
0x2c8: {  	v8 =	vld.idx.msk [tilespmem:v13+s12+$0x0 ss:$0x1], $0xffff;
	_ =	sdelay $0x4  }
0x2c9: {  	v9 =	vmov s9;
	v8 =	vshll.u32 v8, $0x7  }
0x2ca: {  	s25 =	simm.s32 $0x1;
	v14 =	vperm.xlane v8, v9  }
0x2cb: {  	s26 =	sand.u32 $0x70, s25  }
0x2cc: {  	v8 =	vld.idx.msk [tilespmem:v13+s26+$0x0 ss:$0x1], $0xffff;
	v9 =	vadd.s32 v0, v14;
	_ =	sdelay $0x4  }
0x2cd: {  	s2 =	simm.s32 $0x2;
	v10 =	vmov s25;
	v8 =	vshll.u32 v8, $0x7;
	v9 =	vld.idx.msk [tilespmem:v9+s4+$0x0], $0xffff  }
0x2ce: {  	s7 =	sand.u32 $0x70, s2;
	v10 =	vperm.xlane v8, v10;
	v8 =	vadd.s32 v1, v14  }
0x2cf: {  	v11 =	vld.idx.msk [tilespmem:v13+s7+$0x0 ss:$0x1], $0xffff  }
0x2d0: {  	v12 =	vadd.s32 v0, v10  }
0x2d1: {  	s29 =	simm.s32 $0x0  }
0x2d2: {  	[tilespmem:s29+$0x8A80] =	vst v9  }
0x2d3: {  	v9 =	vld.idx.msk [tilespmem:v8+s4+$0x0], $0xffff  }
0x2d4: {  	v15 =	vadd.s32 v2, v14;
	v8 =	vshll.u32 v11, $0x7;
	v11 =	vmov s2  }
0x2d5: {  	s8 =	simm.s32 $0x3;
	v12 =	vld.idx.msk [tilespmem:v12+s4+$0x0], $0xffff;
	v8 =	vperm.xlane v8, v11  }
0x2d6: {  	s9 =	sand.u32 $0x70, s8;
	v11 =	vadd.s32 v1, v10  }
0x2d7: {  	v16 =	vld.idx.msk [tilespmem:v13+s9+$0x0 ss:$0x1], $0xffff;
	v17 =	vadd.s32 v0, v8  }
0x2d8: {  	[tilespmem:s29+$0x8A90] =	vst v9  }
0x2d9: {  	s26 =	simm.s32 $0x80;
	v15 =	vld.idx.msk [tilespmem:v15+s4+$0x0], $0xffff  }
0x2da: {  	[tilespmem:s26+$0x8A80] =	vst v12;
	v12 =	vadd.s32 v3, v14  }
0x2db: {  	v11 =	vld.idx.msk [tilespmem:v11+s4+$0x0], $0xffff  }
0x2dc: {  	s12 =	simm.s32 $0x4;
	v18 =	vadd.s32 v2, v10;
	v9 =	vshll.u32 v16, $0x7;
	v16 =	vmov s8;
	v17 =	vld.idx.msk [tilespmem:v17+s4+$0x0], $0xffff  }
0x2dd: {  	s25 =	sand.u32 $0x70, s12;
	v19 =	vadd.s32 v1, v8;
	v9 =	vperm.xlane v9, v16  }
0x2de: {  	v16 =	vld.idx.msk [tilespmem:v13+s25+$0x0 ss:$0x1], $0xffff;
	[tilespmem:s29+$0x8AA0] =	vst v15  }
0x2df: {  	v15 =	vadd.s32 v0, v9;
	v12 =	vld.idx.msk [tilespmem:v12+s4+$0x0], $0xffff  }
0x2e0: {  	s25 =	simm.s32 $0x100;
	[tilespmem:s26+$0x8A90] =	vst v11;
	v11 =	vadd.s32 v4, v14  }
0x2e1: {  	v18 =	vld.idx.msk [tilespmem:v18+s4+$0x0], $0xffff;
	[tilespmem:s25+$0x8A80] =	vst v17  }
0x2e2: {  	v17 =	vadd.s32 v3, v10;
	v19 =	vld.idx.msk [tilespmem:v19+s4+$0x0], $0xffff  }
0x2e3: {  	v20 =	vadd.s32 v2, v8  }
0x2e4: {  	s2 =	simm.s32 $0x5;
	v15 =	vld.idx.msk [tilespmem:v15+s4+$0x0], $0xffff;
	[tilespmem:s29+$0x8AB0] =	vst v12;
	v12 =	vshll.u32 v16, $0x7;
	v16 =	vmov s12  }
0x2e5: {  	s7 =	sand.u32 $0x70, s2;
	v21 =	vld.idx.msk [tilespmem:v11+s4+$0x0], $0xffff;
	v11 =	vperm.xlane v12, v16;
	v12 =	vadd.s32 v1, v9  }
0x2e6: {  	[tilespmem:s26+$0x8AA0] =	vst v18;
	v18 =	vadd.s32 v5, v14;
	v16 =	vld.idx.msk [tilespmem:v13+s7+$0x0 ss:$0x1], $0xffff  }
0x2e7: {  	s8 =	simm.s32 $0x6;
	v17 =	vld.idx.msk [tilespmem:v17+s4+$0x0], $0xffff;
	[tilespmem:s25+$0x8A90] =	vst v19;
	v22 =	vadd.s32 v0, v11  }
0x2e8: {  	s28 =	simm.s32 $0x180;
	s9 =	sand.u32 $0x70, s8;
	v19 =	vadd.s32 v4, v10;
	v20 =	vld.idx.msk [tilespmem:v20+s4+$0x0], $0xffff  }
0x2e9: {  	v23 =	vadd.s32 v3, v8;
	v24 =	vld.idx.msk [tilespmem:v13+s9+$0x0 ss:$0x1], $0xffff;
	[tilespmem:s28+$0x8A80] =	vst v15  }
0x2ea: {  	v15 =	vld.idx.msk [tilespmem:v12+s4+$0x0], $0xffff;
	[tilespmem:s29+$0x8AC0] =	vst v21  }
0x2eb: {  	v21 =	vadd.s32 v2, v9;
	v18 =	vld.idx.msk [tilespmem:v18+s4+$0x0], $0xffff  }
0x2ec: {  	[tilespmem:s26+$0x8AB0] =	vst v17;
	v12 =	vshll.u32 v16, $0x7;
	v16 =	vmov s2;
	v17 =	vadd.s32 v6, v14;
	v22 =	vld.idx.msk [tilespmem:v22+s4+$0x0], $0xffff  }
0x2ed: {  	s0 =	simm.s32 $0x7;
	v19 =	vld.idx.msk [tilespmem:v19+s4+$0x0], $0xffff;
	v12 =	vperm.xlane v12, v16;
	v16 =	vadd.s32 v1, v11;
	[tilespmem:s25+$0x8AA0] =	vst v20  }
0x2ee: {  	s12 =	sand.u32 $0x70, s0;
	v20 =	vadd.s32 v5, v10;
	v25 =	vld.idx.msk [tilespmem:v23+s4+$0x0], $0xffff  }
0x2ef: {  	v23 =	vadd.s32 v0, v12;
	[tilespmem:s28+$0x8A90] =	vst v15;
	v15 =	vadd.s32 v7, v14;
	v14 =	vshll.u32 v24, $0x7;
	v24 =	vld.idx.msk [tilespmem:v13+s12+$0x0 ss:$0x1], $0xffff  }
0x2f0: {  	s30 =	simm.s32 $0x200;
	v27 =	vadd.s32 v4, v8;
	v26 =	vld.idx.msk [tilespmem:v21+s4+$0x0], $0xffff;
	[tilespmem:s29+$0x8AD0] =	vst v18  }
0x2f1: {  	[tilespmem:s30+$0x8A80] =	vst v22;
	v63 =	vld.idx.msk [tilespmem:v17+s4+$0x0], $0xffff;
	v22 =	vadd.s32 v3, v9  }
0x2f2: {  	[tilespmem:s26+$0x8AC0] =	vst v19;
	v17 =	vld.idx.msk [tilespmem:v16+s4+$0x0], $0xffff  }
0x2f3: {  	v21 =	vadd.s32 v2, v11;
	v16 =	vld.idx.msk [tilespmem:v20+s4+$0x0], $0xffff  }
0x2f4: {  	v19 =	vadd.s32 v6, v10;
	v23 =	vld.idx.msk [tilespmem:v23+s4+$0x0], $0xffff;
	[tilespmem:s25+$0x8AB0] =	vst v25;
	v20 =	vmov s8  }
0x2f5: {  	s1 =	simm.s32 $0xC00;
	s31 =	simm.s32 $0x1000;
	v25 =	vadd.s32 v1, v12;
	v18 =	vld.idx.msk [tilespmem:v27+s4+$0x0], $0xffff;
	v14 =	vperm.xlane v14, v20;
	[tilespmem:s28+$0x8AA0] =	vst v26  }
0x2f6: {  	s7 =	simm.s32 $0x7;
	s2 =	simm.s32 $0xA00;
	s12 =	simm.s32 $0xE00;
	v20 =	vadd.s32 v5, v8;
	v22 =	vld.idx.msk [tilespmem:v22+s4+$0x0], $0xffff;
	[tilespmem:s29+$0x8AE0] =	vst v63  }
.LBB2_15:
0x2f7: {  	p0 =	sne.s32 s31, $0xDE00;
	v26 =	vadd.s32 v0, v14;
	[tilespmem:s30+$0x8A90] =	vst v17;
	v27 =	vld.idx.msk [tilespmem:v15+s4+$0x0], $0xffff  }
0x2f8: {  	s8 =	sshra.s32 s2, $0x2;
	v29 =	vadd.s32 v4, v9;
	s2 =	smov.u32 s1;
	s1 =	smov.u32 s12;
	v28 =	vld.idx.msk [tilespmem:v21+s4+$0x0], $0xffff;
	[tilespmem:s26+$0x8AD0] =	vst v16  }
0x2f9: {  	s12 =	smov.u32 s31;
	[tilespmem:s8+$0x8A80] =	vst v23;
	v30 =	vld.idx.msk [tilespmem:v19+s4+$0x0], $0xffff  }
0x2fa: {  	v31 =	vadd.s32 v3, v11;
	v17 =	vld.idx.msk [tilespmem:v25+s4+$0x0], $0xffff;
	[tilespmem:s25+$0x8AC0] =	vst v18  }
.Ltmp6:
0x2fb: {  	v15 =	vadd.s32 v7, v10;
	v10 =	vmovc v8;
	v8 =	vmovc v9;
	v9 =	vmov v11;
	v11 =	vmov v12;
	v16 =	vld.idx.msk [tilespmem:v20+s4+$0x0], $0xffff;
	(pc) =	sbr.rel @p0 .LBB2_15-.Ltmp6, $4  }
0x2fc: {  	s0 =	sadd.s32 $0x1, s0;
	v12 =	vmov v14;
	v21 =	vadd.s32 v2, v11;
	v23 =	vld.idx.msk [tilespmem:v26+s4+$0x0], $0xffff;
	[tilespmem:s28+$0x8AB0] =	vst v22  }
0x2fd: {  	s9 =	sand.u32 $0x70, s0;
	v19 =	vadd.s32 v6, v10;
	v14 =	vshll.u32 v24, $0x7;
	v20 =	vmov s7;
	v18 =	vld.idx.msk [tilespmem:v29+s4+$0x0], $0xffff;
	[tilespmem:s29+$0x8AF0] =	vst v27;
	s29 =	smov.u32 s26;
	s26 =	smov.u32 s25  }
0x2fe: {  	v25 =	vadd.s32 v1, v12;
	v14 =	vperm.xlane v14, v20;
	s25 =	smov.u32 s28;
	s28 =	smov.u32 s30;
	v24 =	vld.idx.msk [tilespmem:v13+s9+$0x0 ss:$0x1], $0xffff;
	[tilespmem:s30+$0x8AA0] =	vst v28;
	s30 =	smov.u32 s8  }
0x2ff: {  	s31 =	sadd.s32 $0x200, s31;
	s7 =	smov.u32 s0;
	v20 =	vadd.s32 v5, v8;
	v22 =	vld.idx.msk [tilespmem:v31+s4+$0x0], $0xffff;
	[tilespmem:s29+$0x8AE0] =	vst v30  }
0x300: {  	_ =	sdelay $0x2  }
0x301: {  	v13 =	vshll.u32 v24, $0x7;
	v24 =	vmov s7  }
0x302: {  	v13 =	vperm.xlane v13, v24  }
0x303: {  	v24 =	vadd.s32 v0, v14  }
0x304: {  	v26 =	vadd.s32 v0, v13;
	_ =	sdelay $0x3  }
0x305: {  	v24 =	vld.idx.msk [tilespmem:v24+s4+$0x0], $0xffff  }
0x306: {  	v27 =	vadd.s32 v1, v14;
	v26 =	vld.idx.msk [tilespmem:v26+s4+$0x0], $0xffff  }
0x307: {  	v28 =	vadd.s32 v1, v13  }
0x308: {  	s0 =	sshra.s32 s2, $0x2  }
0x309: {  	s31 =	sshra.s32 s1, $0x2;
	[tilespmem:s0+$0x8A80] =	vst v23  }
0x30a: {  	s9 =	sshra.s32 s12, $0x2;
	v23 =	vld.idx.msk [tilespmem:v25+s4+$0x0], $0xffff;
	[tilespmem:s31+$0x8A80] =	vst v24  }
0x30b: {  	v24 =	vadd.s32 v2, v12;
	v25 =	vld.idx.msk [tilespmem:v27+s4+$0x0], $0xffff;
	[tilespmem:s9+$0x8A80] =	vst v26  }
0x30c: {  	v26 =	vadd.s32 v2, v14;
	v27 =	vld.idx.msk [tilespmem:v28+s4+$0x0], $0xffff  }
0x30d: {  	[tilespmem:s30+$0x8A90] =	vst v17;
	v17 =	vadd.s32 v2, v13  }
0x30e: {  	[tilespmem:s26+$0x8AD0] =	vst v16  }
0x30f: {  	v16 =	vld.idx.msk [tilespmem:v21+s4+$0x0], $0xffff;
	[tilespmem:s0+$0x8A90] =	vst v23  }
0x310: {  	v21 =	vadd.s32 v3, v11;
	v23 =	vld.idx.msk [tilespmem:v24+s4+$0x0], $0xffff;
	[tilespmem:s31+$0x8A90] =	vst v25  }
0x311: {  	v24 =	vadd.s32 v3, v12;
	v25 =	vld.idx.msk [tilespmem:v26+s4+$0x0], $0xffff;
	[tilespmem:s9+$0x8A90] =	vst v27  }
0x312: {  	[tilespmem:s25+$0x8AC0] =	vst v18;
	v18 =	vadd.s32 v3, v14;
	v17 =	vld.idx.msk [tilespmem:v17+s4+$0x0], $0xffff  }
0x313: {  	v15 =	vld.idx.msk [tilespmem:v15+s4+$0x0], $0xffff;
	[tilespmem:s28+$0x8AB0] =	vst v22;
	v22 =	vadd.s32 v3, v13  }
0x314: {  	v19 =	vld.idx.msk [tilespmem:v19+s4+$0x0], $0xffff;
	[tilespmem:s30+$0x8AA0] =	vst v16  }
0x315: {  	v16 =	vadd.s32 v4, v9;
	v21 =	vld.idx.msk [tilespmem:v21+s4+$0x0], $0xffff;
	[tilespmem:s0+$0x8AA0] =	vst v23  }
0x316: {  	v23 =	vadd.s32 v4, v11;
	v24 =	vld.idx.msk [tilespmem:v24+s4+$0x0], $0xffff;
	[tilespmem:s31+$0x8AA0] =	vst v25  }
0x317: {  	v25 =	vadd.s32 v4, v12;
	v18 =	vld.idx.msk [tilespmem:v18+s4+$0x0], $0xffff;
	[tilespmem:s9+$0x8AA0] =	vst v17  }
0x318: {  	[tilespmem:s29+$0x8AF0] =	vst v15;
	v15 =	vadd.s32 v4, v14;
	v17 =	vld.idx.msk [tilespmem:v22+s4+$0x0], $0xffff  }
0x319: {  	v20 =	vld.idx.msk [tilespmem:v20+s4+$0x0], $0xffff;
	[tilespmem:s26+$0x8AE0] =	vst v19;
	v19 =	vadd.s32 v4, v13  }
0x31a: {  	v10 =	vadd.s32 v7, v10;
	v16 =	vld.idx.msk [tilespmem:v16+s4+$0x0], $0xffff;
	[tilespmem:s30+$0x8AB0] =	vst v21  }
0x31b: {  	v21 =	vadd.s32 v5, v9;
	v22 =	vld.idx.msk [tilespmem:v23+s4+$0x0], $0xffff;
	[tilespmem:s0+$0x8AB0] =	vst v24  }
0x31c: {  	v23 =	vadd.s32 v5, v11;
	v24 =	vld.idx.msk [tilespmem:v25+s4+$0x0], $0xffff;
	[tilespmem:s31+$0x8AB0] =	vst v18  }
0x31d: {  	v18 =	vadd.s32 v5, v12;
	v15 =	vld.idx.msk [tilespmem:v15+s4+$0x0], $0xffff;
	[tilespmem:s9+$0x8AB0] =	vst v17  }
0x31e: {  	[tilespmem:s25+$0x8AD0] =	vst v20;
	v17 =	vadd.s32 v5, v14;
	v19 =	vld.idx.msk [tilespmem:v19+s4+$0x0], $0xffff  }
0x31f: {  	v10 =	vld.idx.msk [tilespmem:v10+s4+$0x0], $0xffff;
	[tilespmem:s28+$0x8AC0] =	vst v16;
	v16 =	vadd.s32 v5, v13  }
0x320: {  	v20 =	vadd.s32 v6, v8;
	v21 =	vld.idx.msk [tilespmem:v21+s4+$0x0], $0xffff;
	[tilespmem:s30+$0x8AC0] =	vst v22  }
0x321: {  	v22 =	vadd.s32 v6, v9;
	v23 =	vld.idx.msk [tilespmem:v23+s4+$0x0], $0xffff;
	[tilespmem:s0+$0x8AC0] =	vst v24  }
0x322: {  	v24 =	vadd.s32 v6, v11;
	v18 =	vld.idx.msk [tilespmem:v18+s4+$0x0], $0xffff;
	[tilespmem:s31+$0x8AC0] =	vst v15  }
0x323: {  	v15 =	vadd.s32 v6, v12;
	v17 =	vld.idx.msk [tilespmem:v17+s4+$0x0], $0xffff;
	[tilespmem:s9+$0x8AC0] =	vst v19  }
0x324: {  	[tilespmem:s26+$0x8AF0] =	vst v10;
	v10 =	vadd.s32 v6, v14;
	v16 =	vld.idx.msk [tilespmem:v16+s4+$0x0], $0xffff  }
0x325: {  	[tilespmem:s28+$0x8AD0] =	vst v21;
	v19 =	vld.idx.msk [tilespmem:v20+s4+$0x0], $0xffff;
	v20 =	vadd.s32 v6, v13  }
0x326: {  	v8 =	vadd.s32 v7, v8;
	v21 =	vld.idx.msk [tilespmem:v22+s4+$0x0], $0xffff;
	[tilespmem:s30+$0x8AD0] =	vst v23  }
0x327: {  	v9 =	vadd.s32 v7, v9;
	v22 =	vld.idx.msk [tilespmem:v24+s4+$0x0], $0xffff;
	[tilespmem:s0+$0x8AD0] =	vst v18  }
0x328: {  	v11 =	vadd.s32 v7, v11;
	v15 =	vld.idx.msk [tilespmem:v15+s4+$0x0], $0xffff;
	[tilespmem:s31+$0x8AD0] =	vst v17  }
0x329: {  	v12 =	vadd.s32 v7, v12;
	v10 =	vld.idx.msk [tilespmem:v10+s4+$0x0], $0xffff;
	[tilespmem:s9+$0x8AD0] =	vst v16  }
0x32a: {  	v14 =	vadd.s32 v7, v14;
	[tilespmem:s25+$0x8AE0] =	vst v19;
	v16 =	vld.idx.msk [tilespmem:v20+s4+$0x0], $0xffff  }
0x32b: {  	v13 =	vadd.s32 v7, v13;
	[tilespmem:s28+$0x8AE0] =	vst v21;
	v8 =	vld.idx.msk [tilespmem:v8+s4+$0x0], $0xffff  }
0x32c: {  	v9 =	vld.idx.msk [tilespmem:v9+s4+$0x0], $0xffff;
	[tilespmem:s30+$0x8AE0] =	vst v22  }
0x32d: {  	v11 =	vld.idx.msk [tilespmem:v11+s4+$0x0], $0xffff;
	[tilespmem:s0+$0x8AE0] =	vst v15  }
0x32e: {  	v12 =	vld.idx.msk [tilespmem:v12+s4+$0x0], $0xffff;
	[tilespmem:s31+$0x8AE0] =	vst v10  }
0x32f: {  	v10 =	vld.idx.msk [tilespmem:v14+s4+$0x0], $0xffff;
	[tilespmem:s9+$0x8AE0] =	vst v16  }
0x330: {  	s12 =	smul.u32 $0x70, s24;
	s23 =	sor.u32 $0x3, s23;
	[tilespmem:s25+$0x8AF0] =	vst v8;
	v8 =	vld.idx.msk [tilespmem:v13+s4+$0x0], $0xffff  }
0x331: {  	s24 =	smul.u32 $0x1C0, s23;
	[tilespmem:s28+$0x8AF0] =	vst v9  }
0x332: {  	[tilespmem:s30+$0x8AF0] =	vst v11  }
0x333: {  	s26 =	sshra.s32 s24, $0x2;
	s25 =	sadd.s32 s5, s12;
	[tilespmem:s0+$0x8AF0] =	vst v12  }
0x334: {  	s2 =	sadd.s32 $0xE00, s26;
	s0 =	sshll.u32 s25, $0x4;
	[tilespmem:s31+$0x8AF0] =	vst v10  }
0x335: {  	v13 =	vmov s2;
	s0 =	sadd.s32 s3, s0;
	s31 =	simm.s32 $0x0;
	[tilespmem:s9+$0x8AF0] =	vst v8  }
0x336: {  	[hbm4b:s0+s31] =	stream.linear.scatter [tilespmem:s17], [sflag:$0x3], $0x3800, $0x38;
	[tilespmem:$0xFA80] =	vst v63  }
0x337: {  	_ =	swait.ge [sflag:s20], $0x3800  }
0x338: {  	[sflag:s20] =	ssyncset.done $0x0  }
0x339: {  	s2 =	sand.u32 $0x70, s31;
	[sflag:s20] =	ssyncadd.s32 $0xFFFFC800  }
0x33a: {  	v8 =	vld.idx.msk [tilespmem:v13+s2+$0x0 ss:$0x1], $0xffff;
	_ =	sdelay $0x4  }
0x33b: {  	v9 =	vmov s31;
	v8 =	vshll.u32 v8, $0x7  }
0x33c: {  	s7 =	simm.s32 $0x1;
	v14 =	vperm.xlane v8, v9  }
0x33d: {  	s8 =	sand.u32 $0x70, s7  }
0x33e: {  	v8 =	vld.idx.msk [tilespmem:v13+s8+$0x0 ss:$0x1], $0xffff;
	v9 =	vadd.s32 v0, v14;
	_ =	sdelay $0x4  }
0x33f: {  	v10 =	vmov s7;
	s9 =	simm.s32 $0x2;
	v8 =	vshll.u32 v8, $0x7;
	v9 =	vld.idx.msk [tilespmem:v9+s4+$0x0], $0xffff  }
0x340: {  	s12 =	sand.u32 $0x70, s9;
	v10 =	vperm.xlane v8, v10;
	v8 =	vadd.s32 v1, v14  }
0x341: {  	v11 =	vld.idx.msk [tilespmem:v13+s12+$0x0 ss:$0x1], $0xffff  }
0x342: {  	v12 =	vadd.s32 v0, v10  }
0x343: {  	s28 =	simm.s32 $0x0  }
0x344: {  	[tilespmem:s28+$0xC280] =	vst v9  }
0x345: {  	v9 =	vld.idx.msk [tilespmem:v8+s4+$0x0], $0xffff  }
0x346: {  	v15 =	vadd.s32 v2, v14;
	v8 =	vshll.u32 v11, $0x7;
	v11 =	vmov s9  }
0x347: {  	s24 =	simm.s32 $0x3;
	v12 =	vld.idx.msk [tilespmem:v12+s4+$0x0], $0xffff;
	v8 =	vperm.xlane v8, v11  }
0x348: {  	s26 =	sand.u32 $0x70, s24;
	v11 =	vadd.s32 v1, v10  }
0x349: {  	v16 =	vld.idx.msk [tilespmem:v13+s26+$0x0 ss:$0x1], $0xffff;
	v17 =	vadd.s32 v0, v8  }
0x34a: {  	[tilespmem:s28+$0xC290] =	vst v9  }
0x34b: {  	s25 =	simm.s32 $0x80;
	v15 =	vld.idx.msk [tilespmem:v15+s4+$0x0], $0xffff  }
0x34c: {  	[tilespmem:s25+$0xC280] =	vst v12;
	v12 =	vadd.s32 v3, v14  }
0x34d: {  	v11 =	vld.idx.msk [tilespmem:v11+s4+$0x0], $0xffff  }
0x34e: {  	s31 =	simm.s32 $0x4;
	v18 =	vadd.s32 v2, v10;
	v9 =	vshll.u32 v16, $0x7;
	v16 =	vmov s24;
	v17 =	vld.idx.msk [tilespmem:v17+s4+$0x0], $0xffff  }
0x34f: {  	s2 =	sand.u32 $0x70, s31;
	v19 =	vadd.s32 v1, v8;
	v9 =	vperm.xlane v9, v16  }
0x350: {  	v16 =	vld.idx.msk [tilespmem:v13+s2+$0x0 ss:$0x1], $0xffff;
	[tilespmem:s28+$0xC2A0] =	vst v15  }
0x351: {  	v15 =	vadd.s32 v0, v9;
	v12 =	vld.idx.msk [tilespmem:v12+s4+$0x0], $0xffff  }
0x352: {  	s24 =	simm.s32 $0x100;
	[tilespmem:s25+$0xC290] =	vst v11;
	v11 =	vadd.s32 v4, v14  }
0x353: {  	v18 =	vld.idx.msk [tilespmem:v18+s4+$0x0], $0xffff;
	[tilespmem:s24+$0xC280] =	vst v17  }
0x354: {  	v17 =	vadd.s32 v3, v10;
	v19 =	vld.idx.msk [tilespmem:v19+s4+$0x0], $0xffff  }
0x355: {  	v20 =	vadd.s32 v2, v8  }
0x356: {  	s7 =	simm.s32 $0x5;
	v15 =	vld.idx.msk [tilespmem:v15+s4+$0x0], $0xffff;
	[tilespmem:s28+$0xC2B0] =	vst v12;
	v12 =	vshll.u32 v16, $0x7;
	v16 =	vmov s31  }
0x357: {  	s8 =	sand.u32 $0x70, s7;
	v21 =	vld.idx.msk [tilespmem:v11+s4+$0x0], $0xffff;
	v11 =	vperm.xlane v12, v16;
	v12 =	vadd.s32 v1, v9  }
0x358: {  	[tilespmem:s25+$0xC2A0] =	vst v18;
	v18 =	vadd.s32 v5, v14;
	v16 =	vld.idx.msk [tilespmem:v13+s8+$0x0 ss:$0x1], $0xffff  }
0x359: {  	s9 =	simm.s32 $0x6;
	v17 =	vld.idx.msk [tilespmem:v17+s4+$0x0], $0xffff;
	[tilespmem:s24+$0xC290] =	vst v19;
	v22 =	vadd.s32 v0, v11  }
0x35a: {  	s26 =	simm.s32 $0x180;
	s12 =	sand.u32 $0x70, s9;
	v19 =	vadd.s32 v4, v10;
	v20 =	vld.idx.msk [tilespmem:v20+s4+$0x0], $0xffff  }
0x35b: {  	v24 =	vld.idx.msk [tilespmem:v13+s12+$0x0 ss:$0x1], $0xffff;
	v23 =	vadd.s32 v3, v8;
	[tilespmem:s26+$0xC280] =	vst v15  }
0x35c: {  	v15 =	vld.idx.msk [tilespmem:v12+s4+$0x0], $0xffff;
	[tilespmem:s28+$0xC2C0] =	vst v21  }
0x35d: {  	v21 =	vadd.s32 v2, v9;
	v18 =	vld.idx.msk [tilespmem:v18+s4+$0x0], $0xffff  }
0x35e: {  	[tilespmem:s25+$0xC2B0] =	vst v17;
	v12 =	vshll.u32 v16, $0x7;
	v16 =	vmov s7;
	v17 =	vadd.s32 v6, v14;
	v22 =	vld.idx.msk [tilespmem:v22+s4+$0x0], $0xffff  }
0x35f: {  	s1 =	simm.s32 $0x7;
	v19 =	vld.idx.msk [tilespmem:v19+s4+$0x0], $0xffff;
	v12 =	vperm.xlane v12, v16;
	v16 =	vadd.s32 v1, v11;
	[tilespmem:s24+$0xC2A0] =	vst v20  }
0x360: {  	s31 =	sand.u32 $0x70, s1;
	v20 =	vadd.s32 v5, v10;
	v25 =	vld.idx.msk [tilespmem:v23+s4+$0x0], $0xffff  }
0x361: {  	v23 =	vadd.s32 v0, v12;
	[tilespmem:s26+$0xC290] =	vst v15;
	v15 =	vadd.s32 v7, v14;
	v14 =	vshll.u32 v24, $0x7;
	v24 =	vld.idx.msk [tilespmem:v13+s31+$0x0 ss:$0x1], $0xffff  }
0x362: {  	s29 =	simm.s32 $0x200;
	v27 =	vadd.s32 v4, v8;
	v26 =	vld.idx.msk [tilespmem:v21+s4+$0x0], $0xffff;
	[tilespmem:s28+$0xC2D0] =	vst v18  }
0x363: {  	[tilespmem:s29+$0xC280] =	vst v22;
	v63 =	vld.idx.msk [tilespmem:v17+s4+$0x0], $0xffff;
	v22 =	vadd.s32 v3, v9  }
0x364: {  	[tilespmem:s25+$0xC2C0] =	vst v19;
	v17 =	vld.idx.msk [tilespmem:v16+s4+$0x0], $0xffff  }
0x365: {  	v21 =	vadd.s32 v2, v11;
	v16 =	vld.idx.msk [tilespmem:v20+s4+$0x0], $0xffff  }
0x366: {  	v19 =	vadd.s32 v6, v10;
	v23 =	vld.idx.msk [tilespmem:v23+s4+$0x0], $0xffff;
	[tilespmem:s24+$0xC2B0] =	vst v25;
	v20 =	vmov s9  }
0x367: {  	s30 =	simm.s32 $0x1000;
	s0 =	simm.s32 $0xC00;
	v25 =	vadd.s32 v1, v12;
	v18 =	vld.idx.msk [tilespmem:v27+s4+$0x0], $0xffff;
	v14 =	vperm.xlane v14, v20;
	[tilespmem:s26+$0xC2A0] =	vst v26  }
0x368: {  	s12 =	simm.s32 $0xE00;
	s2 =	simm.s32 $0xA00;
	s7 =	simm.s32 $0x7;
	v20 =	vadd.s32 v5, v8;
	v22 =	vld.idx.msk [tilespmem:v22+s4+$0x0], $0xffff;
	[tilespmem:s28+$0xC2E0] =	vst v63  }
.LBB2_17:
0x369: {  	p0 =	sne.s32 s30, $0xDE00;
	v26 =	vadd.s32 v0, v14;
	[tilespmem:s29+$0xC290] =	vst v17;
	v27 =	vld.idx.msk [tilespmem:v15+s4+$0x0], $0xffff  }
0x36a: {  	s8 =	sshra.s32 s2, $0x2;
	v29 =	vadd.s32 v4, v9;
	s2 =	smov.u32 s0;
	s0 =	smov.u32 s12;
	v28 =	vld.idx.msk [tilespmem:v21+s4+$0x0], $0xffff;
	[tilespmem:s25+$0xC2D0] =	vst v16  }
0x36b: {  	s12 =	smov.u32 s30;
	[tilespmem:s8+$0xC280] =	vst v23;
	v30 =	vld.idx.msk [tilespmem:v19+s4+$0x0], $0xffff  }
0x36c: {  	v31 =	vadd.s32 v3, v11;
	v17 =	vld.idx.msk [tilespmem:v25+s4+$0x0], $0xffff;
	[tilespmem:s24+$0xC2C0] =	vst v18  }
.Ltmp7:
0x36d: {  	v15 =	vadd.s32 v7, v10;
	v10 =	vmovc v8;
	v8 =	vmovc v9;
	v9 =	vmov v11;
	v11 =	vmov v12;
	v16 =	vld.idx.msk [tilespmem:v20+s4+$0x0], $0xffff;
	(pc) =	sbr.rel @p0 .LBB2_17-.Ltmp7, $4  }
0x36e: {  	s1 =	sadd.s32 $0x1, s1;
	v12 =	vmov v14;
	v21 =	vadd.s32 v2, v11;
	v23 =	vld.idx.msk [tilespmem:v26+s4+$0x0], $0xffff;
	[tilespmem:s26+$0xC2B0] =	vst v22  }
0x36f: {  	s9 =	sand.u32 $0x70, s1;
	v19 =	vadd.s32 v6, v10;
	v14 =	vshll.u32 v24, $0x7;
	v20 =	vmov s7;
	v18 =	vld.idx.msk [tilespmem:v29+s4+$0x0], $0xffff;
	[tilespmem:s28+$0xC2F0] =	vst v27;
	s28 =	smov.u32 s25;
	s25 =	smov.u32 s24  }
0x370: {  	v25 =	vadd.s32 v1, v12;
	v14 =	vperm.xlane v14, v20;
	s24 =	smov.u32 s26;
	s26 =	smov.u32 s29;
	v24 =	vld.idx.msk [tilespmem:v13+s9+$0x0 ss:$0x1], $0xffff;
	[tilespmem:s29+$0xC2A0] =	vst v28;
	s29 =	smov.u32 s8  }
0x371: {  	s30 =	sadd.s32 $0x200, s30;
	s7 =	smov.u32 s1;
	v20 =	vadd.s32 v5, v8;
	v22 =	vld.idx.msk [tilespmem:v31+s4+$0x0], $0xffff;
	[tilespmem:s28+$0xC2E0] =	vst v30  }
0x372: {  	_ =	sdelay $0x2  }
0x373: {  	v29 =	vmov s7;
	v13 =	vshll.u32 v24, $0x7  }
0x374: {  	v13 =	vperm.xlane v13, v29  }
0x375: {  	v30 =	vadd.s32 v0, v14  }
0x376: {  	v26 =	vadd.s32 v0, v13;
	_ =	sdelay $0x3  }
0x377: {  	v24 =	vld.idx.msk [tilespmem:v30+s4+$0x0], $0xffff  }
0x378: {  	v27 =	vadd.s32 v1, v14;
	v26 =	vld.idx.msk [tilespmem:v26+s4+$0x0], $0xffff  }
0x379: {  	v28 =	vadd.s32 v1, v13  }
0x37a: {  	s1 =	sshra.s32 s2, $0x2  }
0x37b: {  	s0 =	sshra.s32 s0, $0x2;
	[tilespmem:s1+$0xC280] =	vst v23  }
0x37c: {  	s30 =	sshra.s32 s12, $0x2;
	v23 =	vld.idx.msk [tilespmem:v25+s4+$0x0], $0xffff;
	[tilespmem:s0+$0xC280] =	vst v24  }
0x37d: {  	v31 =	vadd.s32 v2, v12;
	v32 =	vld.idx.msk [tilespmem:v27+s4+$0x0], $0xffff;
	[tilespmem:s30+$0xC280] =	vst v26  }
0x37e: {  	v33 =	vadd.s32 v2, v14;
	v34 =	vld.idx.msk [tilespmem:v28+s4+$0x0], $0xffff  }
0x37f: {  	[tilespmem:s29+$0xC290] =	vst v17;
	v35 =	vadd.s32 v2, v13  }
0x380: {  	[tilespmem:s25+$0xC2D0] =	vst v16  }
0x381: {  	v36 =	vld.idx.msk [tilespmem:v21+s4+$0x0], $0xffff;
	[tilespmem:s1+$0xC290] =	vst v23  }
0x382: {  	v37 =	vadd.s32 v3, v11;
	v23 =	vld.idx.msk [tilespmem:v31+s4+$0x0], $0xffff;
	[tilespmem:s0+$0xC290] =	vst v32  }
0x383: {  	v38 =	vadd.s32 v3, v12;
	v25 =	vld.idx.msk [tilespmem:v33+s4+$0x0], $0xffff;
	[tilespmem:s30+$0xC290] =	vst v34  }
0x384: {  	v39 =	vadd.s32 v3, v14;
	[tilespmem:s24+$0xC2C0] =	vst v18;
	v17 =	vld.idx.msk [tilespmem:v35+s4+$0x0], $0xffff  }
0x385: {  	v15 =	vld.idx.msk [tilespmem:v15+s4+$0x0], $0xffff;
	[tilespmem:s26+$0xC2B0] =	vst v22;
	v40 =	vadd.s32 v3, v13  }
0x386: {  	v19 =	vld.idx.msk [tilespmem:v19+s4+$0x0], $0xffff;
	[tilespmem:s29+$0xC2A0] =	vst v36  }
0x387: {  	v41 =	vadd.s32 v4, v9;
	v21 =	vld.idx.msk [tilespmem:v37+s4+$0x0], $0xffff;
	[tilespmem:s1+$0xC2A0] =	vst v23  }
0x388: {  	v42 =	vadd.s32 v4, v11;
	v24 =	vld.idx.msk [tilespmem:v38+s4+$0x0], $0xffff;
	[tilespmem:s0+$0xC2A0] =	vst v25  }
0x389: {  	v43 =	vadd.s32 v4, v12;
	v18 =	vld.idx.msk [tilespmem:v39+s4+$0x0], $0xffff;
	[tilespmem:s30+$0xC2A0] =	vst v17  }
0x38a: {  	v44 =	vadd.s32 v4, v14;
	[tilespmem:s28+$0xC2F0] =	vst v15;
	v17 =	vld.idx.msk [tilespmem:v40+s4+$0x0], $0xffff  }
0x38b: {  	v20 =	vld.idx.msk [tilespmem:v20+s4+$0x0], $0xffff;
	[tilespmem:s25+$0xC2E0] =	vst v19;
	v45 =	vadd.s32 v4, v13  }
0x38c: {  	v10 =	vadd.s32 v7, v10;
	v16 =	vld.idx.msk [tilespmem:v41+s4+$0x0], $0xffff;
	[tilespmem:s29+$0xC2B0] =	vst v21  }
0x38d: {  	v46 =	vadd.s32 v5, v9;
	v47 =	vld.idx.msk [tilespmem:v42+s4+$0x0], $0xffff;
	[tilespmem:s1+$0xC2B0] =	vst v24  }
0x38e: {  	v48 =	vadd.s32 v5, v11;
	v24 =	vld.idx.msk [tilespmem:v43+s4+$0x0], $0xffff;
	[tilespmem:s0+$0xC2B0] =	vst v18  }
0x38f: {  	v49 =	vadd.s32 v5, v12;
	v15 =	vld.idx.msk [tilespmem:v44+s4+$0x0], $0xffff;
	[tilespmem:s30+$0xC2B0] =	vst v17  }
0x390: {  	v50 =	vadd.s32 v5, v14;
	[tilespmem:s24+$0xC2D0] =	vst v20;
	v19 =	vld.idx.msk [tilespmem:v45+s4+$0x0], $0xffff  }
0x391: {  	v51 =	vadd.s32 v5, v13;
	v10 =	vld.idx.msk [tilespmem:v10+s4+$0x0], $0xffff;
	[tilespmem:s26+$0xC2C0] =	vst v16  }
0x392: {  	v52 =	vadd.s32 v6, v8;
	v21 =	vld.idx.msk [tilespmem:v46+s4+$0x0], $0xffff;
	[tilespmem:s29+$0xC2C0] =	vst v47  }
0x393: {  	v53 =	vadd.s32 v6, v9;
	v23 =	vld.idx.msk [tilespmem:v48+s4+$0x0], $0xffff;
	[tilespmem:s1+$0xC2C0] =	vst v24  }
0x394: {  	v54 =	vadd.s32 v6, v11;
	v18 =	vld.idx.msk [tilespmem:v49+s4+$0x0], $0xffff;
	[tilespmem:s0+$0xC2C0] =	vst v15  }
0x395: {  	v55 =	vadd.s32 v6, v12;
	v17 =	vld.idx.msk [tilespmem:v50+s4+$0x0], $0xffff;
	[tilespmem:s30+$0xC2C0] =	vst v19  }
0x396: {  	v56 =	vadd.s32 v6, v14;
	[tilespmem:s25+$0xC2F0] =	vst v10;
	v16 =	vld.idx.msk [tilespmem:v51+s4+$0x0], $0xffff  }
0x397: {  	v58 =	vadd.s32 v6, v13;
	v57 =	vld.idx.msk [tilespmem:v52+s4+$0x0], $0xffff;
	[tilespmem:s26+$0xC2D0] =	vst v21  }
0x398: {  	v8 =	vadd.s32 v7, v8;
	v21 =	vld.idx.msk [tilespmem:v53+s4+$0x0], $0xffff;
	[tilespmem:s29+$0xC2D0] =	vst v23  }
0x399: {  	v59 =	vadd.s32 v7, v9;
	v60 =	vld.idx.msk [tilespmem:v54+s4+$0x0], $0xffff;
	[tilespmem:s1+$0xC2D0] =	vst v18  }
0x39a: {  	v61 =	vadd.s32 v7, v11;
	v15 =	vld.idx.msk [tilespmem:v55+s4+$0x0], $0xffff;
	[tilespmem:s0+$0xC2D0] =	vst v17  }
0x39b: {  	v62 =	vadd.s32 v7, v12;
	v10 =	vld.idx.msk [tilespmem:v56+s4+$0x0], $0xffff;
	[tilespmem:s30+$0xC2D0] =	vst v16  }
0x39c: {  	v63 =	vadd.s32 v7, v14;
	[tilespmem:s24+$0xC2E0] =	vst v57;
	v16 =	vld.idx.msk [tilespmem:v58+s4+$0x0], $0xffff  }
0x39d: {  	v13 =	vadd.s32 v7, v13;
	v8 =	vld.idx.msk [tilespmem:v8+s4+$0x0], $0xffff;
	[tilespmem:s26+$0xC2E0] =	vst v21  }
0x39e: {  	v9 =	vld.idx.msk [tilespmem:v59+s4+$0x0], $0xffff;
	[tilespmem:s29+$0xC2E0] =	vst v60  }
0x39f: {  	v11 =	vld.idx.msk [tilespmem:v61+s4+$0x0], $0xffff;
	[tilespmem:s1+$0xC2E0] =	vst v15  }
0x3a0: {  	v12 =	vld.idx.msk [tilespmem:v62+s4+$0x0], $0xffff;
	[tilespmem:s0+$0xC2E0] =	vst v10  }
0x3a1: {  	v10 =	vld.idx.msk [tilespmem:v63+s4+$0x0], $0xffff;
	[tilespmem:s30+$0xC2E0] =	vst v16  }
0x3a2: {  	s22 =	sadd.s32 $0x1, s22;
	[tilespmem:s24+$0xC2F0] =	vst v8;
	v8 =	vld.idx.msk [tilespmem:v13+s4+$0x0], $0xffff  }
0x3a3: {  	p0 =	sne.s32 s22, $0x7;
	s28 =	smul.u32 $0x70, s23;
	[tilespmem:s26+$0xC2F0] =	vst v9  }
.Ltmp8:
0x3a4: {  	[tilespmem:s29+$0xC2F0] =	vst v11;
	(pc) =	sbr.rel @p0 .LBB2_10-.Ltmp8, $4  }
0x3a5: {  	s29 =	sadd.s32 s5, s28;
	[tilespmem:s1+$0xC2F0] =	vst v12  }
0x3a6: {  	s31 =	sshll.u32 s29, $0x4;
	[tilespmem:s0+$0xC2F0] =	vst v10  }
0x3a7: {  	s0 =	sadd.s32 s3, s31;
	[tilespmem:s30+$0xC2F0] =	vst v8  }
0x3a8: {  	[hbm4b:s0+s4] =	stream.linear.scatter [tilespmem:s18], [sflag:$0x4], $0x3800, $0x38;
	[tilespmem:$0xFA80] =	vst v63  }
0x3a9: {  	_ =	swait.ge [sflag:s13], $0x3800  }
0x3aa: {  	[sflag:s13] =	ssyncset.done $0x0  }
0x3ab: {  	[sflag:s13] =	ssyncadd.s32 $0xFFFFC800  }
0x3ac: {  	_ =	swait.ge [sflag:s14], $0x3800  }
0x3ad: {  	[sflag:s14] =	ssyncset.done $0x0  }
0x3ae: {  	s21 =	sadd.s32 $0x1, s21;
	[sflag:s14] =	ssyncadd.s32 $0xFFFFC800  }
0x3af: {  	p0 =	sne.s32 s21, s11;
	_ =	swait.ge [sflag:s19], $0x3800  }
.Ltmp9:
0x3b0: {  	[sflag:s19] =	ssyncset.done $0x0;
	(pc) =	sbr.rel @p0 .LBB2_1-.Ltmp9, $4  }
0x3b1: {  	[sflag:s19] =	ssyncadd.s32 $0xFFFFC800  }
0x3b2: {  	_ =	swait.ge [sflag:s20], $0x3800  }
0x3b3: {  	[sflag:s20] =	ssyncset.done $0x0  }
0x3b4: {  	[sflag:s20] =	ssyncadd.s32 $0xFFFFC800  }
0x3b5: {  	_ =	sfence.sel $0x180000  }
0x3b6: {  	[bflag:$0x0] =	sbarrier.arrive $0xFFFF  }
0x3b7: {  	_ =	strace $0x90000047  }
0x3b8: {  	s0 =	stileid.u32;
	[bflag:$0x2] =	sbarrier.arrive $0xFFFF  }
0x3b9: {  	p0 =	sne.s32 s0, $0x0;
	s0 =	rddreg [dreg:$0x3]  }
0x3ba: {  	s0 =	sadd.s32 @!p0 $0x100000, s0  }
0x3bb: {  	[sflag:s0] =	ssyncadd.tile.s32 @!p0 $0x1;
	_ =	shalt  }
.Lfunc_end2:
_tile_overlayer_lowered:
.L_overlay_start_2:
0x3bc: {  	(tag) =	ssettag $0x2  }
0x3bd: {  	s0 =	rddreg [dreg:$0x0];
	s2 =	stileid.u32  }
0x3be: {  	s1 =	rddreg [dreg:$0x1];
	p0 =	sne.s32 s2, $0x0  }
0x3bf: {  	s3 =	rddreg [dreg:$0x2];
	[bflag:$0x3] =	sbarrier.arrive $0xFFFF;
	s2 =	simm.s32 @!p0 $0x1C05  }
0x3c0: {  	[timem:s3], [sflag:s2] =	dma.local @!p0 [hbm:s0], s1  }
0x3c1: {  	s0 =	simm.s32 @!p0 $0x5  }
0x3c2: {  	_ =	swait.ge @!p0 [sflag:s0], s1  }
0x3c3: {  	s1 =	ssub.s32 @!p0 $0x0, s1;
	[sflag:s0] =	ssyncset.done @!p0 $0x0  }
0x3c4: {  	[sflag:s0] =	ssyncadd.s32 @!p0 s1  }
0x3c5: {  	[bflag:$0x3] =	sbarrier.arrive $0xFFFF  }
0x3c6: {  	_ =	shalt  }

</sc_bundles>
